<compile_context>
chip_gen: v7x
topology: tpu7x:2x2x1
jax: 0.10.2.dev20260603
libtpu: 0.0.44.dev20260713+nightly
codegen_flags: <defaults>
</compile_context>

<pallas_src>
import functools

import jax
import jax.numpy as jnp
from jax import lax
from jax.experimental import pallas as pl
from jax.experimental.pallas import tpu as pltpu
from jax.experimental.pallas import tpu_sc as plsc

BATCH = 16384
SEQ = 26
D = 32
NW = 32
PER_B = BATCH // NW
NB = 32
NCH = PER_B // NB


def _gather_call(idx, table):
    mesh = plsc.VectorSubcoreMesh(core_axis_name="c", subcore_axis_name="s")

    @functools.partial(
        pl.kernel,
        mesh=mesh,
        out_type=jax.ShapeDtypeStruct((BATCH, SEQ, D), jnp.float32),
        scratch_types=[
            pltpu.VMEM((PER_B, SEQ), jnp.int32),
            pltpu.VMEM((NB, SEQ, D), jnp.float32),
            pltpu.VMEM((NB, SEQ, D), jnp.float32),
            pltpu.SemaphoreType.DMA,
            pltpu.SemaphoreType.DMA,
        ],
        compiler_params=pltpu.CompilerParams(use_tc_tiling_on_sc=False),
    )
    def k(idx_hbm, table_hbm, out_hbm, idx_v, buf_a, buf_b, sem_a, sem_b):
        wid = lax.axis_index("s") * 2 + lax.axis_index("c")
        b0 = wid * PER_B
        pltpu.sync_copy(idx_hbm.at[pl.ds(b0, PER_B)], idx_v)

        bufs = (buf_a, buf_b)
        sems = (sem_a, sem_b)

        def fire(c, buf, sem):
            def body(i, carry):
                pltpu.async_copy(
                    table_hbm.at[idx_v.at[c * NB + i]], buf.at[i], sem
                )
                return carry

            lax.fori_loop(0, NB, body, 0)

        fire(0, bufs[0], sems[0])
        for c in range(NCH):
            buf, sem = bufs[c % 2], sems[c % 2]
            if c + 1 < NCH:
                fire(c + 1, bufs[(c + 1) % 2], sems[(c + 1) % 2])
            dst = out_hbm.at[pl.ds(b0 + c * NB, NB)]
            pltpu.make_async_copy(dst, buf, sem).wait()
            pltpu.sync_copy(buf, dst)

    return k(idx, table)


def kernel(inputs, embeddings):
    return _gather_call(inputs.astype(jnp.int32), embeddings)

# --- scband reference (transcript-rebuilt; emitter-appended) ---
"""Pipeline reference for scband-embedding-dime-block-23725399343596 (READ-ONLY COPY).

The authoritative reference and input builder live on the scoring server;
editing this copy changes nothing except your own understanding.
"""

import jax, jax.numpy as jnp
import numpy as np

INPUT_DIM = 1000000
OUTPUT_DIM = 32

def setup_inputs(seed: int = 0) -> dict:
    key = jax.random.key(seed)
    k1, k2 = jax.random.split(key)
    inputs = jax.random.randint(k1, (16384, 26), 0, INPUT_DIM, dtype=jnp.int64 if jax.config.jax_enable_x64 else jnp.int32).astype(jnp.int32)
    # Keras 'uniform' initializer default: uniform(-0.05, 0.05); table shape (input_dim + 1, output_dim)
    embeddings = jax.random.uniform(k2, (INPUT_DIM + 1, OUTPUT_DIM), dtype=jnp.float32, minval=-0.05, maxval=0.05)
    return {"inputs": inputs, "embeddings": embeddings}

def reference(inputs, embeddings):
    # out = tf.gather(self.embeddings, tf.cast(inputs, tf.int32))
    idx = inputs.astype(jnp.int32)
    out = jnp.take(embeddings, idx, axis=0)
    return out

if __name__ == "__main__":
    import jax
    _d = setup_inputs()
    print(jax.jit(kernel)(*tuple(_d.values())))

</pallas_src>

<mosaic_0001>
#map = affine_map<(d0, d1) -> (0, 0)>
#map1 = affine_map<(d0, d1) -> (0, 0, 0)>
module attributes {stable_mosaic.version = 14 : i64} {
  func.func @k(%arg0: i32, %arg1: i32, %arg2: memref<16384x26xi32, #tpu.memory_space<hbm>>, %arg3: memref<1000001x32xf32, #tpu.memory_space<hbm>>, %arg4: memref<16384x26x32xf32, #tpu.memory_space<hbm>>, %arg5: memref<512x26xi32, #tpu.memory_space<vmem>>, %arg6: memref<32x26x32xf32, #tpu.memory_space<vmem>>, %arg7: memref<32x26x32xf32, #tpu.memory_space<vmem>>, %arg8: memref<!tpu.dma_semaphore, #tpu.memory_space<semaphore_mem>>, %arg9: memref<!tpu.dma_semaphore, #tpu.memory_space<semaphore_mem>>) attributes {dimension_semantics = [#tpu.dimension_semantics<core_parallel>, #tpu.dimension_semantics<subcore_parallel>], iteration_bounds = array<i64: 2, 16>, scalar_prefetch = 0 : i64, scratch_operands = 5 : i64, tpu.core_type = #tpu.core_type<sc_vector_subcore>, window_params = [{transform_indices = #map}, {transform_indices = #map}, {transform_indices = #map1}]} {
    %mul3A = arith.constant 2 : i32
    %mul3A_0 = arith.muli %arg1, %mul3A : i32
    %add3A = arith.addi %mul3A_0, %arg0 : i32
    %mul3A_1 = arith.constant 512 : i32
    %mul3A_2 = arith.muli %add3A, %mul3A_1 : i32
    "tpu.region"() ({
      %run_scoped3A = tpu.sem_alloc : memref<!tpu.dma_semaphore, #tpu.memory_space<semaphore_mem>>
      %dma_start3A = arith.constant 0 : i32
      %dma_start3A_225 = tpu.memref_slice %arg2[%mul3A_2, %dma_start3A] : memref<16384x26xi32, #tpu.memory_space<hbm>> -> memref<512x26xi32, #tpu.memory_space<hbm>>
      %dma_start3A_226 = arith.constant 0 : i32
      %dma_start3A_227 = tpu.memref_slice %arg2[%mul3A_2, %dma_start3A_226] : memref<16384x26xi32, #tpu.memory_space<hbm>> -> memref<512x26xi32, #tpu.memory_space<hbm>>
      tpu.enqueue_dma source(%dma_start3A_227 : memref<512x26xi32, #tpu.memory_space<hbm>>) target(%arg5 : memref<512x26xi32, #tpu.memory_space<vmem>>) target_semaphore(%run_scoped3A : memref<!tpu.dma_semaphore, #tpu.memory_space<semaphore_mem>>)
      %dma_wait3A_228 = arith.constant 0 : i32
      %dma_wait3A_229 = tpu.memref_slice %arg2[%mul3A_2, %dma_wait3A_228] : memref<16384x26xi32, #tpu.memory_space<hbm>> -> memref<512x26xi32, #tpu.memory_space<hbm>>
      %dma_wait3A_230 = arith.constant 0 : i32
      %dma_wait3A_231 = tpu.memref_slice %arg2[%mul3A_2, %dma_wait3A_230] : memref<16384x26xi32, #tpu.memory_space<hbm>> -> memref<512x26xi32, #tpu.memory_space<hbm>>
      tpu.wait_dma2 semaphore(%run_scoped3A : memref<!tpu.dma_semaphore, #tpu.memory_space<semaphore_mem>>) src(%dma_wait3A_231 : memref<512x26xi32, #tpu.memory_space<hbm>>) dst(%arg5 : memref<512x26xi32, #tpu.memory_space<vmem>>)
      tpu.yield
    }) : () -> ()
    %scan3A = arith.constant 0 : i32
    %scan3A_3 = arith.constant 0 : i32
    %scan3A_4 = arith.constant 32 : i32
    %scan3A_5 = arith.addi %scan3A_3, %scan3A_4 : i32
    %scan3A_6 = arith.constant 1 : i32
    scf.for %scan3A_225 = %scan3A_3 to %scan3A_5 step %scan3A_6  : i32 {
      %add3A_226 = arith.constant 0 : i32
      %add3A_227 = arith.addi %add3A_226, %scan3A_225 : i32
      %dma_start3A = arith.constant 0 : i32
      %dma_start3A_228 = arith.constant 0 : i32
      %dma_start3A_229 = tpu.memref_slice %arg6[%scan3A_225, %dma_start3A, %dma_start3A_228] : memref<32x26x32xf32, #tpu.memory_space<vmem>> -> memref<1x26x32xf32, #tpu.memory_space<vmem>>
      %dma_start3A_230 = tpu.memref_squeeze %dma_start3A_229 : memref<1x26x32xf32, #tpu.memory_space<vmem>> -> memref<26x32xf32, #tpu.memory_space<vmem>>
      %dma_start3A_231 = arith.constant 0 : i32
      %dma_start3A_232 = tpu.memref_slice %arg5[%add3A_227, %dma_start3A_231] : memref<512x26xi32, #tpu.memory_space<vmem>> -> memref<1x26xi32, #tpu.memory_space<vmem>>
      %dma_start3A_233 = tpu.memref_squeeze %dma_start3A_232 : memref<1x26xi32, #tpu.memory_space<vmem>> -> memref<26xi32, #tpu.memory_space<vmem>>
      %dma_start3A_234 = arith.constant 0 : i32
      %dma_start3A_235 = arith.constant 0 : i32
      %dma_start3A_236 = tpu.memref_slice %arg3[%dma_start3A_234, %dma_start3A_235] : memref<1000001x32xf32, #tpu.memory_space<hbm>> -> memref<1000001x32xf32, #tpu.memory_space<hbm>>
      tpu.enqueue_indirect_dma source(%dma_start3A_236 : memref<1000001x32xf32, #tpu.memory_space<hbm>>) target(%dma_start3A_230 : memref<26x32xf32, #tpu.memory_space<vmem>>) offsets(%dma_start3A_233 : memref<26xi32, #tpu.memory_space<vmem>>) semaphore(%arg8 : memref<!tpu.dma_semaphore, #tpu.memory_space<semaphore_mem>>)
    }
    %scan3A_7 = arith.constant 32 : i32
    %scan3A_8 = arith.constant 0 : i32
    %scan3A_9 = arith.constant 0 : i32
    %scan3A_10 = arith.constant 32 : i32
    %scan3A_11 = arith.addi %scan3A_9, %scan3A_10 : i32
    %scan3A_12 = arith.constant 1 : i32
    scf.for %scan3A_225 = %scan3A_9 to %scan3A_11 step %scan3A_12  : i32 {
      %add3A_226 = arith.constant 32 : i32
      %add3A_227 = arith.addi %add3A_226, %scan3A_225 : i32
      %dma_start3A = arith.constant 0 : i32
      %dma_start3A_228 = arith.constant 0 : i32
      %dma_start3A_229 = tpu.memref_slice %arg7[%scan3A_225, %dma_start3A, %dma_start3A_228] : memref<32x26x32xf32, #tpu.memory_space<vmem>> -> memref<1x26x32xf32, #tpu.memory_space<vmem>>
      %dma_start3A_230 = tpu.memref_squeeze %dma_start3A_229 : memref<1x26x32xf32, #tpu.memory_space<vmem>> -> memref<26x32xf32, #tpu.memory_space<vmem>>
      %dma_start3A_231 = arith.constant 0 : i32
      %dma_start3A_232 = tpu.memref_slice %arg5[%add3A_227, %dma_start3A_231] : memref<512x26xi32, #tpu.memory_space<vmem>> -> memref<1x26xi32, #tpu.memory_space<vmem>>
      %dma_start3A_233 = tpu.memref_squeeze %dma_start3A_232 : memref<1x26xi32, #tpu.memory_space<vmem>> -> memref<26xi32, #tpu.memory_space<vmem>>
      %dma_start3A_234 = arith.constant 0 : i32
      %dma_start3A_235 = arith.constant 0 : i32
      %dma_start3A_236 = tpu.memref_slice %arg3[%dma_start3A_234, %dma_start3A_235] : memref<1000001x32xf32, #tpu.memory_space<hbm>> -> memref<1000001x32xf32, #tpu.memory_space<hbm>>
      tpu.enqueue_indirect_dma source(%dma_start3A_236 : memref<1000001x32xf32, #tpu.memory_space<hbm>>) target(%dma_start3A_230 : memref<26x32xf32, #tpu.memory_space<vmem>>) offsets(%dma_start3A_233 : memref<26xi32, #tpu.memory_space<vmem>>) semaphore(%arg9 : memref<!tpu.dma_semaphore, #tpu.memory_space<semaphore_mem>>)
    }
    %scan3A_13 = arith.constant 32 : i32
    %add3A_14 = arith.constant 0 : i32
    %add3A_15 = arith.addi %mul3A_2, %add3A_14 : i32
    %dma_wait3A = arith.constant 0 : i32
    %dma_wait3A_16 = arith.constant 0 : i32
    %dma_wait3A_17 = tpu.memref_slice %arg4[%add3A_15, %dma_wait3A, %dma_wait3A_16] : memref<16384x26x32xf32, #tpu.memory_space<hbm>> -> memref<32x26x32xf32, #tpu.memory_space<hbm>>
    %dma_wait3A_18 = arith.constant 0 : i32
    %dma_wait3A_19 = arith.constant 0 : i32
    %dma_wait3A_20 = tpu.memref_slice %arg4[%add3A_15, %dma_wait3A_18, %dma_wait3A_19] : memref<16384x26x32xf32, #tpu.memory_space<hbm>> -> memref<32x26x32xf32, #tpu.memory_space<hbm>>
    tpu.wait_dma2 semaphore(%arg8 : memref<!tpu.dma_semaphore, #tpu.memory_space<semaphore_mem>>) src(%dma_wait3A_20 : memref<32x26x32xf32, #tpu.memory_space<hbm>>) dst(%arg6 : memref<32x26x32xf32, #tpu.memory_space<vmem>>)
    "tpu.region"() ({
      %run_scoped3A = tpu.sem_alloc : memref<!tpu.dma_semaphore, #tpu.memory_space<semaphore_mem>>
      %dma_start3A = arith.constant 0 : i32
      %dma_start3A_225 = arith.constant 0 : i32
      %dma_start3A_226 = tpu.memref_slice %arg4[%add3A_15, %dma_start3A, %dma_start3A_225] : memref<16384x26x32xf32, #tpu.memory_space<hbm>> -> memref<32x26x32xf32, #tpu.memory_space<hbm>>
      %dma_start3A_227 = arith.constant 0 : i32
      %dma_start3A_228 = arith.constant 0 : i32
      %dma_start3A_229 = tpu.memref_slice %arg4[%add3A_15, %dma_start3A_227, %dma_start3A_228] : memref<16384x26x32xf32, #tpu.memory_space<hbm>> -> memref<32x26x32xf32, #tpu.memory_space<hbm>>
      tpu.enqueue_dma source(%arg6 : memref<32x26x32xf32, #tpu.memory_space<vmem>>) target(%dma_start3A_229 : memref<32x26x32xf32, #tpu.memory_space<hbm>>) target_semaphore(%run_scoped3A : memref<!tpu.dma_semaphore, #tpu.memory_space<semaphore_mem>>)
      %dma_wait3A_230 = arith.constant 0 : i32
      %dma_wait3A_231 = arith.constant 0 : i32
      %dma_wait3A_232 = tpu.memref_slice %arg4[%add3A_15, %dma_wait3A_230, %dma_wait3A_231] : memref<16384x26x32xf32, #tpu.memory_space<hbm>> -> memref<32x26x32xf32, #tpu.memory_space<hbm>>
      %dma_wait3A_233 = arith.constant 0 : i32
      %dma_wait3A_234 = arith.constant 0 : i32
      %dma_wait3A_235 = tpu.memref_slice %arg4[%add3A_15, %dma_wait3A_233, %dma_wait3A_234] : memref<16384x26x32xf32, #tpu.memory_space<hbm>> -> memref<32x26x32xf32, #tpu.memory_space<hbm>>
      tpu.wait_dma2 semaphore(%run_scoped3A : memref<!tpu.dma_semaphore, #tpu.memory_space<semaphore_mem>>) src(%arg6 : memref<32x26x32xf32, #tpu.memory_space<vmem>>) dst(%dma_wait3A_235 : memref<32x26x32xf32, #tpu.memory_space<hbm>>)
      tpu.yield
    }) : () -> ()
    %scan3A_21 = arith.constant 0 : i32
    %scan3A_22 = arith.constant 0 : i32
    %scan3A_23 = arith.constant 32 : i32
    %scan3A_24 = arith.addi %scan3A_22, %scan3A_23 : i32
    %scan3A_25 = arith.constant 1 : i32
    scf.for %scan3A_225 = %scan3A_22 to %scan3A_24 step %scan3A_25  : i32 {
      %add3A_226 = arith.constant 64 : i32
      %add3A_227 = arith.addi %add3A_226, %scan3A_225 : i32
      %dma_start3A = arith.constant 0 : i32
      %dma_start3A_228 = arith.constant 0 : i32
      %dma_start3A_229 = tpu.memref_slice %arg6[%scan3A_225, %dma_start3A, %dma_start3A_228] : memref<32x26x32xf32, #tpu.memory_space<vmem>> -> memref<1x26x32xf32, #tpu.memory_space<vmem>>
      %dma_start3A_230 = tpu.memref_squeeze %dma_start3A_229 : memref<1x26x32xf32, #tpu.memory_space<vmem>> -> memref<26x32xf32, #tpu.memory_space<vmem>>
      %dma_start3A_231 = arith.constant 0 : i32
      %dma_start3A_232 = tpu.memref_slice %arg5[%add3A_227, %dma_start3A_231] : memref<512x26xi32, #tpu.memory_space<vmem>> -> memref<1x26xi32, #tpu.memory_space<vmem>>
      %dma_start3A_233 = tpu.memref_squeeze %dma_start3A_232 : memref<1x26xi32, #tpu.memory_space<vmem>> -> memref<26xi32, #tpu.memory_space<vmem>>
      %dma_start3A_234 = arith.constant 0 : i32
      %dma_start3A_235 = arith.constant 0 : i32
      %dma_start3A_236 = tpu.memref_slice %arg3[%dma_start3A_234, %dma_start3A_235] : memref<1000001x32xf32, #tpu.memory_space<hbm>> -> memref<1000001x32xf32, #tpu.memory_space<hbm>>
      tpu.enqueue_indirect_dma source(%dma_start3A_236 : memref<1000001x32xf32, #tpu.memory_space<hbm>>) target(%dma_start3A_230 : memref<26x32xf32, #tpu.memory_space<vmem>>) offsets(%dma_start3A_233 : memref<26xi32, #tpu.memory_space<vmem>>) semaphore(%arg8 : memref<!tpu.dma_semaphore, #tpu.memory_space<semaphore_mem>>)
    }
    %scan3A_26 = arith.constant 32 : i32
    %add3A_27 = arith.constant 32 : i32
    %add3A_28 = arith.addi %mul3A_2, %add3A_27 : i32
    %dma_wait3A_29 = arith.constant 0 : i32
    %dma_wait3A_30 = arith.constant 0 : i32
    %dma_wait3A_31 = tpu.memref_slice %arg4[%add3A_28, %dma_wait3A_29, %dma_wait3A_30] : memref<16384x26x32xf32, #tpu.memory_space<hbm>> -> memref<32x26x32xf32, #tpu.memory_space<hbm>>
    %dma_wait3A_32 = arith.constant 0 : i32
    %dma_wait3A_33 = arith.constant 0 : i32
    %dma_wait3A_34 = tpu.memref_slice %arg4[%add3A_28, %dma_wait3A_32, %dma_wait3A_33] : memref<16384x26x32xf32, #tpu.memory_space<hbm>> -> memref<32x26x32xf32, #tpu.memory_space<hbm>>
    tpu.wait_dma2 semaphore(%arg9 : memref<!tpu.dma_semaphore, #tpu.memory_space<semaphore_mem>>) src(%dma_wait3A_34 : memref<32x26x32xf32, #tpu.memory_space<hbm>>) dst(%arg7 : memref<32x26x32xf32, #tpu.memory_space<vmem>>)
    "tpu.region"() ({
      %run_scoped3A = tpu.sem_alloc : memref<!tpu.dma_semaphore, #tpu.memory_space<semaphore_mem>>
      %dma_start3A = arith.constant 0 : i32
      %dma_start3A_225 = arith.constant 0 : i32
      %dma_start3A_226 = tpu.memref_slice %arg4[%add3A_28, %dma_start3A, %dma_start3A_225] : memref<16384x26x32xf32, #tpu.memory_space<hbm>> -> memref<32x26x32xf32, #tpu.memory_space<hbm>>
      %dma_start3A_227 = arith.constant 0 : i32
      %dma_start3A_228 = arith.constant 0 : i32
      %dma_start3A_229 = tpu.memref_slice %arg4[%add3A_28, %dma_start3A_227, %dma_start3A_228] : memref<16384x26x32xf32, #tpu.memory_space<hbm>> -> memref<32x26x32xf32, #tpu.memory_space<hbm>>
      tpu.enqueue_dma source(%arg7 : memref<32x26x32xf32, #tpu.memory_space<vmem>>) target(%dma_start3A_229 : memref<32x26x32xf32, #tpu.memory_space<hbm>>) target_semaphore(%run_scoped3A : memref<!tpu.dma_semaphore, #tpu.memory_space<semaphore_mem>>)
      %dma_wait3A_230 = arith.constant 0 : i32
      %dma_wait3A_231 = arith.constant 0 : i32
      %dma_wait3A_232 = tpu.memref_slice %arg4[%add3A_28, %dma_wait3A_230, %dma_wait3A_231] : memref<16384x26x32xf32, #tpu.memory_space<hbm>> -> memref<32x26x32xf32, #tpu.memory_space<hbm>>
      %dma_wait3A_233 = arith.constant 0 : i32
      %dma_wait3A_234 = arith.constant 0 : i32
      %dma_wait3A_235 = tpu.memref_slice %arg4[%add3A_28, %dma_wait3A_233, %dma_wait3A_234] : memref<16384x26x32xf32, #tpu.memory_space<hbm>> -> memref<32x26x32xf32, #tpu.memory_space<hbm>>
      tpu.wait_dma2 semaphore(%run_scoped3A : memref<!tpu.dma_semaphore, #tpu.memory_space<semaphore_mem>>) src(%arg7 : memref<32x26x32xf32, #tpu.memory_space<vmem>>) dst(%dma_wait3A_235 : memref<32x26x32xf32, #tpu.memory_space<hbm>>)
      tpu.yield
    }) : () -> ()
    %scan3A_35 = arith.constant 0 : i32
    %scan3A_36 = arith.constant 0 : i32
    %scan3A_37 = arith.constant 32 : i32
    %scan3A_38 = arith.addi %scan3A_36, %scan3A_37 : i32
    %scan3A_39 = arith.constant 1 : i32
    scf.for %scan3A_225 = %scan3A_36 to %scan3A_38 step %scan3A_39  : i32 {
      %add3A_226 = arith.constant 96 : i32
      %add3A_227 = arith.addi %add3A_226, %scan3A_225 : i32
      %dma_start3A = arith.constant 0 : i32
      %dma_start3A_228 = arith.constant 0 : i32
      %dma_start3A_229 = tpu.memref_slice %arg7[%scan3A_225, %dma_start3A, %dma_start3A_228] : memref<32x26x32xf32, #tpu.memory_space<vmem>> -> memref<1x26x32xf32, #tpu.memory_space<vmem>>
      %dma_start3A_230 = tpu.memref_squeeze %dma_start3A_229 : memref<1x26x32xf32, #tpu.memory_space<vmem>> -> memref<26x32xf32, #tpu.memory_space<vmem>>
      %dma_start3A_231 = arith.constant 0 : i32
      %dma_start3A_232 = tpu.memref_slice %arg5[%add3A_227, %dma_start3A_231] : memref<512x26xi32, #tpu.memory_space<vmem>> -> memref<1x26xi32, #tpu.memory_space<vmem>>
      %dma_start3A_233 = tpu.memref_squeeze %dma_start3A_232 : memref<1x26xi32, #tpu.memory_space<vmem>> -> memref<26xi32, #tpu.memory_space<vmem>>
      %dma_start3A_234 = arith.constant 0 : i32
      %dma_start3A_235 = arith.constant 0 : i32
      %dma_start3A_236 = tpu.memref_slice %arg3[%dma_start3A_234, %dma_start3A_235] : memref<1000001x32xf32, #tpu.memory_space<hbm>> -> memref<1000001x32xf32, #tpu.memory_space<hbm>>
      tpu.enqueue_indirect_dma source(%dma_start3A_236 : memref<1000001x32xf32, #tpu.memory_space<hbm>>) target(%dma_start3A_230 : memref<26x32xf32, #tpu.memory_space<vmem>>) offsets(%dma_start3A_233 : memref<26xi32, #tpu.memory_space<vmem>>) semaphore(%arg9 : memref<!tpu.dma_semaphore, #tpu.memory_space<semaphore_mem>>)
    }
    %scan3A_40 = arith.constant 32 : i32
    %add3A_41 = arith.constant 64 : i32
    %add3A_42 = arith.addi %mul3A_2, %add3A_41 : i32
    %dma_wait3A_43 = arith.constant 0 : i32
    %dma_wait3A_44 = arith.constant 0 : i32
    %dma_wait3A_45 = tpu.memref_slice %arg4[%add3A_42, %dma_wait3A_43, %dma_wait3A_44] : memref<16384x26x32xf32, #tpu.memory_space<hbm>> -> memref<32x26x32xf32, #tpu.memory_space<hbm>>
    %dma_wait3A_46 = arith.constant 0 : i32
    %dma_wait3A_47 = arith.constant 0 : i32
    %dma_wait3A_48 = tpu.memref_slice %arg4[%add3A_42, %dma_wait3A_46, %dma_wait3A_47] : memref<16384x26x32xf32, #tpu.memory_space<hbm>> -> memref<32x26x32xf32, #tpu.memory_space<hbm>>
    tpu.wait_dma2 semaphore(%arg8 : memref<!tpu.dma_semaphore, #tpu.memory_space<semaphore_mem>>) src(%dma_wait3A_48 : memref<32x26x32xf32, #tpu.memory_space<hbm>>) dst(%arg6 : memref<32x26x32xf32, #tpu.memory_space<vmem>>)
    "tpu.region"() ({
      %run_scoped3A = tpu.sem_alloc : memref<!tpu.dma_semaphore, #tpu.memory_space<semaphore_mem>>
      %dma_start3A = arith.constant 0 : i32
      %dma_start3A_225 = arith.constant 0 : i32
      %dma_start3A_226 = tpu.memref_slice %arg4[%add3A_42, %dma_start3A, %dma_start3A_225] : memref<16384x26x32xf32, #tpu.memory_space<hbm>> -> memref<32x26x32xf32, #tpu.memory_space<hbm>>
      %dma_start3A_227 = arith.constant 0 : i32
      %dma_start3A_228 = arith.constant 0 : i32
      %dma_start3A_229 = tpu.memref_slice %arg4[%add3A_42, %dma_start3A_227, %dma_start3A_228] : memref<16384x26x32xf32, #tpu.memory_space<hbm>> -> memref<32x26x32xf32, #tpu.memory_space<hbm>>
      tpu.enqueue_dma source(%arg6 : memref<32x26x32xf32, #tpu.memory_space<vmem>>) target(%dma_start3A_229 : memref<32x26x32xf32, #tpu.memory_space<hbm>>) target_semaphore(%run_scoped3A : memref<!tpu.dma_semaphore, #tpu.memory_space<semaphore_mem>>)
      %dma_wait3A_230 = arith.constant 0 : i32
      %dma_wait3A_231 = arith.constant 0 : i32
      %dma_wait3A_232 = tpu.memref_slice %arg4[%add3A_42, %dma_wait3A_230, %dma_wait3A_231] : memref<16384x26x32xf32, #tpu.memory_space<hbm>> -> memref<32x26x32xf32, #tpu.memory_space<hbm>>
      %dma_wait3A_233 = arith.constant 0 : i32
      %dma_wait3A_234 = arith.constant 0 : i32
      %dma_wait3A_235 = tpu.memref_slice %arg4[%add3A_42, %dma_wait3A_233, %dma_wait3A_234] : memref<16384x26x32xf32, #tpu.memory_space<hbm>> -> memref<32x26x32xf32, #tpu.memory_space<hbm>>
      tpu.wait_dma2 semaphore(%run_scoped3A : memref<!tpu.dma_semaphore, #tpu.memory_space<semaphore_mem>>) src(%arg6 : memref<32x26x32xf32, #tpu.memory_space<vmem>>) dst(%dma_wait3A_235 : memref<32x26x32xf32, #tpu.memory_space<hbm>>)
      tpu.yield
    }) : () -> ()
    %scan3A_49 = arith.constant 0 : i32
    %scan3A_50 = arith.constant 0 : i32
    %scan3A_51 = arith.constant 32 : i32
    %scan3A_52 = arith.addi %scan3A_50, %scan3A_51 : i32
    %scan3A_53 = arith.constant 1 : i32
    scf.for %scan3A_225 = %scan3A_50 to %scan3A_52 step %scan3A_53  : i32 {
      %add3A_226 = arith.constant 128 : i32
      %add3A_227 = arith.addi %add3A_226, %scan3A_225 : i32
      %dma_start3A = arith.constant 0 : i32
      %dma_start3A_228 = arith.constant 0 : i32
      %dma_start3A_229 = tpu.memref_slice %arg6[%scan3A_225, %dma_start3A, %dma_start3A_228] : memref<32x26x32xf32, #tpu.memory_space<vmem>> -> memref<1x26x32xf32, #tpu.memory_space<vmem>>
      %dma_start3A_230 = tpu.memref_squeeze %dma_start3A_229 : memref<1x26x32xf32, #tpu.memory_space<vmem>> -> memref<26x32xf32, #tpu.memory_space<vmem>>
      %dma_start3A_231 = arith.constant 0 : i32
      %dma_start3A_232 = tpu.memref_slice %arg5[%add3A_227, %dma_start3A_231] : memref<512x26xi32, #tpu.memory_space<vmem>> -> memref<1x26xi32, #tpu.memory_space<vmem>>
      %dma_start3A_233 = tpu.memref_squeeze %dma_start3A_232 : memref<1x26xi32, #tpu.memory_space<vmem>> -> memref<26xi32, #tpu.memory_space<vmem>>
      %dma_start3A_234 = arith.constant 0 : i32
      %dma_start3A_235 = arith.constant 0 : i32
      %dma_start3A_236 = tpu.memref_slice %arg3[%dma_start3A_234, %dma_start3A_235] : memref<1000001x32xf32, #tpu.memory_space<hbm>> -> memref<1000001x32xf32, #tpu.memory_space<hbm>>
      tpu.enqueue_indirect_dma source(%dma_start3A_236 : memref<1000001x32xf32, #tpu.memory_space<hbm>>) target(%dma_start3A_230 : memref<26x32xf32, #tpu.memory_space<vmem>>) offsets(%dma_start3A_233 : memref<26xi32, #tpu.memory_space<vmem>>) semaphore(%arg8 : memref<!tpu.dma_semaphore, #tpu.memory_space<semaphore_mem>>)
    }
    %scan3A_54 = arith.constant 32 : i32
    %add3A_55 = arith.constant 96 : i32
    %add3A_56 = arith.addi %mul3A_2, %add3A_55 : i32
    %dma_wait3A_57 = arith.constant 0 : i32
    %dma_wait3A_58 = arith.constant 0 : i32
    %dma_wait3A_59 = tpu.memref_slice %arg4[%add3A_56, %dma_wait3A_57, %dma_wait3A_58] : memref<16384x26x32xf32, #tpu.memory_space<hbm>> -> memref<32x26x32xf32, #tpu.memory_space<hbm>>
    %dma_wait3A_60 = arith.constant 0 : i32
    %dma_wait3A_61 = arith.constant 0 : i32
    %dma_wait3A_62 = tpu.memref_slice %arg4[%add3A_56, %dma_wait3A_60, %dma_wait3A_61] : memref<16384x26x32xf32, #tpu.memory_space<hbm>> -> memref<32x26x32xf32, #tpu.memory_space<hbm>>
    tpu.wait_dma2 semaphore(%arg9 : memref<!tpu.dma_semaphore, #tpu.memory_space<semaphore_mem>>) src(%dma_wait3A_62 : memref<32x26x32xf32, #tpu.memory_space<hbm>>) dst(%arg7 : memref<32x26x32xf32, #tpu.memory_space<vmem>>)
    "tpu.region"() ({
      %run_scoped3A = tpu.sem_alloc : memref<!tpu.dma_semaphore, #tpu.memory_space<semaphore_mem>>
      %dma_start3A = arith.constant 0 : i32
      %dma_start3A_225 = arith.constant 0 : i32
      %dma_start3A_226 = tpu.memref_slice %arg4[%add3A_56, %dma_start3A, %dma_start3A_225] : memref<16384x26x32xf32, #tpu.memory_space<hbm>> -> memref<32x26x32xf32, #tpu.memory_space<hbm>>
      %dma_start3A_227 = arith.constant 0 : i32
      %dma_start3A_228 = arith.constant 0 : i32
      %dma_start3A_229 = tpu.memref_slice %arg4[%add3A_56, %dma_start3A_227, %dma_start3A_228] : memref<16384x26x32xf32, #tpu.memory_space<hbm>> -> memref<32x26x32xf32, #tpu.memory_space<hbm>>
      tpu.enqueue_dma source(%arg7 : memref<32x26x32xf32, #tpu.memory_space<vmem>>) target(%dma_start3A_229 : memref<32x26x32xf32, #tpu.memory_space<hbm>>) target_semaphore(%run_scoped3A : memref<!tpu.dma_semaphore, #tpu.memory_space<semaphore_mem>>)
      %dma_wait3A_230 = arith.constant 0 : i32
      %dma_wait3A_231 = arith.constant 0 : i32
      %dma_wait3A_232 = tpu.memref_slice %arg4[%add3A_56, %dma_wait3A_230, %dma_wait3A_231] : memref<16384x26x32xf32, #tpu.memory_space<hbm>> -> memref<32x26x32xf32, #tpu.memory_space<hbm>>
      %dma_wait3A_233 = arith.constant 0 : i32
      %dma_wait3A_234 = arith.constant 0 : i32
      %dma_wait3A_235 = tpu.memref_slice %arg4[%add3A_56, %dma_wait3A_233, %dma_wait3A_234] : memref<16384x26x32xf32, #tpu.memory_space<hbm>> -> memref<32x26x32xf32, #tpu.memory_space<hbm>>
      tpu.wait_dma2 semaphore(%run_scoped3A : memref<!tpu.dma_semaphore, #tpu.memory_space<semaphore_mem>>) src(%arg7 : memref<32x26x32xf32, #tpu.memory_space<vmem>>) dst(%dma_wait3A_235 : memref<32x26x32xf32, #tpu.memory_space<hbm>>)
      tpu.yield
    }) : () -> ()
    %scan3A_63 = arith.constant 0 : i32
    %scan3A_64 = arith.constant 0 : i32
    %scan3A_65 = arith.constant 32 : i32
    %scan3A_66 = arith.addi %scan3A_64, %scan3A_65 : i32
    %scan3A_67 = arith.constant 1 : i32
    scf.for %scan3A_225 = %scan3A_64 to %scan3A_66 step %scan3A_67  : i32 {
      %add3A_226 = arith.constant 160 : i32
      %add3A_227 = arith.addi %add3A_226, %scan3A_225 : i32
      %dma_start3A = arith.constant 0 : i32
      %dma_start3A_228 = arith.constant 0 : i32
      %dma_start3A_229 = tpu.memref_slice %arg7[%scan3A_225, %dma_start3A, %dma_start3A_228] : memref<32x26x32xf32, #tpu.memory_space<vmem>> -> memref<1x26x32xf32, #tpu.memory_space<vmem>>
      %dma_start3A_230 = tpu.memref_squeeze %dma_start3A_229 : memref<1x26x32xf32, #tpu.memory_space<vmem>> -> memref<26x32xf32, #tpu.memory_space<vmem>>
      %dma_start3A_231 = arith.constant 0 : i32
      %dma_start3A_232 = tpu.memref_slice %arg5[%add3A_227, %dma_start3A_231] : memref<512x26xi32, #tpu.memory_space<vmem>> -> memref<1x26xi32, #tpu.memory_space<vmem>>
      %dma_start3A_233 = tpu.memref_squeeze %dma_start3A_232 : memref<1x26xi32, #tpu.memory_space<vmem>> -> memref<26xi32, #tpu.memory_space<vmem>>
      %dma_start3A_234 = arith.constant 0 : i32
      %dma_start3A_235 = arith.constant 0 : i32
      %dma_start3A_236 = tpu.memref_slice %arg3[%dma_start3A_234, %dma_start3A_235] : memref<1000001x32xf32, #tpu.memory_space<hbm>> -> memref<1000001x32xf32, #tpu.memory_space<hbm>>
      tpu.enqueue_indirect_dma source(%dma_start3A_236 : memref<1000001x32xf32, #tpu.memory_space<hbm>>) target(%dma_start3A_230 : memref<26x32xf32, #tpu.memory_space<vmem>>) offsets(%dma_start3A_233 : memref<26xi32, #tpu.memory_space<vmem>>) semaphore(%arg9 : memref<!tpu.dma_semaphore, #tpu.memory_space<semaphore_mem>>)
    }
    %scan3A_68 = arith.constant 32 : i32
    %add3A_69 = arith.constant 128 : i32
    %add3A_70 = arith.addi %mul3A_2, %add3A_69 : i32
    %dma_wait3A_71 = arith.constant 0 : i32
    %dma_wait3A_72 = arith.constant 0 : i32
    %dma_wait3A_73 = tpu.memref_slice %arg4[%add3A_70, %dma_wait3A_71, %dma_wait3A_72] : memref<16384x26x32xf32, #tpu.memory_space<hbm>> -> memref<32x26x32xf32, #tpu.memory_space<hbm>>
    %dma_wait3A_74 = arith.constant 0 : i32
    %dma_wait3A_75 = arith.constant 0 : i32
    %dma_wait3A_76 = tpu.memref_slice %arg4[%add3A_70, %dma_wait3A_74, %dma_wait3A_75] : memref<16384x26x32xf32, #tpu.memory_space<hbm>> -> memref<32x26x32xf32, #tpu.memory_space<hbm>>
    tpu.wait_dma2 semaphore(%arg8 : memref<!tpu.dma_semaphore, #tpu.memory_space<semaphore_mem>>) src(%dma_wait3A_76 : memref<32x26x32xf32, #tpu.memory_space<hbm>>) dst(%arg6 : memref<32x26x32xf32, #tpu.memory_space<vmem>>)
    "tpu.region"() ({
      %run_scoped3A = tpu.sem_alloc : memref<!tpu.dma_semaphore, #tpu.memory_space<semaphore_mem>>
      %dma_start3A = arith.constant 0 : i32
      %dma_start3A_225 = arith.constant 0 : i32
      %dma_start3A_226 = tpu.memref_slice %arg4[%add3A_70, %dma_start3A, %dma_start3A_225] : memref<16384x26x32xf32, #tpu.memory_space<hbm>> -> memref<32x26x32xf32, #tpu.memory_space<hbm>>
      %dma_start3A_227 = arith.constant 0 : i32
      %dma_start3A_228 = arith.constant 0 : i32
      %dma_start3A_229 = tpu.memref_slice %arg4[%add3A_70, %dma_start3A_227, %dma_start3A_228] : memref<16384x26x32xf32, #tpu.memory_space<hbm>> -> memref<32x26x32xf32, #tpu.memory_space<hbm>>
      tpu.enqueue_dma source(%arg6 : memref<32x26x32xf32, #tpu.memory_space<vmem>>) target(%dma_start3A_229 : memref<32x26x32xf32, #tpu.memory_space<hbm>>) target_semaphore(%run_scoped3A : memref<!tpu.dma_semaphore, #tpu.memory_space<semaphore_mem>>)
      %dma_wait3A_230 = arith.constant 0 : i32
      %dma_wait3A_231 = arith.constant 0 : i32
      %dma_wait3A_232 = tpu.memref_slice %arg4[%add3A_70, %dma_wait3A_230, %dma_wait3A_231] : memref<16384x26x32xf32, #tpu.memory_space<hbm>> -> memref<32x26x32xf32, #tpu.memory_space<hbm>>
      %dma_wait3A_233 = arith.constant 0 : i32
      %dma_wait3A_234 = arith.constant 0 : i32
      %dma_wait3A_235 = tpu.memref_slice %arg4[%add3A_70, %dma_wait3A_233, %dma_wait3A_234] : memref<16384x26x32xf32, #tpu.memory_space<hbm>> -> memref<32x26x32xf32, #tpu.memory_space<hbm>>
      tpu.wait_dma2 semaphore(%run_scoped3A : memref<!tpu.dma_semaphore, #tpu.memory_space<semaphore_mem>>) src(%arg6 : memref<32x26x32xf32, #tpu.memory_space<vmem>>) dst(%dma_wait3A_235 : memref<32x26x32xf32, #tpu.memory_space<hbm>>)
      tpu.yield
    }) : () -> ()
    %scan3A_77 = arith.constant 0 : i32
    %scan3A_78 = arith.constant 0 : i32
    %scan3A_79 = arith.constant 32 : i32
    %scan3A_80 = arith.addi %scan3A_78, %scan3A_79 : i32
    %scan3A_81 = arith.constant 1 : i32
    scf.for %scan3A_225 = %scan3A_78 to %scan3A_80 step %scan3A_81  : i32 {
      %add3A_226 = arith.constant 192 : i32
      %add3A_227 = arith.addi %add3A_226, %scan3A_225 : i32
      %dma_start3A = arith.constant 0 : i32
      %dma_start3A_228 = arith.constant 0 : i32
      %dma_start3A_229 = tpu.memref_slice %arg6[%scan3A_225, %dma_start3A, %dma_start3A_228] : memref<32x26x32xf32, #tpu.memory_space<vmem>> -> memref<1x26x32xf32, #tpu.memory_space<vmem>>
      %dma_start3A_230 = tpu.memref_squeeze %dma_start3A_229 : memref<1x26x32xf32, #tpu.memory_space<vmem>> -> memref<26x32xf32, #tpu.memory_space<vmem>>
      %dma_start3A_231 = arith.constant 0 : i32
      %dma_start3A_232 = tpu.memref_slice %arg5[%add3A_227, %dma_start3A_231] : memref<512x26xi32, #tpu.memory_space<vmem>> -> memref<1x26xi32, #tpu.memory_space<vmem>>
      %dma_start3A_233 = tpu.memref_squeeze %dma_start3A_232 : memref<1x26xi32, #tpu.memory_space<vmem>> -> memref<26xi32, #tpu.memory_space<vmem>>
      %dma_start3A_234 = arith.constant 0 : i32
      %dma_start3A_235 = arith.constant 0 : i32
      %dma_start3A_236 = tpu.memref_slice %arg3[%dma_start3A_234, %dma_start3A_235] : memref<1000001x32xf32, #tpu.memory_space<hbm>> -> memref<1000001x32xf32, #tpu.memory_space<hbm>>
      tpu.enqueue_indirect_dma source(%dma_start3A_236 : memref<1000001x32xf32, #tpu.memory_space<hbm>>) target(%dma_start3A_230 : memref<26x32xf32, #tpu.memory_space<vmem>>) offsets(%dma_start3A_233 : memref<26xi32, #tpu.memory_space<vmem>>) semaphore(%arg8 : memref<!tpu.dma_semaphore, #tpu.memory_space<semaphore_mem>>)
    }
    %scan3A_82 = arith.constant 32 : i32
    %add3A_83 = arith.constant 160 : i32
    %add3A_84 = arith.addi %mul3A_2, %add3A_83 : i32
    %dma_wait3A_85 = arith.constant 0 : i32
    %dma_wait3A_86 = arith.constant 0 : i32
    %dma_wait3A_87 = tpu.memref_slice %arg4[%add3A_84, %dma_wait3A_85, %dma_wait3A_86] : memref<16384x26x32xf32, #tpu.memory_space<hbm>> -> memref<32x26x32xf32, #tpu.memory_space<hbm>>
    %dma_wait3A_88 = arith.constant 0 : i32
    %dma_wait3A_89 = arith.constant 0 : i32
    %dma_wait3A_90 = tpu.memref_slice %arg4[%add3A_84, %dma_wait3A_88, %dma_wait3A_89] : memref<16384x26x32xf32, #tpu.memory_space<hbm>> -> memref<32x26x32xf32, #tpu.memory_space<hbm>>
    tpu.wait_dma2 semaphore(%arg9 : memref<!tpu.dma_semaphore, #tpu.memory_space<semaphore_mem>>) src(%dma_wait3A_90 : memref<32x26x32xf32, #tpu.memory_space<hbm>>) dst(%arg7 : memref<32x26x32xf32, #tpu.memory_space<vmem>>)
    "tpu.region"() ({
      %run_scoped3A = tpu.sem_alloc : memref<!tpu.dma_semaphore, #tpu.memory_space<semaphore_mem>>
      %dma_start3A = arith.constant 0 : i32
      %dma_start3A_225 = arith.constant 0 : i32
      %dma_start3A_226 = tpu.memref_slice %arg4[%add3A_84, %dma_start3A, %dma_start3A_225] : memref<16384x26x32xf32, #tpu.memory_space<hbm>> -> memref<32x26x32xf32, #tpu.memory_space<hbm>>
      %dma_start3A_227 = arith.constant 0 : i32
      %dma_start3A_228 = arith.constant 0 : i32
      %dma_start3A_229 = tpu.memref_slice %arg4[%add3A_84, %dma_start3A_227, %dma_start3A_228] : memref<16384x26x32xf32, #tpu.memory_space<hbm>> -> memref<32x26x32xf32, #tpu.memory_space<hbm>>
      tpu.enqueue_dma source(%arg7 : memref<32x26x32xf32, #tpu.memory_space<vmem>>) target(%dma_start3A_229 : memref<32x26x32xf32, #tpu.memory_space<hbm>>) target_semaphore(%run_scoped3A : memref<!tpu.dma_semaphore, #tpu.memory_space<semaphore_mem>>)
      %dma_wait3A_230 = arith.constant 0 : i32
      %dma_wait3A_231 = arith.constant 0 : i32
      %dma_wait3A_232 = tpu.memref_slice %arg4[%add3A_84, %dma_wait3A_230, %dma_wait3A_231] : memref<16384x26x32xf32, #tpu.memory_space<hbm>> -> memref<32x26x32xf32, #tpu.memory_space<hbm>>
      %dma_wait3A_233 = arith.constant 0 : i32
      %dma_wait3A_234 = arith.constant 0 : i32
      %dma_wait3A_235 = tpu.memref_slice %arg4[%add3A_84, %dma_wait3A_233, %dma_wait3A_234] : memref<16384x26x32xf32, #tpu.memory_space<hbm>> -> memref<32x26x32xf32, #tpu.memory_space<hbm>>
      tpu.wait_dma2 semaphore(%run_scoped3A : memref<!tpu.dma_semaphore, #tpu.memory_space<semaphore_mem>>) src(%arg7 : memref<32x26x32xf32, #tpu.memory_space<vmem>>) dst(%dma_wait3A_235 : memref<32x26x32xf32, #tpu.memory_space<hbm>>)
      tpu.yield
    }) : () -> ()
    %scan3A_91 = arith.constant 0 : i32
    %scan3A_92 = arith.constant 0 : i32
    %scan3A_93 = arith.constant 32 : i32
    %scan3A_94 = arith.addi %scan3A_92, %scan3A_93 : i32
    %scan3A_95 = arith.constant 1 : i32
    scf.for %scan3A_225 = %scan3A_92 to %scan3A_94 step %scan3A_95  : i32 {
      %add3A_226 = arith.constant 224 : i32
      %add3A_227 = arith.addi %add3A_226, %scan3A_225 : i32
      %dma_start3A = arith.constant 0 : i32
      %dma_start3A_228 = arith.constant 0 : i32
      %dma_start3A_229 = tpu.memref_slice %arg7[%scan3A_225, %dma_start3A, %dma_start3A_228] : memref<32x26x32xf32, #tpu.memory_space<vmem>> -> memref<1x26x32xf32, #tpu.memory_space<vmem>>
      %dma_start3A_230 = tpu.memref_squeeze %dma_start3A_229 : memref<1x26x32xf32, #tpu.memory_space<vmem>> -> memref<26x32xf32, #tpu.memory_space<vmem>>
      %dma_start3A_231 = arith.constant 0 : i32
      %dma_start3A_232 = tpu.memref_slice %arg5[%add3A_227, %dma_start3A_231] : memref<512x26xi32, #tpu.memory_space<vmem>> -> memref<1x26xi32, #tpu.memory_space<vmem>>
      %dma_start3A_233 = tpu.memref_squeeze %dma_start3A_232 : memref<1x26xi32, #tpu.memory_space<vmem>> -> memref<26xi32, #tpu.memory_space<vmem>>
      %dma_start3A_234 = arith.constant 0 : i32
      %dma_start3A_235 = arith.constant 0 : i32
      %dma_start3A_236 = tpu.memref_slice %arg3[%dma_start3A_234, %dma_start3A_235] : memref<1000001x32xf32, #tpu.memory_space<hbm>> -> memref<1000001x32xf32, #tpu.memory_space<hbm>>
      tpu.enqueue_indirect_dma source(%dma_start3A_236 : memref<1000001x32xf32, #tpu.memory_space<hbm>>) target(%dma_start3A_230 : memref<26x32xf32, #tpu.memory_space<vmem>>) offsets(%dma_start3A_233 : memref<26xi32, #tpu.memory_space<vmem>>) semaphore(%arg9 : memref<!tpu.dma_semaphore, #tpu.memory_space<semaphore_mem>>)
    }
    %scan3A_96 = arith.constant 32 : i32
    %add3A_97 = arith.constant 192 : i32
    %add3A_98 = arith.addi %mul3A_2, %add3A_97 : i32
    %dma_wait3A_99 = arith.constant 0 : i32
    %dma_wait3A_100 = arith.constant 0 : i32
    %dma_wait3A_101 = tpu.memref_slice %arg4[%add3A_98, %dma_wait3A_99, %dma_wait3A_100] : memref<16384x26x32xf32, #tpu.memory_space<hbm>> -> memref<32x26x32xf32, #tpu.memory_space<hbm>>
    %dma_wait3A_102 = arith.constant 0 : i32
    %dma_wait3A_103 = arith.constant 0 : i32
    %dma_wait3A_104 = tpu.memref_slice %arg4[%add3A_98, %dma_wait3A_102, %dma_wait3A_103] : memref<16384x26x32xf32, #tpu.memory_space<hbm>> -> memref<32x26x32xf32, #tpu.memory_space<hbm>>
    tpu.wait_dma2 semaphore(%arg8 : memref<!tpu.dma_semaphore, #tpu.memory_space<semaphore_mem>>) src(%dma_wait3A_104 : memref<32x26x32xf32, #tpu.memory_space<hbm>>) dst(%arg6 : memref<32x26x32xf32, #tpu.memory_space<vmem>>)
    "tpu.region"() ({
      %run_scoped3A = tpu.sem_alloc : memref<!tpu.dma_semaphore, #tpu.memory_space<semaphore_mem>>
      %dma_start3A = arith.constant 0 : i32
      %dma_start3A_225 = arith.constant 0 : i32
      %dma_start3A_226 = tpu.memref_slice %arg4[%add3A_98, %dma_start3A, %dma_start3A_225] : memref<16384x26x32xf32, #tpu.memory_space<hbm>> -> memref<32x26x32xf32, #tpu.memory_space<hbm>>
      %dma_start3A_227 = arith.constant 0 : i32
      %dma_start3A_228 = arith.constant 0 : i32
      %dma_start3A_229 = tpu.memref_slice %arg4[%add3A_98, %dma_start3A_227, %dma_start3A_228] : memref<16384x26x32xf32, #tpu.memory_space<hbm>> -> memref<32x26x32xf32, #tpu.memory_space<hbm>>
      tpu.enqueue_dma source(%arg6 : memref<32x26x32xf32, #tpu.memory_space<vmem>>) target(%dma_start3A_229 : memref<32x26x32xf32, #tpu.memory_space<hbm>>) target_semaphore(%run_scoped3A : memref<!tpu.dma_semaphore, #tpu.memory_space<semaphore_mem>>)
      %dma_wait3A_230 = arith.constant 0 : i32
      %dma_wait3A_231 = arith.constant 0 : i32
      %dma_wait3A_232 = tpu.memref_slice %arg4[%add3A_98, %dma_wait3A_230, %dma_wait3A_231] : memref<16384x26x32xf32, #tpu.memory_space<hbm>> -> memref<32x26x32xf32, #tpu.memory_space<hbm>>
      %dma_wait3A_233 = arith.constant 0 : i32
      %dma_wait3A_234 = arith.constant 0 : i32
      %dma_wait3A_235 = tpu.memref_slice %arg4[%add3A_98, %dma_wait3A_233, %dma_wait3A_234] : memref<16384x26x32xf32, #tpu.memory_space<hbm>> -> memref<32x26x32xf32, #tpu.memory_space<hbm>>
      tpu.wait_dma2 semaphore(%run_scoped3A : memref<!tpu.dma_semaphore, #tpu.memory_space<semaphore_mem>>) src(%arg6 : memref<32x26x32xf32, #tpu.memory_space<vmem>>) dst(%dma_wait3A_235 : memref<32x26x32xf32, #tpu.memory_space<hbm>>)
      tpu.yield
    }) : () -> ()
    %scan3A_105 = arith.constant 0 : i32
    %scan3A_106 = arith.constant 0 : i32
    %scan3A_107 = arith.constant 32 : i32
    %scan3A_108 = arith.addi %scan3A_106, %scan3A_107 : i32
    %scan3A_109 = arith.constant 1 : i32
    scf.for %scan3A_225 = %scan3A_106 to %scan3A_108 step %scan3A_109  : i32 {
      %add3A_226 = arith.constant 256 : i32
      %add3A_227 = arith.addi %add3A_226, %scan3A_225 : i32
      %dma_start3A = arith.constant 0 : i32
      %dma_start3A_228 = arith.constant 0 : i32
      %dma_start3A_229 = tpu.memref_slice %arg6[%scan3A_225, %dma_start3A, %dma_start3A_228] : memref<32x26x32xf32, #tpu.memory_space<vmem>> -> memref<1x26x32xf32, #tpu.memory_space<vmem>>
      %dma_start3A_230 = tpu.memref_squeeze %dma_start3A_229 : memref<1x26x32xf32, #tpu.memory_space<vmem>> -> memref<26x32xf32, #tpu.memory_space<vmem>>
      %dma_start3A_231 = arith.constant 0 : i32
      %dma_start3A_232 = tpu.memref_slice %arg5[%add3A_227, %dma_start3A_231] : memref<512x26xi32, #tpu.memory_space<vmem>> -> memref<1x26xi32, #tpu.memory_space<vmem>>
      %dma_start3A_233 = tpu.memref_squeeze %dma_start3A_232 : memref<1x26xi32, #tpu.memory_space<vmem>> -> memref<26xi32, #tpu.memory_space<vmem>>
      %dma_start3A_234 = arith.constant 0 : i32
      %dma_start3A_235 = arith.constant 0 : i32
      %dma_start3A_236 = tpu.memref_slice %arg3[%dma_start3A_234, %dma_start3A_235] : memref<1000001x32xf32, #tpu.memory_space<hbm>> -> memref<1000001x32xf32, #tpu.memory_space<hbm>>
      tpu.enqueue_indirect_dma source(%dma_start3A_236 : memref<1000001x32xf32, #tpu.memory_space<hbm>>) target(%dma_start3A_230 : memref<26x32xf32, #tpu.memory_space<vmem>>) offsets(%dma_start3A_233 : memref<26xi32, #tpu.memory_space<vmem>>) semaphore(%arg8 : memref<!tpu.dma_semaphore, #tpu.memory_space<semaphore_mem>>)
    }
    %scan3A_110 = arith.constant 32 : i32
    %add3A_111 = arith.constant 224 : i32
    %add3A_112 = arith.addi %mul3A_2, %add3A_111 : i32
    %dma_wait3A_113 = arith.constant 0 : i32
    %dma_wait3A_114 = arith.constant 0 : i32
    %dma_wait3A_115 = tpu.memref_slice %arg4[%add3A_112, %dma_wait3A_113, %dma_wait3A_114] : memref<16384x26x32xf32, #tpu.memory_space<hbm>> -> memref<32x26x32xf32, #tpu.memory_space<hbm>>
    %dma_wait3A_116 = arith.constant 0 : i32
    %dma_wait3A_117 = arith.constant 0 : i32
    %dma_wait3A_118 = tpu.memref_slice %arg4[%add3A_112, %dma_wait3A_116, %dma_wait3A_117] : memref<16384x26x32xf32, #tpu.memory_space<hbm>> -> memref<32x26x32xf32, #tpu.memory_space<hbm>>
    tpu.wait_dma2 semaphore(%arg9 : memref<!tpu.dma_semaphore, #tpu.memory_space<semaphore_mem>>) src(%dma_wait3A_118 : memref<32x26x32xf32, #tpu.memory_space<hbm>>) dst(%arg7 : memref<32x26x32xf32, #tpu.memory_space<vmem>>)
    "tpu.region"() ({
      %run_scoped3A = tpu.sem_alloc : memref<!tpu.dma_semaphore, #tpu.memory_space<semaphore_mem>>
      %dma_start3A = arith.constant 0 : i32
      %dma_start3A_225 = arith.constant 0 : i32
      %dma_start3A_226 = tpu.memref_slice %arg4[%add3A_112, %dma_start3A, %dma_start3A_225] : memref<16384x26x32xf32, #tpu.memory_space<hbm>> -> memref<32x26x32xf32, #tpu.memory_space<hbm>>
      %dma_start3A_227 = arith.constant 0 : i32
      %dma_start3A_228 = arith.constant 0 : i32
      %dma_start3A_229 = tpu.memref_slice %arg4[%add3A_112, %dma_start3A_227, %dma_start3A_228] : memref<16384x26x32xf32, #tpu.memory_space<hbm>> -> memref<32x26x32xf32, #tpu.memory_space<hbm>>
      tpu.enqueue_dma source(%arg7 : memref<32x26x32xf32, #tpu.memory_space<vmem>>) target(%dma_start3A_229 : memref<32x26x32xf32, #tpu.memory_space<hbm>>) target_semaphore(%run_scoped3A : memref<!tpu.dma_semaphore, #tpu.memory_space<semaphore_mem>>)
      %dma_wait3A_230 = arith.constant 0 : i32
      %dma_wait3A_231 = arith.constant 0 : i32
      %dma_wait3A_232 = tpu.memref_slice %arg4[%add3A_112, %dma_wait3A_230, %dma_wait3A_231] : memref<16384x26x32xf32, #tpu.memory_space<hbm>> -> memref<32x26x32xf32, #tpu.memory_space<hbm>>
      %dma_wait3A_233 = arith.constant 0 : i32
      %dma_wait3A_234 = arith.constant 0 : i32
      %dma_wait3A_235 = tpu.memref_slice %arg4[%add3A_112, %dma_wait3A_233, %dma_wait3A_234] : memref<16384x26x32xf32, #tpu.memory_space<hbm>> -> memref<32x26x32xf32, #tpu.memory_space<hbm>>
      tpu.wait_dma2 semaphore(%run_scoped3A : memref<!tpu.dma_semaphore, #tpu.memory_space<semaphore_mem>>) src(%arg7 : memref<32x26x32xf32, #tpu.memory_space<vmem>>) dst(%dma_wait3A_235 : memref<32x26x32xf32, #tpu.memory_space<hbm>>)
      tpu.yield
    }) : () -> ()
    %scan3A_119 = arith.constant 0 : i32
    %scan3A_120 = arith.constant 0 : i32
    %scan3A_121 = arith.constant 32 : i32
    %scan3A_122 = arith.addi %scan3A_120, %scan3A_121 : i32
    %scan3A_123 = arith.constant 1 : i32
    scf.for %scan3A_225 = %scan3A_120 to %scan3A_122 step %scan3A_123  : i32 {
      %add3A_226 = arith.constant 288 : i32
      %add3A_227 = arith.addi %add3A_226, %scan3A_225 : i32
      %dma_start3A = arith.constant 0 : i32
      %dma_start3A_228 = arith.constant 0 : i32
      %dma_start3A_229 = tpu.memref_slice %arg7[%scan3A_225, %dma_start3A, %dma_start3A_228] : memref<32x26x32xf32, #tpu.memory_space<vmem>> -> memref<1x26x32xf32, #tpu.memory_space<vmem>>
      %dma_start3A_230 = tpu.memref_squeeze %dma_start3A_229 : memref<1x26x32xf32, #tpu.memory_space<vmem>> -> memref<26x32xf32, #tpu.memory_space<vmem>>
      %dma_start3A_231 = arith.constant 0 : i32
      %dma_start3A_232 = tpu.memref_slice %arg5[%add3A_227, %dma_start3A_231] : memref<512x26xi32, #tpu.memory_space<vmem>> -> memref<1x26xi32, #tpu.memory_space<vmem>>
      %dma_start3A_233 = tpu.memref_squeeze %dma_start3A_232 : memref<1x26xi32, #tpu.memory_space<vmem>> -> memref<26xi32, #tpu.memory_space<vmem>>
      %dma_start3A_234 = arith.constant 0 : i32
      %dma_start3A_235 = arith.constant 0 : i32
      %dma_start3A_236 = tpu.memref_slice %arg3[%dma_start3A_234, %dma_start3A_235] : memref<1000001x32xf32, #tpu.memory_space<hbm>> -> memref<1000001x32xf32, #tpu.memory_space<hbm>>
      tpu.enqueue_indirect_dma source(%dma_start3A_236 : memref<1000001x32xf32, #tpu.memory_space<hbm>>) target(%dma_start3A_230 : memref<26x32xf32, #tpu.memory_space<vmem>>) offsets(%dma_start3A_233 : memref<26xi32, #tpu.memory_space<vmem>>) semaphore(%arg9 : memref<!tpu.dma_semaphore, #tpu.memory_space<semaphore_mem>>)
    }
    %scan3A_124 = arith.constant 32 : i32
    %add3A_125 = arith.constant 256 : i32
    %add3A_126 = arith.addi %mul3A_2, %add3A_125 : i32
    %dma_wait3A_127 = arith.constant 0 : i32
    %dma_wait3A_128 = arith.constant 0 : i32
    %dma_wait3A_129 = tpu.memref_slice %arg4[%add3A_126, %dma_wait3A_127, %dma_wait3A_128] : memref<16384x26x32xf32, #tpu.memory_space<hbm>> -> memref<32x26x32xf32, #tpu.memory_space<hbm>>
    %dma_wait3A_130 = arith.constant 0 : i32
    %dma_wait3A_131 = arith.constant 0 : i32
    %dma_wait3A_132 = tpu.memref_slice %arg4[%add3A_126, %dma_wait3A_130, %dma_wait3A_131] : memref<16384x26x32xf32, #tpu.memory_space<hbm>> -> memref<32x26x32xf32, #tpu.memory_space<hbm>>
    tpu.wait_dma2 semaphore(%arg8 : memref<!tpu.dma_semaphore, #tpu.memory_space<semaphore_mem>>) src(%dma_wait3A_132 : memref<32x26x32xf32, #tpu.memory_space<hbm>>) dst(%arg6 : memref<32x26x32xf32, #tpu.memory_space<vmem>>)
    "tpu.region"() ({
      %run_scoped3A = tpu.sem_alloc : memref<!tpu.dma_semaphore, #tpu.memory_space<semaphore_mem>>
      %dma_start3A = arith.constant 0 : i32
      %dma_start3A_225 = arith.constant 0 : i32
      %dma_start3A_226 = tpu.memref_slice %arg4[%add3A_126, %dma_start3A, %dma_start3A_225] : memref<16384x26x32xf32, #tpu.memory_space<hbm>> -> memref<32x26x32xf32, #tpu.memory_space<hbm>>
      %dma_start3A_227 = arith.constant 0 : i32
      %dma_start3A_228 = arith.constant 0 : i32
      %dma_start3A_229 = tpu.memref_slice %arg4[%add3A_126, %dma_start3A_227, %dma_start3A_228] : memref<16384x26x32xf32, #tpu.memory_space<hbm>> -> memref<32x26x32xf32, #tpu.memory_space<hbm>>
      tpu.enqueue_dma source(%arg6 : memref<32x26x32xf32, #tpu.memory_space<vmem>>) target(%dma_start3A_229 : memref<32x26x32xf32, #tpu.memory_space<hbm>>) target_semaphore(%run_scoped3A : memref<!tpu.dma_semaphore, #tpu.memory_space<semaphore_mem>>)
      %dma_wait3A_230 = arith.constant 0 : i32
      %dma_wait3A_231 = arith.constant 0 : i32
      %dma_wait3A_232 = tpu.memref_slice %arg4[%add3A_126, %dma_wait3A_230, %dma_wait3A_231] : memref<16384x26x32xf32, #tpu.memory_space<hbm>> -> memref<32x26x32xf32, #tpu.memory_space<hbm>>
      %dma_wait3A_233 = arith.constant 0 : i32
      %dma_wait3A_234 = arith.constant 0 : i32
      %dma_wait3A_235 = tpu.memref_slice %arg4[%add3A_126, %dma_wait3A_233, %dma_wait3A_234] : memref<16384x26x32xf32, #tpu.memory_space<hbm>> -> memref<32x26x32xf32, #tpu.memory_space<hbm>>
      tpu.wait_dma2 semaphore(%run_scoped3A : memref<!tpu.dma_semaphore, #tpu.memory_space<semaphore_mem>>) src(%arg6 : memref<32x26x32xf32, #tpu.memory_space<vmem>>) dst(%dma_wait3A_235 : memref<32x26x32xf32, #tpu.memory_space<hbm>>)
      tpu.yield
    }) : () -> ()
    %scan3A_133 = arith.constant 0 : i32
    %scan3A_134 = arith.constant 0 : i32
    %scan3A_135 = arith.constant 32 : i32
    %scan3A_136 = arith.addi %scan3A_134, %scan3A_135 : i32
    %scan3A_137 = arith.constant 1 : i32
    scf.for %scan3A_225 = %scan3A_134 to %scan3A_136 step %scan3A_137  : i32 {
      %add3A_226 = arith.constant 320 : i32
      %add3A_227 = arith.addi %add3A_226, %scan3A_225 : i32
      %dma_start3A = arith.constant 0 : i32
      %dma_start3A_228 = arith.constant 0 : i32
      %dma_start3A_229 = tpu.memref_slice %arg6[%scan3A_225, %dma_start3A, %dma_start3A_228] : memref<32x26x32xf32, #tpu.memory_space<vmem>> -> memref<1x26x32xf32, #tpu.memory_space<vmem>>
      %dma_start3A_230 = tpu.memref_squeeze %dma_start3A_229 : memref<1x26x32xf32, #tpu.memory_space<vmem>> -> memref<26x32xf32, #tpu.memory_space<vmem>>
      %dma_start3A_231 = arith.constant 0 : i32
      %dma_start3A_232 = tpu.memref_slice %arg5[%add3A_227, %dma_start3A_231] : memref<512x26xi32, #tpu.memory_space<vmem>> -> memref<1x26xi32, #tpu.memory_space<vmem>>
      %dma_start3A_233 = tpu.memref_squeeze %dma_start3A_232 : memref<1x26xi32, #tpu.memory_space<vmem>> -> memref<26xi32, #tpu.memory_space<vmem>>
      %dma_start3A_234 = arith.constant 0 : i32
      %dma_start3A_235 = arith.constant 0 : i32
      %dma_start3A_236 = tpu.memref_slice %arg3[%dma_start3A_234, %dma_start3A_235] : memref<1000001x32xf32, #tpu.memory_space<hbm>> -> memref<1000001x32xf32, #tpu.memory_space<hbm>>
      tpu.enqueue_indirect_dma source(%dma_start3A_236 : memref<1000001x32xf32, #tpu.memory_space<hbm>>) target(%dma_start3A_230 : memref<26x32xf32, #tpu.memory_space<vmem>>) offsets(%dma_start3A_233 : memref<26xi32, #tpu.memory_space<vmem>>) semaphore(%arg8 : memref<!tpu.dma_semaphore, #tpu.memory_space<semaphore_mem>>)
    }
    %scan3A_138 = arith.constant 32 : i32
    %add3A_139 = arith.constant 288 : i32
    %add3A_140 = arith.addi %mul3A_2, %add3A_139 : i32
    %dma_wait3A_141 = arith.constant 0 : i32
    %dma_wait3A_142 = arith.constant 0 : i32
    %dma_wait3A_143 = tpu.memref_slice %arg4[%add3A_140, %dma_wait3A_141, %dma_wait3A_142] : memref<16384x26x32xf32, #tpu.memory_space<hbm>> -> memref<32x26x32xf32, #tpu.memory_space<hbm>>
    %dma_wait3A_144 = arith.constant 0 : i32
    %dma_wait3A_145 = arith.constant 0 : i32
    %dma_wait3A_146 = tpu.memref_slice %arg4[%add3A_140, %dma_wait3A_144, %dma_wait3A_145] : memref<16384x26x32xf32, #tpu.memory_space<hbm>> -> memref<32x26x32xf32, #tpu.memory_space<hbm>>
    tpu.wait_dma2 semaphore(%arg9 : memref<!tpu.dma_semaphore, #tpu.memory_space<semaphore_mem>>) src(%dma_wait3A_146 : memref<32x26x32xf32, #tpu.memory_space<hbm>>) dst(%arg7 : memref<32x26x32xf32, #tpu.memory_space<vmem>>)
    "tpu.region"() ({
      %run_scoped3A = tpu.sem_alloc : memref<!tpu.dma_semaphore, #tpu.memory_space<semaphore_mem>>
      %dma_start3A = arith.constant 0 : i32
      %dma_start3A_225 = arith.constant 0 : i32
      %dma_start3A_226 = tpu.memref_slice %arg4[%add3A_140, %dma_start3A, %dma_start3A_225] : memref<16384x26x32xf32, #tpu.memory_space<hbm>> -> memref<32x26x32xf32, #tpu.memory_space<hbm>>
      %dma_start3A_227 = arith.constant 0 : i32
      %dma_start3A_228 = arith.constant 0 : i32
      %dma_start3A_229 = tpu.memref_slice %arg4[%add3A_140, %dma_start3A_227, %dma_start3A_228] : memref<16384x26x32xf32, #tpu.memory_space<hbm>> -> memref<32x26x32xf32, #tpu.memory_space<hbm>>
      tpu.enqueue_dma source(%arg7 : memref<32x26x32xf32, #tpu.memory_space<vmem>>) target(%dma_start3A_229 : memref<32x26x32xf32, #tpu.memory_space<hbm>>) target_semaphore(%run_scoped3A : memref<!tpu.dma_semaphore, #tpu.memory_space<semaphore_mem>>)
      %dma_wait3A_230 = arith.constant 0 : i32
      %dma_wait3A_231 = arith.constant 0 : i32
      %dma_wait3A_232 = tpu.memref_slice %arg4[%add3A_140, %dma_wait3A_230, %dma_wait3A_231] : memref<16384x26x32xf32, #tpu.memory_space<hbm>> -> memref<32x26x32xf32, #tpu.memory_space<hbm>>
      %dma_wait3A_233 = arith.constant 0 : i32
      %dma_wait3A_234 = arith.constant 0 : i32
      %dma_wait3A_235 = tpu.memref_slice %arg4[%add3A_140, %dma_wait3A_233, %dma_wait3A_234] : memref<16384x26x32xf32, #tpu.memory_space<hbm>> -> memref<32x26x32xf32, #tpu.memory_space<hbm>>
      tpu.wait_dma2 semaphore(%run_scoped3A : memref<!tpu.dma_semaphore, #tpu.memory_space<semaphore_mem>>) src(%arg7 : memref<32x26x32xf32, #tpu.memory_space<vmem>>) dst(%dma_wait3A_235 : memref<32x26x32xf32, #tpu.memory_space<hbm>>)
      tpu.yield
    }) : () -> ()
    %scan3A_147 = arith.constant 0 : i32
    %scan3A_148 = arith.constant 0 : i32
    %scan3A_149 = arith.constant 32 : i32
    %scan3A_150 = arith.addi %scan3A_148, %scan3A_149 : i32
    %scan3A_151 = arith.constant 1 : i32
    scf.for %scan3A_225 = %scan3A_148 to %scan3A_150 step %scan3A_151  : i32 {
      %add3A_226 = arith.constant 352 : i32
      %add3A_227 = arith.addi %add3A_226, %scan3A_225 : i32
      %dma_start3A = arith.constant 0 : i32
      %dma_start3A_228 = arith.constant 0 : i32
      %dma_start3A_229 = tpu.memref_slice %arg7[%scan3A_225, %dma_start3A, %dma_start3A_228] : memref<32x26x32xf32, #tpu.memory_space<vmem>> -> memref<1x26x32xf32, #tpu.memory_space<vmem>>
      %dma_start3A_230 = tpu.memref_squeeze %dma_start3A_229 : memref<1x26x32xf32, #tpu.memory_space<vmem>> -> memref<26x32xf32, #tpu.memory_space<vmem>>
      %dma_start3A_231 = arith.constant 0 : i32
      %dma_start3A_232 = tpu.memref_slice %arg5[%add3A_227, %dma_start3A_231] : memref<512x26xi32, #tpu.memory_space<vmem>> -> memref<1x26xi32, #tpu.memory_space<vmem>>
      %dma_start3A_233 = tpu.memref_squeeze %dma_start3A_232 : memref<1x26xi32, #tpu.memory_space<vmem>> -> memref<26xi32, #tpu.memory_space<vmem>>
      %dma_start3A_234 = arith.constant 0 : i32
      %dma_start3A_235 = arith.constant 0 : i32
      %dma_start3A_236 = tpu.memref_slice %arg3[%dma_start3A_234, %dma_start3A_235] : memref<1000001x32xf32, #tpu.memory_space<hbm>> -> memref<1000001x32xf32, #tpu.memory_space<hbm>>
      tpu.enqueue_indirect_dma source(%dma_start3A_236 : memref<1000001x32xf32, #tpu.memory_space<hbm>>) target(%dma_start3A_230 : memref<26x32xf32, #tpu.memory_space<vmem>>) offsets(%dma_start3A_233 : memref<26xi32, #tpu.memory_space<vmem>>) semaphore(%arg9 : memref<!tpu.dma_semaphore, #tpu.memory_space<semaphore_mem>>)
    }
    %scan3A_152 = arith.constant 32 : i32
    %add3A_153 = arith.constant 320 : i32
    %add3A_154 = arith.addi %mul3A_2, %add3A_153 : i32
    %dma_wait3A_155 = arith.constant 0 : i32
    %dma_wait3A_156 = arith.constant 0 : i32
    %dma_wait3A_157 = tpu.memref_slice %arg4[%add3A_154, %dma_wait3A_155, %dma_wait3A_156] : memref<16384x26x32xf32, #tpu.memory_space<hbm>> -> memref<32x26x32xf32, #tpu.memory_space<hbm>>
    %dma_wait3A_158 = arith.constant 0 : i32
    %dma_wait3A_159 = arith.constant 0 : i32
    %dma_wait3A_160 = tpu.memref_slice %arg4[%add3A_154, %dma_wait3A_158, %dma_wait3A_159] : memref<16384x26x32xf32, #tpu.memory_space<hbm>> -> memref<32x26x32xf32, #tpu.memory_space<hbm>>
    tpu.wait_dma2 semaphore(%arg8 : memref<!tpu.dma_semaphore, #tpu.memory_space<semaphore_mem>>) src(%dma_wait3A_160 : memref<32x26x32xf32, #tpu.memory_space<hbm>>) dst(%arg6 : memref<32x26x32xf32, #tpu.memory_space<vmem>>)
    "tpu.region"() ({
      %run_scoped3A = tpu.sem_alloc : memref<!tpu.dma_semaphore, #tpu.memory_space<semaphore_mem>>
      %dma_start3A = arith.constant 0 : i32
      %dma_start3A_225 = arith.constant 0 : i32
      %dma_start3A_226 = tpu.memref_slice %arg4[%add3A_154, %dma_start3A, %dma_start3A_225] : memref<16384x26x32xf32, #tpu.memory_space<hbm>> -> memref<32x26x32xf32, #tpu.memory_space<hbm>>
      %dma_start3A_227 = arith.constant 0 : i32
      %dma_start3A_228 = arith.constant 0 : i32
      %dma_start3A_229 = tpu.memref_slice %arg4[%add3A_154, %dma_start3A_227, %dma_start3A_228] : memref<16384x26x32xf32, #tpu.memory_space<hbm>> -> memref<32x26x32xf32, #tpu.memory_space<hbm>>
      tpu.enqueue_dma source(%arg6 : memref<32x26x32xf32, #tpu.memory_space<vmem>>) target(%dma_start3A_229 : memref<32x26x32xf32, #tpu.memory_space<hbm>>) target_semaphore(%run_scoped3A : memref<!tpu.dma_semaphore, #tpu.memory_space<semaphore_mem>>)
      %dma_wait3A_230 = arith.constant 0 : i32
      %dma_wait3A_231 = arith.constant 0 : i32
      %dma_wait3A_232 = tpu.memref_slice %arg4[%add3A_154, %dma_wait3A_230, %dma_wait3A_231] : memref<16384x26x32xf32, #tpu.memory_space<hbm>> -> memref<32x26x32xf32, #tpu.memory_space<hbm>>
      %dma_wait3A_233 = arith.constant 0 : i32
      %dma_wait3A_234 = arith.constant 0 : i32
      %dma_wait3A_235 = tpu.memref_slice %arg4[%add3A_154, %dma_wait3A_233, %dma_wait3A_234] : memref<16384x26x32xf32, #tpu.memory_space<hbm>> -> memref<32x26x32xf32, #tpu.memory_space<hbm>>
      tpu.wait_dma2 semaphore(%run_scoped3A : memref<!tpu.dma_semaphore, #tpu.memory_space<semaphore_mem>>) src(%arg6 : memref<32x26x32xf32, #tpu.memory_space<vmem>>) dst(%dma_wait3A_235 : memref<32x26x32xf32, #tpu.memory_space<hbm>>)
      tpu.yield
    }) : () -> ()
    %scan3A_161 = arith.constant 0 : i32
    %scan3A_162 = arith.constant 0 : i32
    %scan3A_163 = arith.constant 32 : i32
    %scan3A_164 = arith.addi %scan3A_162, %scan3A_163 : i32
    %scan3A_165 = arith.constant 1 : i32
    scf.for %scan3A_225 = %scan3A_162 to %scan3A_164 step %scan3A_165  : i32 {
      %add3A_226 = arith.constant 384 : i32
      %add3A_227 = arith.addi %add3A_226, %scan3A_225 : i32
      %dma_start3A = arith.constant 0 : i32
      %dma_start3A_228 = arith.constant 0 : i32
      %dma_start3A_229 = tpu.memref_slice %arg6[%scan3A_225, %dma_start3A, %dma_start3A_228] : memref<32x26x32xf32, #tpu.memory_space<vmem>> -> memref<1x26x32xf32, #tpu.memory_space<vmem>>
      %dma_start3A_230 = tpu.memref_squeeze %dma_start3A_229 : memref<1x26x32xf32, #tpu.memory_space<vmem>> -> memref<26x32xf32, #tpu.memory_space<vmem>>
      %dma_start3A_231 = arith.constant 0 : i32
      %dma_start3A_232 = tpu.memref_slice %arg5[%add3A_227, %dma_start3A_231] : memref<512x26xi32, #tpu.memory_space<vmem>> -> memref<1x26xi32, #tpu.memory_space<vmem>>
      %dma_start3A_233 = tpu.memref_squeeze %dma_start3A_232 : memref<1x26xi32, #tpu.memory_space<vmem>> -> memref<26xi32, #tpu.memory_space<vmem>>
      %dma_start3A_234 = arith.constant 0 : i32
      %dma_start3A_235 = arith.constant 0 : i32
      %dma_start3A_236 = tpu.memref_slice %arg3[%dma_start3A_234, %dma_start3A_235] : memref<1000001x32xf32, #tpu.memory_space<hbm>> -> memref<1000001x32xf32, #tpu.memory_space<hbm>>
      tpu.enqueue_indirect_dma source(%dma_start3A_236 : memref<1000001x32xf32, #tpu.memory_space<hbm>>) target(%dma_start3A_230 : memref<26x32xf32, #tpu.memory_space<vmem>>) offsets(%dma_start3A_233 : memref<26xi32, #tpu.memory_space<vmem>>) semaphore(%arg8 : memref<!tpu.dma_semaphore, #tpu.memory_space<semaphore_mem>>)
    }
    %scan3A_166 = arith.constant 32 : i32
    %add3A_167 = arith.constant 352 : i32
    %add3A_168 = arith.addi %mul3A_2, %add3A_167 : i32
    %dma_wait3A_169 = arith.constant 0 : i32
    %dma_wait3A_170 = arith.constant 0 : i32
    %dma_wait3A_171 = tpu.memref_slice %arg4[%add3A_168, %dma_wait3A_169, %dma_wait3A_170] : memref<16384x26x32xf32, #tpu.memory_space<hbm>> -> memref<32x26x32xf32, #tpu.memory_space<hbm>>
    %dma_wait3A_172 = arith.constant 0 : i32
    %dma_wait3A_173 = arith.constant 0 : i32
    %dma_wait3A_174 = tpu.memref_slice %arg4[%add3A_168, %dma_wait3A_172, %dma_wait3A_173] : memref<16384x26x32xf32, #tpu.memory_space<hbm>> -> memref<32x26x32xf32, #tpu.memory_space<hbm>>
    tpu.wait_dma2 semaphore(%arg9 : memref<!tpu.dma_semaphore, #tpu.memory_space<semaphore_mem>>) src(%dma_wait3A_174 : memref<32x26x32xf32, #tpu.memory_space<hbm>>) dst(%arg7 : memref<32x26x32xf32, #tpu.memory_space<vmem>>)
    "tpu.region"() ({
      %run_scoped3A = tpu.sem_alloc : memref<!tpu.dma_semaphore, #tpu.memory_space<semaphore_mem>>
      %dma_start3A = arith.constant 0 : i32
      %dma_start3A_225 = arith.constant 0 : i32
      %dma_start3A_226 = tpu.memref_slice %arg4[%add3A_168, %dma_start3A, %dma_start3A_225] : memref<16384x26x32xf32, #tpu.memory_space<hbm>> -> memref<32x26x32xf32, #tpu.memory_space<hbm>>
      %dma_start3A_227 = arith.constant 0 : i32
      %dma_start3A_228 = arith.constant 0 : i32
      %dma_start3A_229 = tpu.memref_slice %arg4[%add3A_168, %dma_start3A_227, %dma_start3A_228] : memref<16384x26x32xf32, #tpu.memory_space<hbm>> -> memref<32x26x32xf32, #tpu.memory_space<hbm>>
      tpu.enqueue_dma source(%arg7 : memref<32x26x32xf32, #tpu.memory_space<vmem>>) target(%dma_start3A_229 : memref<32x26x32xf32, #tpu.memory_space<hbm>>) target_semaphore(%run_scoped3A : memref<!tpu.dma_semaphore, #tpu.memory_space<semaphore_mem>>)
      %dma_wait3A_230 = arith.constant 0 : i32
      %dma_wait3A_231 = arith.constant 0 : i32
      %dma_wait3A_232 = tpu.memref_slice %arg4[%add3A_168, %dma_wait3A_230, %dma_wait3A_231] : memref<16384x26x32xf32, #tpu.memory_space<hbm>> -> memref<32x26x32xf32, #tpu.memory_space<hbm>>
      %dma_wait3A_233 = arith.constant 0 : i32
      %dma_wait3A_234 = arith.constant 0 : i32
      %dma_wait3A_235 = tpu.memref_slice %arg4[%add3A_168, %dma_wait3A_233, %dma_wait3A_234] : memref<16384x26x32xf32, #tpu.memory_space<hbm>> -> memref<32x26x32xf32, #tpu.memory_space<hbm>>
      tpu.wait_dma2 semaphore(%run_scoped3A : memref<!tpu.dma_semaphore, #tpu.memory_space<semaphore_mem>>) src(%arg7 : memref<32x26x32xf32, #tpu.memory_space<vmem>>) dst(%dma_wait3A_235 : memref<32x26x32xf32, #tpu.memory_space<hbm>>)
      tpu.yield
    }) : () -> ()
    %scan3A_175 = arith.constant 0 : i32
    %scan3A_176 = arith.constant 0 : i32
    %scan3A_177 = arith.constant 32 : i32
    %scan3A_178 = arith.addi %scan3A_176, %scan3A_177 : i32
    %scan3A_179 = arith.constant 1 : i32
    scf.for %scan3A_225 = %scan3A_176 to %scan3A_178 step %scan3A_179  : i32 {
      %add3A_226 = arith.constant 416 : i32
      %add3A_227 = arith.addi %add3A_226, %scan3A_225 : i32
      %dma_start3A = arith.constant 0 : i32
      %dma_start3A_228 = arith.constant 0 : i32
      %dma_start3A_229 = tpu.memref_slice %arg7[%scan3A_225, %dma_start3A, %dma_start3A_228] : memref<32x26x32xf32, #tpu.memory_space<vmem>> -> memref<1x26x32xf32, #tpu.memory_space<vmem>>
      %dma_start3A_230 = tpu.memref_squeeze %dma_start3A_229 : memref<1x26x32xf32, #tpu.memory_space<vmem>> -> memref<26x32xf32, #tpu.memory_space<vmem>>
      %dma_start3A_231 = arith.constant 0 : i32
      %dma_start3A_232 = tpu.memref_slice %arg5[%add3A_227, %dma_start3A_231] : memref<512x26xi32, #tpu.memory_space<vmem>> -> memref<1x26xi32, #tpu.memory_space<vmem>>
      %dma_start3A_233 = tpu.memref_squeeze %dma_start3A_232 : memref<1x26xi32, #tpu.memory_space<vmem>> -> memref<26xi32, #tpu.memory_space<vmem>>
      %dma_start3A_234 = arith.constant 0 : i32
      %dma_start3A_235 = arith.constant 0 : i32
      %dma_start3A_236 = tpu.memref_slice %arg3[%dma_start3A_234, %dma_start3A_235] : memref<1000001x32xf32, #tpu.memory_space<hbm>> -> memref<1000001x32xf32, #tpu.memory_space<hbm>>
      tpu.enqueue_indirect_dma source(%dma_start3A_236 : memref<1000001x32xf32, #tpu.memory_space<hbm>>) target(%dma_start3A_230 : memref<26x32xf32, #tpu.memory_space<vmem>>) offsets(%dma_start3A_233 : memref<26xi32, #tpu.memory_space<vmem>>) semaphore(%arg9 : memref<!tpu.dma_semaphore, #tpu.memory_space<semaphore_mem>>)
    }
    %scan3A_180 = arith.constant 32 : i32
    %add3A_181 = arith.constant 384 : i32
    %add3A_182 = arith.addi %mul3A_2, %add3A_181 : i32
    %dma_wait3A_183 = arith.constant 0 : i32
    %dma_wait3A_184 = arith.constant 0 : i32
    %dma_wait3A_185 = tpu.memref_slice %arg4[%add3A_182, %dma_wait3A_183, %dma_wait3A_184] : memref<16384x26x32xf32, #tpu.memory_space<hbm>> -> memref<32x26x32xf32, #tpu.memory_space<hbm>>
    %dma_wait3A_186 = arith.constant 0 : i32
    %dma_wait3A_187 = arith.constant 0 : i32
    %dma_wait3A_188 = tpu.memref_slice %arg4[%add3A_182, %dma_wait3A_186, %dma_wait3A_187] : memref<16384x26x32xf32, #tpu.memory_space<hbm>> -> memref<32x26x32xf32, #tpu.memory_space<hbm>>
    tpu.wait_dma2 semaphore(%arg8 : memref<!tpu.dma_semaphore, #tpu.memory_space<semaphore_mem>>) src(%dma_wait3A_188 : memref<32x26x32xf32, #tpu.memory_space<hbm>>) dst(%arg6 : memref<32x26x32xf32, #tpu.memory_space<vmem>>)
    "tpu.region"() ({
      %run_scoped3A = tpu.sem_alloc : memref<!tpu.dma_semaphore, #tpu.memory_space<semaphore_mem>>
      %dma_start3A = arith.constant 0 : i32
      %dma_start3A_225 = arith.constant 0 : i32
      %dma_start3A_226 = tpu.memref_slice %arg4[%add3A_182, %dma_start3A, %dma_start3A_225] : memref<16384x26x32xf32, #tpu.memory_space<hbm>> -> memref<32x26x32xf32, #tpu.memory_space<hbm>>
      %dma_start3A_227 = arith.constant 0 : i32
      %dma_start3A_228 = arith.constant 0 : i32
      %dma_start3A_229 = tpu.memref_slice %arg4[%add3A_182, %dma_start3A_227, %dma_start3A_228] : memref<16384x26x32xf32, #tpu.memory_space<hbm>> -> memref<32x26x32xf32, #tpu.memory_space<hbm>>
      tpu.enqueue_dma source(%arg6 : memref<32x26x32xf32, #tpu.memory_space<vmem>>) target(%dma_start3A_229 : memref<32x26x32xf32, #tpu.memory_space<hbm>>) target_semaphore(%run_scoped3A : memref<!tpu.dma_semaphore, #tpu.memory_space<semaphore_mem>>)
      %dma_wait3A_230 = arith.constant 0 : i32
      %dma_wait3A_231 = arith.constant 0 : i32
      %dma_wait3A_232 = tpu.memref_slice %arg4[%add3A_182, %dma_wait3A_230, %dma_wait3A_231] : memref<16384x26x32xf32, #tpu.memory_space<hbm>> -> memref<32x26x32xf32, #tpu.memory_space<hbm>>
      %dma_wait3A_233 = arith.constant 0 : i32
      %dma_wait3A_234 = arith.constant 0 : i32
      %dma_wait3A_235 = tpu.memref_slice %arg4[%add3A_182, %dma_wait3A_233, %dma_wait3A_234] : memref<16384x26x32xf32, #tpu.memory_space<hbm>> -> memref<32x26x32xf32, #tpu.memory_space<hbm>>
      tpu.wait_dma2 semaphore(%run_scoped3A : memref<!tpu.dma_semaphore, #tpu.memory_space<semaphore_mem>>) src(%arg6 : memref<32x26x32xf32, #tpu.memory_space<vmem>>) dst(%dma_wait3A_235 : memref<32x26x32xf32, #tpu.memory_space<hbm>>)
      tpu.yield
    }) : () -> ()
    %scan3A_189 = arith.constant 0 : i32
    %scan3A_190 = arith.constant 0 : i32
    %scan3A_191 = arith.constant 32 : i32
    %scan3A_192 = arith.addi %scan3A_190, %scan3A_191 : i32
    %scan3A_193 = arith.constant 1 : i32
    scf.for %scan3A_225 = %scan3A_190 to %scan3A_192 step %scan3A_193  : i32 {
      %add3A_226 = arith.constant 448 : i32
      %add3A_227 = arith.addi %add3A_226, %scan3A_225 : i32
      %dma_start3A = arith.constant 0 : i32
      %dma_start3A_228 = arith.constant 0 : i32
      %dma_start3A_229 = tpu.memref_slice %arg6[%scan3A_225, %dma_start3A, %dma_start3A_228] : memref<32x26x32xf32, #tpu.memory_space<vmem>> -> memref<1x26x32xf32, #tpu.memory_space<vmem>>
      %dma_start3A_230 = tpu.memref_squeeze %dma_start3A_229 : memref<1x26x32xf32, #tpu.memory_space<vmem>> -> memref<26x32xf32, #tpu.memory_space<vmem>>
      %dma_start3A_231 = arith.constant 0 : i32
      %dma_start3A_232 = tpu.memref_slice %arg5[%add3A_227, %dma_start3A_231] : memref<512x26xi32, #tpu.memory_space<vmem>> -> memref<1x26xi32, #tpu.memory_space<vmem>>
      %dma_start3A_233 = tpu.memref_squeeze %dma_start3A_232 : memref<1x26xi32, #tpu.memory_space<vmem>> -> memref<26xi32, #tpu.memory_space<vmem>>
      %dma_start3A_234 = arith.constant 0 : i32
      %dma_start3A_235 = arith.constant 0 : i32
      %dma_start3A_236 = tpu.memref_slice %arg3[%dma_start3A_234, %dma_start3A_235] : memref<1000001x32xf32, #tpu.memory_space<hbm>> -> memref<1000001x32xf32, #tpu.memory_space<hbm>>
      tpu.enqueue_indirect_dma source(%dma_start3A_236 : memref<1000001x32xf32, #tpu.memory_space<hbm>>) target(%dma_start3A_230 : memref<26x32xf32, #tpu.memory_space<vmem>>) offsets(%dma_start3A_233 : memref<26xi32, #tpu.memory_space<vmem>>) semaphore(%arg8 : memref<!tpu.dma_semaphore, #tpu.memory_space<semaphore_mem>>)
    }
    %scan3A_194 = arith.constant 32 : i32
    %add3A_195 = arith.constant 416 : i32
    %add3A_196 = arith.addi %mul3A_2, %add3A_195 : i32
    %dma_wait3A_197 = arith.constant 0 : i32
    %dma_wait3A_198 = arith.constant 0 : i32
    %dma_wait3A_199 = tpu.memref_slice %arg4[%add3A_196, %dma_wait3A_197, %dma_wait3A_198] : memref<16384x26x32xf32, #tpu.memory_space<hbm>> -> memref<32x26x32xf32, #tpu.memory_space<hbm>>
    %dma_wait3A_200 = arith.constant 0 : i32
    %dma_wait3A_201 = arith.constant 0 : i32
    %dma_wait3A_202 = tpu.memref_slice %arg4[%add3A_196, %dma_wait3A_200, %dma_wait3A_201] : memref<16384x26x32xf32, #tpu.memory_space<hbm>> -> memref<32x26x32xf32, #tpu.memory_space<hbm>>
    tpu.wait_dma2 semaphore(%arg9 : memref<!tpu.dma_semaphore, #tpu.memory_space<semaphore_mem>>) src(%dma_wait3A_202 : memref<32x26x32xf32, #tpu.memory_space<hbm>>) dst(%arg7 : memref<32x26x32xf32, #tpu.memory_space<vmem>>)
    "tpu.region"() ({
      %run_scoped3A = tpu.sem_alloc : memref<!tpu.dma_semaphore, #tpu.memory_space<semaphore_mem>>
      %dma_start3A = arith.constant 0 : i32
      %dma_start3A_225 = arith.constant 0 : i32
      %dma_start3A_226 = tpu.memref_slice %arg4[%add3A_196, %dma_start3A, %dma_start3A_225] : memref<16384x26x32xf32, #tpu.memory_space<hbm>> -> memref<32x26x32xf32, #tpu.memory_space<hbm>>
      %dma_start3A_227 = arith.constant 0 : i32
      %dma_start3A_228 = arith.constant 0 : i32
      %dma_start3A_229 = tpu.memref_slice %arg4[%add3A_196, %dma_start3A_227, %dma_start3A_228] : memref<16384x26x32xf32, #tpu.memory_space<hbm>> -> memref<32x26x32xf32, #tpu.memory_space<hbm>>
      tpu.enqueue_dma source(%arg7 : memref<32x26x32xf32, #tpu.memory_space<vmem>>) target(%dma_start3A_229 : memref<32x26x32xf32, #tpu.memory_space<hbm>>) target_semaphore(%run_scoped3A : memref<!tpu.dma_semaphore, #tpu.memory_space<semaphore_mem>>)
      %dma_wait3A_230 = arith.constant 0 : i32
      %dma_wait3A_231 = arith.constant 0 : i32
      %dma_wait3A_232 = tpu.memref_slice %arg4[%add3A_196, %dma_wait3A_230, %dma_wait3A_231] : memref<16384x26x32xf32, #tpu.memory_space<hbm>> -> memref<32x26x32xf32, #tpu.memory_space<hbm>>
      %dma_wait3A_233 = arith.constant 0 : i32
      %dma_wait3A_234 = arith.constant 0 : i32
      %dma_wait3A_235 = tpu.memref_slice %arg4[%add3A_196, %dma_wait3A_233, %dma_wait3A_234] : memref<16384x26x32xf32, #tpu.memory_space<hbm>> -> memref<32x26x32xf32, #tpu.memory_space<hbm>>
      tpu.wait_dma2 semaphore(%run_scoped3A : memref<!tpu.dma_semaphore, #tpu.memory_space<semaphore_mem>>) src(%arg7 : memref<32x26x32xf32, #tpu.memory_space<vmem>>) dst(%dma_wait3A_235 : memref<32x26x32xf32, #tpu.memory_space<hbm>>)
      tpu.yield
    }) : () -> ()
    %scan3A_203 = arith.constant 0 : i32
    %scan3A_204 = arith.constant 0 : i32
    %scan3A_205 = arith.constant 32 : i32
    %scan3A_206 = arith.addi %scan3A_204, %scan3A_205 : i32
    %scan3A_207 = arith.constant 1 : i32
    scf.for %scan3A_225 = %scan3A_204 to %scan3A_206 step %scan3A_207  : i32 {
      %add3A_226 = arith.constant 480 : i32
      %add3A_227 = arith.addi %add3A_226, %scan3A_225 : i32
      %dma_start3A = arith.constant 0 : i32
      %dma_start3A_228 = arith.constant 0 : i32
      %dma_start3A_229 = tpu.memref_slice %arg7[%scan3A_225, %dma_start3A, %dma_start3A_228] : memref<32x26x32xf32, #tpu.memory_space<vmem>> -> memref<1x26x32xf32, #tpu.memory_space<vmem>>
      %dma_start3A_230 = tpu.memref_squeeze %dma_start3A_229 : memref<1x26x32xf32, #tpu.memory_space<vmem>> -> memref<26x32xf32, #tpu.memory_space<vmem>>
      %dma_start3A_231 = arith.constant 0 : i32
      %dma_start3A_232 = tpu.memref_slice %arg5[%add3A_227, %dma_start3A_231] : memref<512x26xi32, #tpu.memory_space<vmem>> -> memref<1x26xi32, #tpu.memory_space<vmem>>
      %dma_start3A_233 = tpu.memref_squeeze %dma_start3A_232 : memref<1x26xi32, #tpu.memory_space<vmem>> -> memref<26xi32, #tpu.memory_space<vmem>>
      %dma_start3A_234 = arith.constant 0 : i32
      %dma_start3A_235 = arith.constant 0 : i32
      %dma_start3A_236 = tpu.memref_slice %arg3[%dma_start3A_234, %dma_start3A_235] : memref<1000001x32xf32, #tpu.memory_space<hbm>> -> memref<1000001x32xf32, #tpu.memory_space<hbm>>
      tpu.enqueue_indirect_dma source(%dma_start3A_236 : memref<1000001x32xf32, #tpu.memory_space<hbm>>) target(%dma_start3A_230 : memref<26x32xf32, #tpu.memory_space<vmem>>) offsets(%dma_start3A_233 : memref<26xi32, #tpu.memory_space<vmem>>) semaphore(%arg9 : memref<!tpu.dma_semaphore, #tpu.memory_space<semaphore_mem>>)
    }
    %scan3A_208 = arith.constant 32 : i32
    %add3A_209 = arith.constant 448 : i32
    %add3A_210 = arith.addi %mul3A_2, %add3A_209 : i32
    %dma_wait3A_211 = arith.constant 0 : i32
    %dma_wait3A_212 = arith.constant 0 : i32
    %dma_wait3A_213 = tpu.memref_slice %arg4[%add3A_210, %dma_wait3A_211, %dma_wait3A_212] : memref<16384x26x32xf32, #tpu.memory_space<hbm>> -> memref<32x26x32xf32, #tpu.memory_space<hbm>>
    %dma_wait3A_214 = arith.constant 0 : i32
    %dma_wait3A_215 = arith.constant 0 : i32
    %dma_wait3A_216 = tpu.memref_slice %arg4[%add3A_210, %dma_wait3A_214, %dma_wait3A_215] : memref<16384x26x32xf32, #tpu.memory_space<hbm>> -> memref<32x26x32xf32, #tpu.memory_space<hbm>>
    tpu.wait_dma2 semaphore(%arg8 : memref<!tpu.dma_semaphore, #tpu.memory_space<semaphore_mem>>) src(%dma_wait3A_216 : memref<32x26x32xf32, #tpu.memory_space<hbm>>) dst(%arg6 : memref<32x26x32xf32, #tpu.memory_space<vmem>>)
    "tpu.region"() ({
      %run_scoped3A = tpu.sem_alloc : memref<!tpu.dma_semaphore, #tpu.memory_space<semaphore_mem>>
      %dma_start3A = arith.constant 0 : i32
      %dma_start3A_225 = arith.constant 0 : i32
      %dma_start3A_226 = tpu.memref_slice %arg4[%add3A_210, %dma_start3A, %dma_start3A_225] : memref<16384x26x32xf32, #tpu.memory_space<hbm>> -> memref<32x26x32xf32, #tpu.memory_space<hbm>>
      %dma_start3A_227 = arith.constant 0 : i32
      %dma_start3A_228 = arith.constant 0 : i32
      %dma_start3A_229 = tpu.memref_slice %arg4[%add3A_210, %dma_start3A_227, %dma_start3A_228] : memref<16384x26x32xf32, #tpu.memory_space<hbm>> -> memref<32x26x32xf32, #tpu.memory_space<hbm>>
      tpu.enqueue_dma source(%arg6 : memref<32x26x32xf32, #tpu.memory_space<vmem>>) target(%dma_start3A_229 : memref<32x26x32xf32, #tpu.memory_space<hbm>>) target_semaphore(%run_scoped3A : memref<!tpu.dma_semaphore, #tpu.memory_space<semaphore_mem>>)
      %dma_wait3A_230 = arith.constant 0 : i32
      %dma_wait3A_231 = arith.constant 0 : i32
      %dma_wait3A_232 = tpu.memref_slice %arg4[%add3A_210, %dma_wait3A_230, %dma_wait3A_231] : memref<16384x26x32xf32, #tpu.memory_space<hbm>> -> memref<32x26x32xf32, #tpu.memory_space<hbm>>
      %dma_wait3A_233 = arith.constant 0 : i32
      %dma_wait3A_234 = arith.constant 0 : i32
      %dma_wait3A_235 = tpu.memref_slice %arg4[%add3A_210, %dma_wait3A_233, %dma_wait3A_234] : memref<16384x26x32xf32, #tpu.memory_space<hbm>> -> memref<32x26x32xf32, #tpu.memory_space<hbm>>
      tpu.wait_dma2 semaphore(%run_scoped3A : memref<!tpu.dma_semaphore, #tpu.memory_space<semaphore_mem>>) src(%arg6 : memref<32x26x32xf32, #tpu.memory_space<vmem>>) dst(%dma_wait3A_235 : memref<32x26x32xf32, #tpu.memory_space<hbm>>)
      tpu.yield
    }) : () -> ()
    %add3A_217 = arith.constant 480 : i32
    %add3A_218 = arith.addi %mul3A_2, %add3A_217 : i32
    %dma_wait3A_219 = arith.constant 0 : i32
    %dma_wait3A_220 = arith.constant 0 : i32
    %dma_wait3A_221 = tpu.memref_slice %arg4[%add3A_218, %dma_wait3A_219, %dma_wait3A_220] : memref<16384x26x32xf32, #tpu.memory_space<hbm>> -> memref<32x26x32xf32, #tpu.memory_space<hbm>>
    %dma_wait3A_222 = arith.constant 0 : i32
    %dma_wait3A_223 = arith.constant 0 : i32
    %dma_wait3A_224 = tpu.memref_slice %arg4[%add3A_218, %dma_wait3A_222, %dma_wait3A_223] : memref<16384x26x32xf32, #tpu.memory_space<hbm>> -> memref<32x26x32xf32, #tpu.memory_space<hbm>>
    tpu.wait_dma2 semaphore(%arg9 : memref<!tpu.dma_semaphore, #tpu.memory_space<semaphore_mem>>) src(%dma_wait3A_224 : memref<32x26x32xf32, #tpu.memory_space<hbm>>) dst(%arg7 : memref<32x26x32xf32, #tpu.memory_space<vmem>>)
    "tpu.region"() ({
      %run_scoped3A = tpu.sem_alloc : memref<!tpu.dma_semaphore, #tpu.memory_space<semaphore_mem>>
      %dma_start3A = arith.constant 0 : i32
      %dma_start3A_225 = arith.constant 0 : i32
      %dma_start3A_226 = tpu.memref_slice %arg4[%add3A_218, %dma_start3A, %dma_start3A_225] : memref<16384x26x32xf32, #tpu.memory_space<hbm>> -> memref<32x26x32xf32, #tpu.memory_space<hbm>>
      %dma_start3A_227 = arith.constant 0 : i32
      %dma_start3A_228 = arith.constant 0 : i32
      %dma_start3A_229 = tpu.memref_slice %arg4[%add3A_218, %dma_start3A_227, %dma_start3A_228] : memref<16384x26x32xf32, #tpu.memory_space<hbm>> -> memref<32x26x32xf32, #tpu.memory_space<hbm>>
      tpu.enqueue_dma source(%arg7 : memref<32x26x32xf32, #tpu.memory_space<vmem>>) target(%dma_start3A_229 : memref<32x26x32xf32, #tpu.memory_space<hbm>>) target_semaphore(%run_scoped3A : memref<!tpu.dma_semaphore, #tpu.memory_space<semaphore_mem>>)
      %dma_wait3A_230 = arith.constant 0 : i32
      %dma_wait3A_231 = arith.constant 0 : i32
      %dma_wait3A_232 = tpu.memref_slice %arg4[%add3A_218, %dma_wait3A_230, %dma_wait3A_231] : memref<16384x26x32xf32, #tpu.memory_space<hbm>> -> memref<32x26x32xf32, #tpu.memory_space<hbm>>
      %dma_wait3A_233 = arith.constant 0 : i32
      %dma_wait3A_234 = arith.constant 0 : i32
      %dma_wait3A_235 = tpu.memref_slice %arg4[%add3A_218, %dma_wait3A_233, %dma_wait3A_234] : memref<16384x26x32xf32, #tpu.memory_space<hbm>> -> memref<32x26x32xf32, #tpu.memory_space<hbm>>
      tpu.wait_dma2 semaphore(%run_scoped3A : memref<!tpu.dma_semaphore, #tpu.memory_space<semaphore_mem>>) src(%arg7 : memref<32x26x32xf32, #tpu.memory_space<vmem>>) dst(%dma_wait3A_235 : memref<32x26x32xf32, #tpu.memory_space<hbm>>)
      tpu.yield
    }) : () -> ()
    return
  }
}

</mosaic_0001>

<sc_bundles>
// kernel: kernel.3.cloned.1.call-start
scs
__scs_entry_jumppad:
0x0: {  	(pc) =	sbr.rel $0x88, $3  }
0x1: {  	(tag) =	ssettag $0x0;
	lr =	simm.s32 $0x1  }
0x2: {  	[smem:$0x3F9F] =	sst lr;
	_ =	strace $0xD0000000  }
0x3: {  	_ = 	snop  }
0x4: {  	_ = 	snop  }
0x5: {  	_ = 	snop  }
0x6: {  	_ = 	snop  }
0x7: {  	_ = 	snop  }
__scs_overlays_trampoline_lowered:
0x8: {  	[smem:$0x3FAE] =	sst s0  }
0x9: {  	[smem:$0x3FAF] =	sst s1  }
0xa: {  	[smem:$0x3FB0] =	sst s2  }
0xb: {  	[smem:$0x3FB1] =	sst s3  }
0xc: {  	[smem:$0x3FB2] =	sst s4  }
0xd: {  	[smem:$0x3FB3] =	sst s5  }
0xe: {  	[smem:$0x3FB4] =	sst s6  }
0xf: {  	[smem:$0x3FB5] =	sst s7  }
0x10: {  	[smem:$0x3FB6] =	sst s8  }
0x11: {  	[smem:$0x3FB7] =	sst s9;
	s0 =	simm.s32 @!p0 $0x0  }
0x12: {  	s1 =	sld [smem:$0x3F9D];
	s0 =	simm.s32 @p0 $0x1  }
0x13: {  	[smem:$0x3FB8] =	sst s0;
	s0 =	simm.s32 @!p1 $0x0  }
0x14: {  	s2 =	sld [smem:$0x3F9C];
	s0 =	simm.s32 @p1 $0x1  }
0x15: {  	[smem:$0x3FB9] =	sst s0;
	s0 =	simm.s32 @!p2 $0x0  }
0x16: {  	s3 =	sld [smem:$0x3FDB];
	s0 =	simm.s32 @p2 $0x1  }
0x17: {  	s4 =	simm.s32 $0x1BF5;
	[smem:$0x3FBB] =	sst s0  }
0x18: {  	s0 =	sld [smem:$0x3F9E];
	_ =	swait.ge [sflag:s4], $0x0  }
0x19: {  	s7 =	sld [smem:$0x3F9F]  }
0x1a: {  	s8 =	sadd.s32 $0xFFFFE003, lr  }
0x1b: {  	s9 =	sadd.s32 $0xFFFFFEF7, lr;
	s5 =	simm.s32 $0xFFFFFFFF;
	p2 =	slt.u32 s8, $0xFFFFF086  }
0x1c: {  	p1 =	slt.u32 s9, $0xF7A;
	s5 =	simm.s32 @!p2 $0x0  }
0x1d: {  	s5 =	simm.s32 @p1 $0x1;
	p0 =	seq.s32 s7, s2  }
0x1e: {  	s7 =	smul.u32 @!p0 $0xF7A, s2;
	p2 =	seq.s32 @!p0 s5, $0x0  }
0x1f: {  	s9 =	smul.u32 $0xF7A, s1;
	s8 =	simm.s32 @!p0 $0x1BF5;
	p2 =	por !p2, p0  }
0x20: {  	[sflag:s8] =	ssyncset.s32 @!p0 $0xFFFFF086;
	s6 =	sadd.s32 @!p0 s3, s7;
	s7 =	simm.s32 @!p0 $0x108  }
0x21: {  	s3 =	sadd.s32 s3, s9;
	s6 =	sadd.s32 @!p0 $0x88, s6;
	s7 =	simm.s32 @p2 $0x1082  }
0x22: {  	[simem:s7], [sflag:s8] =	dma.local @!p0 [hbm:s6], $0xF7A  }
0x23: {  	s9 =	sor.u32 $0xD0000000, s2;
	s6 =	simm.s32 $0x108;
	_ =	swait.ge @!p0 [sflag:s8], $0x0  }
0x24: {  	s3 =	sadd.s32 $0x88, s3;
	s6 =	simm.s32 @!p1 $0x1082;
	[sflag:s4] =	ssyncset.s32 $0xFFFFF086  }
0x25: {  	[simem:s6], [sflag:s4] =	dma.local [hbm:s3], $0xF7A  }
0x26: {  	[smem:$0x3F9F] =	sst s1;
	(tag) =	ssettag s2;
	_ =	strace s9  }
0x27: {  	s1 =	sld [smem:$0x3FAF]  }
0x28: {  	s2 =	sld [smem:$0x3FB0]  }
0x29: {  	s4 =	sld [smem:$0x3FB2]  }
0x2a: {  	p0 =	seq.s32 s5, $0x0;
	s5 =	sld [smem:$0x3FB3]  }
0x2b: {  	s6 =	sld [smem:$0x3FB4]  }
0x2c: {  	s7 =	sld [smem:$0x3FB5]  }
0x2d: {  	s3 =	simm.s32 $0x108;
	s8 =	sld [smem:$0x3FB6]  }
0x2e: {  	s3 =	simm.s32 @!p0 $0x1082;
	s9 =	sld [smem:$0x3FB7]  }
0x2f: {  	lr =	sadd.s32 s0, s3;
	s0 =	sld [smem:$0x3FAE]  }
0x30: {  	s3 =	sld [smem:$0x3FB1]  }
0x31: {  	[smem:$0x3FBA] =	sst s10  }
0x32: {  	s10 =	sld [smem:$0x3FB8];
	_ =	sdelay $0x3  }
0x33: {  	p0 =	seq.s32 s10, $0x1;
	s10 =	sld [smem:$0x3FBA];
	_ =	sdelay $0x3  }
0x34: {  	[smem:$0x3FBA] =	sst s10  }
0x35: {  	s10 =	sld [smem:$0x3FB9];
	_ =	sdelay $0x3  }
0x36: {  	p1 =	seq.s32 s10, $0x1;
	s10 =	sld [smem:$0x3FBA];
	_ =	sdelay $0x3  }
0x37: {  	[smem:$0x3FBA] =	sst s10  }
0x38: {  	s10 =	sld [smem:$0x3FBB]  }
0x39: {  	_ = 	snop;
	(pc) =	sbr.ind lr, $3  }
0x3a: {  	_ = 	snop  }
0x3b: {  	_ = 	snop  }
0x3c: {  	p2 =	seq.s32 s10, $0x1;
	s10 =	sld [smem:$0x3FBA]  }
0x3d: {  	_ =	shalt  }
0x3e: {  	_ =	shalt  }
0x3f: {  	_ =	shalt  }
0x40: {  	_ =	shalt  }
0x41: {  	_ =	shalt  }
0x42: {  	_ =	shalt  }
0x43: {  	_ =	shalt  }
0x44: {  	_ =	shalt  }
0x45: {  	_ =	shalt  }
0x46: {  	_ =	shalt  }
0x47: {  	_ =	shalt  }
0x48: {  	_ =	shalt  }
0x49: {  	_ =	shalt  }
0x4a: {  	_ =	shalt  }
0x4b: {  	_ =	shalt  }
0x4c: {  	_ =	shalt  }
0x4d: {  	_ =	shalt  }
0x4e: {  	_ =	shalt  }
0x4f: {  	_ =	shalt  }
0x50: {  	_ =	shalt  }
0x51: {  	_ =	shalt  }
0x52: {  	_ =	shalt  }
0x53: {  	_ =	shalt  }
0x54: {  	_ =	shalt  }
0x55: {  	_ =	shalt  }
0x56: {  	_ =	shalt  }
0x57: {  	_ =	shalt  }
0x58: {  	_ =	shalt  }
0x59: {  	_ =	shalt  }
0x5a: {  	_ =	shalt  }
0x5b: {  	_ =	shalt  }
0x5c: {  	_ =	shalt  }
0x5d: {  	_ =	shalt  }
0x5e: {  	_ =	shalt  }
0x5f: {  	_ =	shalt  }
0x60: {  	_ =	shalt  }
0x61: {  	_ =	shalt  }
0x62: {  	_ =	shalt  }
0x63: {  	_ =	shalt  }
0x64: {  	_ =	shalt  }
0x65: {  	_ =	shalt  }
0x66: {  	_ =	shalt  }
0x67: {  	_ =	shalt  }
0x68: {  	_ =	shalt  }
0x69: {  	_ =	shalt  }
0x6a: {  	_ =	shalt  }
0x6b: {  	_ =	shalt  }
0x6c: {  	_ =	shalt  }
0x6d: {  	_ =	shalt  }
0x6e: {  	_ =	shalt  }
0x6f: {  	_ =	shalt  }
0x70: {  	_ =	shalt  }
0x71: {  	_ =	shalt  }
0x72: {  	_ =	shalt  }
0x73: {  	_ =	shalt  }
0x74: {  	_ =	shalt  }
0x75: {  	_ =	shalt  }
0x76: {  	_ =	shalt  }
0x77: {  	_ =	shalt  }
0x78: {  	_ =	shalt  }
0x79: {  	_ =	shalt  }
0x7a: {  	_ =	shalt  }
0x7b: {  	_ =	shalt  }
0x7c: {  	_ =	shalt  }
0x7d: {  	_ =	shalt  }
0x7e: {  	_ =	shalt  }
0x7f: {  	_ =	shalt  }
0x80: {  	_ =	shalt  }
0x81: {  	_ =	shalt  }
0x82: {  	_ =	shalt  }
0x83: {  	_ =	shalt  }
0x84: {  	_ =	shalt  }
0x85: {  	_ =	shalt  }
0x86: {  	_ =	shalt  }
0x87: {  	_ =	shalt  }
.Lfunc_end0:
.L_simem_size_0:
called_computation.1_lowered:
.L_overlay_start_0:
0x88: {  	s2 =	sld [smem:$0x3FD9]  }
0x89: {  	s3 =	sld [smem:$0x3FFE];
	_ =	sdelay $0x1  }
0x8a: {  	s1 =	srdreg.scid  }
0x8b: {  	s0 =	sand.u32 $0x1, s1  }
0x8c: {  	s17 =	sshll.u32 s0, $0xA;
	s2 =	sadd.s32 s3, s2  }
0x8d: {  	s2 =	sadd.s32 s2, s17  }
0x8e: {  	[smem:$0x3FC6] =	sst s2  }
0x8f: {  	_ = 	snop  }
0x90: {  	s2 =	sld [smem:$0x3FD0];
	(tm) =	ssettm $0x1  }
0x91: {  	s18 =	sld [smem:$0x3FFB];
	_ =	sdelay $0x3  }
0x92: {  	_ =	strace s18  }
0x93: {  	s3 =	sld [smem:$0x3FFC];
	_ =	sdelay $0x3  }
0x94: {  	_ =	strace s3  }
0x95: {  	s3 =	sld [smem:$0x3FFD];
	_ =	sdelay $0x3  }
0x96: {  	_ =	strace s3  }
0x97: {  	_ =	strace $0x8FFFFFFF  }
0x98: {  	s19 =	sld [smem:$0x3FDB];
	_ =	sdelay $0x1  }
0x99: {  	s4 =	simm.s32 $_scs_section_size  }
0x9a: {  	s5 =	simm.s32 $_size__tile_overlayer_lowered;
	s6 =	simm.s32 $_tile_overlayer_lowered  }
0x9b: {  	s22 =	simm.s32 $0x1BFF;
	s21 =	sshll.u32 s6, $0x1;
	s3 =	sadd.s32 s4, s19  }
0x9c: {  	s7 =	simm.s32 $0x0;
	s20 =	sshll.u32 s5, $0x1;
	s5 =	sadd.s32 s21, s3  }
0x9d: {  	[timem:s7], [sflag:s22] =	dma.local [hbm:s5], s20  }
0x9e: {  	_ =	swait.ge [sflag:s22], s20  }
0x9f: {  	s4 =	ssub.s32 $0x0, s20;
	[sflag:s22] =	ssyncset.done $0x0  }
0xa0: {  	[sflag:s22] =	ssyncadd.s32 s4;
	_ =	sdelay $0x1  }
0xa1: {  	s23 =	simm.s32 $0x1B8B  }
0xa2: {  	_ =	swait.ge [sflag:s23], $0x1  }
0xa3: {  	[sflag:s23] =	ssyncset.done $0x0  }
0xa4: {  	s25 =	simm.s32 $0x1B8E;
	s24 =	sld [smem:$0x3FFE];
	[sflag:s23] =	ssyncadd.s32 $0xFFFFFFFF  }
0xa5: {  	s26 =	simm.s32 $execute0_lowered;
	[smem:$0x3FD2] =	sst s25  }
0xa6: {  	s5 =	sshll.u32 s26, $0x1;
	_ =	strace $0x80000046;
	[dreg:$0x1] =	wrdreg $0xFFFFFFFF  }
0xa7: {  	s28 =	simm.s32 $_size_execute0_lowered;
	s3 =	sadd.s32 s3, s5;
	[dreg:$0x0] =	wrdreg $0x0  }
0xa8: {  	s5 =	sshll.u32 s28, $0x1;
	[dreg:$0x2] =	wrdreg s3  }
0xa9: {  	[dreg:$0x3] =	wrdreg s5  }
0xaa: {  	[dreg:$0x4] =	wrdreg $0xC0  }
0xab: {  	_ =	task [dreg:s7], $0x5FFFF  }
0xac: {  	[dreg:$0x1] =	wrdreg $0xFFFFFFFF  }
0xad: {  	[dreg:$0x0] =	wrdreg $0x60  }
0xae: {  	[dreg:$0x2] =	wrdreg s24  }
0xaf: {  	[dreg:$0x3] =	wrdreg s2  }
0xb0: {  	[dreg:$0x4] =	wrdreg $0x9  }
0xb1: {  	_ =	task.clear_ibuf [dreg:s7], $0x5FFFF;
	_ =	strace $0x90000046  }
0xb2: {  	s29 =	simm.s32 $0x9;
	_ =	strace $0x80000048  }
0xb3: {  	_ =	swait.ge [sflag:s29], $0x1  }
0xb4: {  	[sflag:s29] =	ssyncadd.s32 $0xFFFFFFFF  }
0xb5: {  	_ =	strace $0x90000048  }
0xb6: {  	_ =	sfence  }
0xb7: {  	s30 =	sld [smem:$0x0];
	_ =	sdelay $0x2  }
0xb8: {  	s31 =	sshll.u32 s1, $0xD;
	s1 =	sshrl.u32 s1, $0x2  }
0xb9: {  	s3 =	sand.u32 $0x4000, s31;
	s1 =	sadd.s32 s1, s30  }
0xba: {  	s0 =	sor.u32 s3, s0;
	s1 =	sshll.u32 s1, $0x11  }
0xbb: {  	s0 =	sor.u32 s1, s0  }
0xbc: {  	s0 =	sadd.s32 $0x8F2B, s0  }
0xbd: {  	[sflag:s0] =	ssyncadd.remote.s32 $0x1  }
0xbe: {  	_ =	sfence.sel $0xFFFF  }
0xbf: {  	[dreg:$0x0] =	wrdreg $0xFFFFFFFF;
	(pc) =	sbr.abs _section_cstart, $3  }
0xc0: {  	[dreg:$0x1] =	wrdreg $0xFFFFFFFF  }
0xc1: {  	_ =	task.clear_ibuf [dreg:s7], $0x2FFFF;
	_ =	strace $0x9FFFFFFF  }
0xc2: {  	(tm) =	ssettm $0x7FFFFFFF  }
0xc3: {  	_ =	shalt  }
tec
execute0_lowered:
.L_overlay_start_1:
0x0: {  	(tag) =	ssettag $0x1  }
0x1: {  	s1 =	rddreg [dreg:$0x0]  }
0x2: {  	s4 =	rddreg [dreg:$0x1];
	s7 =	simm.s32 $0x0  }
0x3: {  	s0 =	srdreg.scid;
	s20 =	simm.s32 $0x20;
	[smem:$0x7FF] =	sst s7  }
0x4: {  	s21 =	simm.s32 $0x40;
	_ =	strace $0x80000047;
	[dreg:$0x13] =	wrdreg s20  }
0x5: {  	s2 =	stileid.u32;
	s22 =	simm.s32 $0x60;
	[dreg:$0x14] =	wrdreg s21  }
0x6: {  	s23 =	simm.s32 $0x80;
	s24 =	simm.s32 $0xA0;
	[dreg:$0x15] =	wrdreg s22  }
0x7: {  	s25 =	simm.s32 $0xC0;
	s26 =	simm.s32 $0xE0;
	[dreg:$0x16] =	wrdreg s23  }
0x8: {  	s28 =	simm.s32 $0x100;
	s29 =	simm.s32 $0x120;
	[dreg:$0x17] =	wrdreg s24  }
0x9: {  	s30 =	simm.s32 $0x140;
	s0 =	sand.u32 $0x1, s0;
	[dreg:$0x18] =	wrdreg s25  }
0xa: {  	s2 =	sshll.u32 s2, $0xA;
	s3 =	sshll.u32 s0, $0x9;
	[dreg:$0x19] =	wrdreg s26  }
0xb: {  	s31 =	simm.s32 $0x160;
	[dreg:$0x1a] =	wrdreg s28;
	s3 =	sor.u32 s3, s2  }
0xc: {  	[dreg:$0x1b] =	wrdreg s29;
	s5 =	smul.u32 $0x68, s3;
	s6 =	sshll.u32 s3, $0x2  }
0xd: {  	[dreg:$0x1c] =	wrdreg s30;
	s3 =	smul.u32 $0x340, s3;
	s6 =	sadd.s32 s6, s1  }
0xe: {  	[dreg:$0x1d] =	wrdreg s31;
	s6 =	sadd.s32 $0xA00, s6  }
0xf: {  	s5 =	sadd.s32 s4, s5;
	s3 =	sshrl.u32 s3, $0x3;
	[dreg:$0x3] =	wrdreg s6  }
0x10: {  	[smem:$0x60B] =	sst s5;
	s5 =	sadd.s32 $0xD00, s5;
	s3 =	sadd.s32 s4, s3  }
0x11: {  	[dreg:$0x4] =	wrdreg s5;
	s4 =	sadd.s32 $0x1A00, s3  }
0x12: {  	s8 =	sadd.s32 $0x2700, s3;
	[dreg:$0x5] =	wrdreg s4  }
0x13: {  	s9 =	sadd.s32 $0x3400, s3;
	[dreg:$0x6] =	wrdreg s8  }
0x14: {  	s10 =	sadd.s32 $0x4100, s3;
	[dreg:$0x7] =	wrdreg s9  }
0x15: {  	s11 =	sadd.s32 $0x4E00, s3;
	[dreg:$0x8] =	wrdreg s10  }
0x16: {  	s12 =	sadd.s32 $0x5B00, s3;
	[dreg:$0x9] =	wrdreg s11  }
0x17: {  	s13 =	sadd.s32 $0x6800, s3;
	[dreg:$0xa] =	wrdreg s12  }
0x18: {  	s14 =	sadd.s32 $0x7500, s3;
	[dreg:$0xb] =	wrdreg s13  }
0x19: {  	s15 =	sadd.s32 $0x8200, s3;
	[dreg:$0xc] =	wrdreg s14  }
0x1a: {  	s16 =	sadd.s32 $0x8F00, s3;
	[dreg:$0xd] =	wrdreg s15  }
0x1b: {  	s17 =	sadd.s32 $0x9C00, s3;
	[dreg:$0xe] =	wrdreg s16  }
0x1c: {  	s18 =	sadd.s32 $0xA900, s3;
	[dreg:$0xf] =	wrdreg s17  }
0x1d: {  	s19 =	sadd.s32 $0xB600, s3;
	[dreg:$0x10] =	wrdreg s18  }
0x1e: {  	s3 =	sadd.s32 $0xC300, s3;
	[dreg:$0x11] =	wrdreg s19  }
0x1f: {  	s2 =	simm.s32 $0x180;
	[dreg:$0x12] =	wrdreg s3  }
0x20: {  	s5 =	simm.s32 $0x1C0;
	[dreg:$0x1e] =	wrdreg s2  }
0x21: {  	s6 =	simm.s32 $0x1E0;
	[smem:$0x60C] =	sst s5  }
0x22: {  	s7 =	simm.s32 $0x200;
	[smem:$0x60D] =	sst s6  }
0x23: {  	s20 =	simm.s32 $0x3A0;
	[smem:$0x60E] =	sst s7  }
0x24: {  	s21 =	simm.s32 $0x3C0;
	[smem:$0x61B] =	sst s20  }
0x25: {  	s22 =	simm.s32 $0x3E0;
	[smem:$0x61C] =	sst s21  }
0x26: {  	s23 =	simm.s32 $0x400;
	[smem:$0x61D] =	sst s22  }
0x27: {  	s24 =	simm.s32 $0x420;
	[smem:$0x61E] =	sst s23  }
0x28: {  	s25 =	simm.s32 $0x440;
	[smem:$0x61F] =	sst s24  }
0x29: {  	s26 =	simm.s32 $0x460;
	[smem:$0x620] =	sst s25  }
0x2a: {  	s28 =	simm.s32 $0x480;
	[smem:$0x621] =	sst s26  }
0x2b: {  	s29 =	simm.s32 $0x4A0;
	[smem:$0x622] =	sst s28  }
0x2c: {  	s30 =	simm.s32 $0x4C0;
	[smem:$0x623] =	sst s29  }
0x2d: {  	s31 =	simm.s32 $0x4E0;
	[smem:$0x624] =	sst s30  }
0x2e: {  	s4 =	simm.s32 $0x1A0;
	[smem:$0x625] =	sst s31  }
0x2f: {  	s8 =	simm.s32 $0x220;
	[dreg:$0x1f] =	wrdreg s4  }
0x30: {  	s9 =	simm.s32 $0x240;
	[smem:$0x60F] =	sst s8  }
0x31: {  	s10 =	simm.s32 $0x260;
	[smem:$0x610] =	sst s9  }
0x32: {  	s11 =	simm.s32 $0x280;
	[smem:$0x611] =	sst s10  }
0x33: {  	s12 =	simm.s32 $0x2A0;
	[smem:$0x612] =	sst s11  }
0x34: {  	s13 =	simm.s32 $0x2C0;
	[smem:$0x613] =	sst s12  }
0x35: {  	s14 =	simm.s32 $0x2E0;
	[smem:$0x614] =	sst s13  }
0x36: {  	s15 =	simm.s32 $0x300;
	[smem:$0x615] =	sst s14  }
0x37: {  	s16 =	simm.s32 $0x320;
	[smem:$0x616] =	sst s15  }
0x38: {  	s17 =	simm.s32 $0x340;
	[smem:$0x617] =	sst s16  }
0x39: {  	s18 =	simm.s32 $0x360;
	[smem:$0x618] =	sst s17  }
0x3a: {  	s19 =	simm.s32 $0x380;
	[smem:$0x619] =	sst s18  }
0x3b: {  	s2 =	simm.s32 $0x500;
	[smem:$0x61A] =	sst s19  }
0x3c: {  	s5 =	simm.s32 $0x540;
	[smem:$0x626] =	sst s2  }
0x3d: {  	s6 =	simm.s32 $0x560;
	[smem:$0x628] =	sst s5  }
0x3e: {  	s7 =	simm.s32 $0x580;
	[smem:$0x629] =	sst s6  }
0x3f: {  	s20 =	simm.s32 $0x720;
	[smem:$0x62A] =	sst s7  }
0x40: {  	s21 =	simm.s32 $0x740;
	[smem:$0x637] =	sst s20  }
0x41: {  	s22 =	simm.s32 $0x760;
	[smem:$0x638] =	sst s21  }
0x42: {  	s23 =	simm.s32 $0x780;
	[smem:$0x639] =	sst s22  }
0x43: {  	s24 =	simm.s32 $0x7A0;
	[smem:$0x63A] =	sst s23  }
0x44: {  	s25 =	simm.s32 $0x7C0;
	[smem:$0x63B] =	sst s24  }
0x45: {  	s26 =	simm.s32 $0x7E0;
	[smem:$0x63C] =	sst s25  }
0x46: {  	s28 =	simm.s32 $0x800;
	[smem:$0x63D] =	sst s26  }
0x47: {  	s29 =	simm.s32 $0x820;
	[smem:$0x63E] =	sst s28  }
0x48: {  	s30 =	simm.s32 $0x840;
	[smem:$0x63F] =	sst s29  }
0x49: {  	s31 =	simm.s32 $0x860;
	[smem:$0x640] =	sst s30  }
0x4a: {  	s4 =	simm.s32 $0x520;
	[smem:$0x641] =	sst s31  }
0x4b: {  	s8 =	simm.s32 $0x5A0;
	[smem:$0x627] =	sst s4  }
0x4c: {  	s9 =	simm.s32 $0x5C0;
	[smem:$0x62B] =	sst s8  }
0x4d: {  	s10 =	simm.s32 $0x5E0;
	[smem:$0x62C] =	sst s9  }
0x4e: {  	s11 =	simm.s32 $0x600;
	[smem:$0x62D] =	sst s10  }
0x4f: {  	s12 =	simm.s32 $0x620;
	[smem:$0x62E] =	sst s11  }
0x50: {  	s13 =	simm.s32 $0x640;
	[smem:$0x62F] =	sst s12  }
0x51: {  	s14 =	simm.s32 $0x660;
	[smem:$0x630] =	sst s13  }
0x52: {  	s15 =	simm.s32 $0x680;
	[smem:$0x631] =	sst s14  }
0x53: {  	s16 =	simm.s32 $0x6A0;
	[smem:$0x632] =	sst s15  }
0x54: {  	s17 =	simm.s32 $0x6C0;
	[smem:$0x633] =	sst s16  }
0x55: {  	s18 =	simm.s32 $0x6E0;
	[smem:$0x634] =	sst s17  }
0x56: {  	s19 =	simm.s32 $0x700;
	[smem:$0x635] =	sst s18  }
0x57: {  	s2 =	simm.s32 $0x880;
	[smem:$0x636] =	sst s19  }
0x58: {  	s5 =	simm.s32 $0x8C0;
	[smem:$0x642] =	sst s2  }
0x59: {  	s6 =	simm.s32 $0x8E0;
	[smem:$0x644] =	sst s5  }
0x5a: {  	s7 =	simm.s32 $0x900;
	[smem:$0x645] =	sst s6  }
0x5b: {  	s20 =	simm.s32 $0xAA0;
	[smem:$0x646] =	sst s7  }
0x5c: {  	s21 =	simm.s32 $0xAC0;
	[smem:$0x653] =	sst s20  }
0x5d: {  	s22 =	simm.s32 $0xAE0;
	[smem:$0x654] =	sst s21  }
0x5e: {  	s23 =	simm.s32 $0xB00;
	[smem:$0x655] =	sst s22  }
0x5f: {  	s24 =	simm.s32 $0xB20;
	[smem:$0x656] =	sst s23  }
0x60: {  	s25 =	simm.s32 $0xB40;
	[smem:$0x657] =	sst s24  }
0x61: {  	s26 =	simm.s32 $0xB60;
	[smem:$0x658] =	sst s25  }
0x62: {  	s28 =	simm.s32 $0xB80;
	[smem:$0x659] =	sst s26  }
0x63: {  	s29 =	simm.s32 $0xBA0;
	[smem:$0x65A] =	sst s28  }
0x64: {  	s30 =	simm.s32 $0xBC0;
	[smem:$0x65B] =	sst s29  }
0x65: {  	s31 =	simm.s32 $0xBE0;
	[smem:$0x65C] =	sst s30  }
0x66: {  	s4 =	simm.s32 $0x8A0;
	[smem:$0x65D] =	sst s31  }
0x67: {  	s8 =	simm.s32 $0x920;
	[smem:$0x643] =	sst s4  }
0x68: {  	s9 =	simm.s32 $0x940;
	[smem:$0x647] =	sst s8  }
0x69: {  	s10 =	simm.s32 $0x960;
	[smem:$0x648] =	sst s9  }
0x6a: {  	s11 =	simm.s32 $0x980;
	[smem:$0x649] =	sst s10  }
0x6b: {  	s12 =	simm.s32 $0x9A0;
	[smem:$0x64A] =	sst s11  }
0x6c: {  	s13 =	simm.s32 $0x9C0;
	[smem:$0x64B] =	sst s12  }
0x6d: {  	s14 =	simm.s32 $0x9E0;
	[smem:$0x64C] =	sst s13  }
0x6e: {  	s15 =	simm.s32 $0xA00;
	[smem:$0x64D] =	sst s14  }
0x6f: {  	s16 =	simm.s32 $0xA20;
	[smem:$0x64E] =	sst s15  }
0x70: {  	s17 =	simm.s32 $0xA40;
	[smem:$0x64F] =	sst s16  }
0x71: {  	s18 =	simm.s32 $0xA60;
	[smem:$0x650] =	sst s17  }
0x72: {  	s19 =	simm.s32 $0xA80;
	[smem:$0x651] =	sst s18  }
0x73: {  	s2 =	simm.s32 $0xC00;
	[smem:$0x652] =	sst s19  }
0x74: {  	s5 =	simm.s32 $0xC40;
	[smem:$0x65E] =	sst s2  }
0x75: {  	s6 =	simm.s32 $0xC60;
	[smem:$0x660] =	sst s5  }
0x76: {  	s7 =	simm.s32 $0xC80;
	[smem:$0x661] =	sst s6  }
0x77: {  	s20 =	simm.s32 $0xE20;
	[smem:$0x662] =	sst s7  }
0x78: {  	s21 =	simm.s32 $0xE40;
	[smem:$0x66F] =	sst s20  }
0x79: {  	s22 =	simm.s32 $0xE60;
	[smem:$0x670] =	sst s21  }
0x7a: {  	s23 =	simm.s32 $0xE80;
	[smem:$0x671] =	sst s22  }
0x7b: {  	s24 =	simm.s32 $0xEA0;
	[smem:$0x672] =	sst s23  }
0x7c: {  	s25 =	simm.s32 $0xEC0;
	[smem:$0x673] =	sst s24  }
0x7d: {  	s26 =	simm.s32 $0xEE0;
	[smem:$0x674] =	sst s25  }
0x7e: {  	s28 =	simm.s32 $0xF00;
	[smem:$0x675] =	sst s26  }
0x7f: {  	s29 =	simm.s32 $0xF20;
	[smem:$0x676] =	sst s28  }
0x80: {  	s30 =	simm.s32 $0xF40;
	[smem:$0x677] =	sst s29  }
0x81: {  	s31 =	simm.s32 $0xF60;
	[smem:$0x678] =	sst s30  }
0x82: {  	s4 =	simm.s32 $0xC20;
	[smem:$0x679] =	sst s31  }
0x83: {  	s8 =	simm.s32 $0xCA0;
	[smem:$0x65F] =	sst s4  }
0x84: {  	s9 =	simm.s32 $0xCC0;
	[smem:$0x663] =	sst s8  }
0x85: {  	s10 =	simm.s32 $0xCE0;
	[smem:$0x664] =	sst s9  }
0x86: {  	s11 =	simm.s32 $0xD00;
	[smem:$0x665] =	sst s10  }
0x87: {  	s12 =	simm.s32 $0xD20;
	[smem:$0x666] =	sst s11  }
0x88: {  	s13 =	simm.s32 $0xD40;
	[smem:$0x667] =	sst s12  }
0x89: {  	s14 =	simm.s32 $0xD60;
	[smem:$0x668] =	sst s13  }
0x8a: {  	s15 =	simm.s32 $0xD80;
	[smem:$0x669] =	sst s14  }
0x8b: {  	s16 =	simm.s32 $0xDA0;
	[smem:$0x66A] =	sst s15  }
0x8c: {  	s17 =	simm.s32 $0xDC0;
	[smem:$0x66B] =	sst s16  }
0x8d: {  	s18 =	simm.s32 $0xDE0;
	[smem:$0x66C] =	sst s17  }
0x8e: {  	s19 =	simm.s32 $0xE00;
	[smem:$0x66D] =	sst s18  }
0x8f: {  	s2 =	simm.s32 $0xF80;
	[smem:$0x66E] =	sst s19  }
0x90: {  	s5 =	simm.s32 $0xFC0;
	[smem:$0x67A] =	sst s2  }
0x91: {  	s6 =	simm.s32 $0xFE0;
	[smem:$0x67C] =	sst s5  }
0x92: {  	s7 =	simm.s32 $0x1000;
	[smem:$0x67D] =	sst s6  }
0x93: {  	s20 =	simm.s32 $0x11A0;
	[smem:$0x67E] =	sst s7  }
0x94: {  	s21 =	simm.s32 $0x11C0;
	[smem:$0x68B] =	sst s20  }
0x95: {  	s22 =	simm.s32 $0x11E0;
	[smem:$0x68C] =	sst s21  }
0x96: {  	s23 =	simm.s32 $0x1200;
	[smem:$0x68D] =	sst s22  }
0x97: {  	s24 =	simm.s32 $0x1220;
	[smem:$0x68E] =	sst s23  }
0x98: {  	s25 =	simm.s32 $0x1240;
	[smem:$0x68F] =	sst s24  }
0x99: {  	s26 =	simm.s32 $0x1260;
	[smem:$0x690] =	sst s25  }
0x9a: {  	s28 =	simm.s32 $0x1280;
	[smem:$0x691] =	sst s26  }
0x9b: {  	s29 =	simm.s32 $0x12A0;
	[smem:$0x692] =	sst s28  }
0x9c: {  	s30 =	simm.s32 $0x12C0;
	[smem:$0x693] =	sst s29  }
0x9d: {  	s31 =	simm.s32 $0x12E0;
	[smem:$0x694] =	sst s30  }
0x9e: {  	s4 =	simm.s32 $0xFA0;
	[smem:$0x695] =	sst s31  }
0x9f: {  	s8 =	simm.s32 $0x1020;
	[smem:$0x67B] =	sst s4  }
0xa0: {  	s9 =	simm.s32 $0x1040;
	[smem:$0x67F] =	sst s8  }
0xa1: {  	s10 =	simm.s32 $0x1060;
	[smem:$0x680] =	sst s9  }
0xa2: {  	s11 =	simm.s32 $0x1080;
	[smem:$0x681] =	sst s10  }
0xa3: {  	s12 =	simm.s32 $0x10A0;
	[smem:$0x682] =	sst s11  }
0xa4: {  	s13 =	simm.s32 $0x10C0;
	[smem:$0x683] =	sst s12  }
0xa5: {  	s14 =	simm.s32 $0x10E0;
	[smem:$0x684] =	sst s13  }
0xa6: {  	s15 =	simm.s32 $0x1100;
	[smem:$0x685] =	sst s14  }
0xa7: {  	s16 =	simm.s32 $0x1120;
	[smem:$0x686] =	sst s15  }
0xa8: {  	s17 =	simm.s32 $0x1140;
	[smem:$0x687] =	sst s16  }
0xa9: {  	s18 =	simm.s32 $0x1160;
	[smem:$0x688] =	sst s17  }
0xaa: {  	s19 =	simm.s32 $0x1180;
	[smem:$0x689] =	sst s18  }
0xab: {  	s2 =	simm.s32 $0x1300;
	[smem:$0x68A] =	sst s19  }
0xac: {  	s5 =	simm.s32 $0x1340;
	[smem:$0x696] =	sst s2  }
0xad: {  	s6 =	simm.s32 $0x1360;
	[smem:$0x698] =	sst s5  }
0xae: {  	s7 =	simm.s32 $0x1380;
	[smem:$0x699] =	sst s6  }
0xaf: {  	s20 =	simm.s32 $0x1520;
	[smem:$0x69A] =	sst s7  }
0xb0: {  	s21 =	simm.s32 $0x1540;
	[smem:$0x6A7] =	sst s20  }
0xb1: {  	s22 =	simm.s32 $0x1560;
	[smem:$0x6A8] =	sst s21  }
0xb2: {  	s23 =	simm.s32 $0x1580;
	[smem:$0x6A9] =	sst s22  }
0xb3: {  	s24 =	simm.s32 $0x15A0;
	[smem:$0x6AA] =	sst s23  }
0xb4: {  	s25 =	simm.s32 $0x15C0;
	[smem:$0x6AB] =	sst s24  }
0xb5: {  	s26 =	simm.s32 $0x15E0;
	[smem:$0x6AC] =	sst s25  }
0xb6: {  	s28 =	simm.s32 $0x1600;
	[smem:$0x6AD] =	sst s26  }
0xb7: {  	s29 =	simm.s32 $0x1620;
	[smem:$0x6AE] =	sst s28  }
0xb8: {  	s30 =	simm.s32 $0x1640;
	[smem:$0x6AF] =	sst s29  }
0xb9: {  	s31 =	simm.s32 $0x1660;
	[smem:$0x6B0] =	sst s30  }
0xba: {  	s4 =	simm.s32 $0x1320;
	[smem:$0x6B1] =	sst s31  }
0xbb: {  	s8 =	simm.s32 $0x13A0;
	[smem:$0x697] =	sst s4  }
0xbc: {  	s9 =	simm.s32 $0x13C0;
	[smem:$0x69B] =	sst s8  }
0xbd: {  	s10 =	simm.s32 $0x13E0;
	[smem:$0x69C] =	sst s9  }
0xbe: {  	s11 =	simm.s32 $0x1400;
	[smem:$0x69D] =	sst s10  }
0xbf: {  	s12 =	simm.s32 $0x1420;
	[smem:$0x69E] =	sst s11  }
0xc0: {  	s13 =	simm.s32 $0x1440;
	[smem:$0x69F] =	sst s12  }
0xc1: {  	s14 =	simm.s32 $0x1460;
	[smem:$0x6A0] =	sst s13  }
0xc2: {  	s15 =	simm.s32 $0x1480;
	[smem:$0x6A1] =	sst s14  }
0xc3: {  	s16 =	simm.s32 $0x14A0;
	[smem:$0x6A2] =	sst s15  }
0xc4: {  	s17 =	simm.s32 $0x14C0;
	[smem:$0x6A3] =	sst s16  }
0xc5: {  	s18 =	simm.s32 $0x14E0;
	[smem:$0x6A4] =	sst s17  }
0xc6: {  	s19 =	simm.s32 $0x1500;
	[smem:$0x6A5] =	sst s18  }
0xc7: {  	s2 =	simm.s32 $0x1680;
	[smem:$0x6A6] =	sst s19  }
0xc8: {  	s5 =	simm.s32 $0x16C0;
	[smem:$0x6B2] =	sst s2  }
0xc9: {  	s6 =	simm.s32 $0x16E0;
	[smem:$0x6B4] =	sst s5  }
0xca: {  	s7 =	simm.s32 $0x1700;
	[smem:$0x6B5] =	sst s6  }
0xcb: {  	s20 =	simm.s32 $0x18A0;
	[smem:$0x6B6] =	sst s7  }
0xcc: {  	s21 =	simm.s32 $0x18C0;
	[smem:$0x6C3] =	sst s20  }
0xcd: {  	s22 =	simm.s32 $0x18E0;
	[smem:$0x6C4] =	sst s21  }
0xce: {  	s23 =	simm.s32 $0x1900;
	[smem:$0x6C5] =	sst s22  }
0xcf: {  	s24 =	simm.s32 $0x1920;
	[smem:$0x6C6] =	sst s23  }
0xd0: {  	s25 =	simm.s32 $0x1940;
	[smem:$0x6C7] =	sst s24  }
0xd1: {  	s26 =	simm.s32 $0x1960;
	[smem:$0x6C8] =	sst s25  }
0xd2: {  	s28 =	simm.s32 $0x1980;
	[smem:$0x6C9] =	sst s26  }
0xd3: {  	s29 =	simm.s32 $0x19A0;
	[smem:$0x6CA] =	sst s28  }
0xd4: {  	s30 =	simm.s32 $0x19C0;
	[smem:$0x6CB] =	sst s29  }
0xd5: {  	s31 =	simm.s32 $0x19E0;
	[smem:$0x6CC] =	sst s30  }
0xd6: {  	s4 =	simm.s32 $0x16A0;
	[smem:$0x6CD] =	sst s31  }
0xd7: {  	s8 =	simm.s32 $0x1720;
	[smem:$0x6B3] =	sst s4  }
0xd8: {  	s9 =	simm.s32 $0x1740;
	[smem:$0x6B7] =	sst s8  }
0xd9: {  	s10 =	simm.s32 $0x1760;
	[smem:$0x6B8] =	sst s9  }
0xda: {  	s11 =	simm.s32 $0x1780;
	[smem:$0x6B9] =	sst s10  }
0xdb: {  	s12 =	simm.s32 $0x17A0;
	[smem:$0x6BA] =	sst s11  }
0xdc: {  	s13 =	simm.s32 $0x17C0;
	[smem:$0x6BB] =	sst s12  }
0xdd: {  	s14 =	simm.s32 $0x17E0;
	[smem:$0x6BC] =	sst s13  }
0xde: {  	s15 =	simm.s32 $0x1800;
	[smem:$0x6BD] =	sst s14  }
0xdf: {  	s16 =	simm.s32 $0x1820;
	[smem:$0x6BE] =	sst s15  }
0xe0: {  	s17 =	simm.s32 $0x1840;
	[smem:$0x6BF] =	sst s16  }
0xe1: {  	s18 =	simm.s32 $0x1860;
	[smem:$0x6C0] =	sst s17  }
0xe2: {  	s19 =	simm.s32 $0x1880;
	[smem:$0x6C1] =	sst s18  }
0xe3: {  	s2 =	simm.s32 $0x1A00;
	[smem:$0x6C2] =	sst s19  }
0xe4: {  	s5 =	simm.s32 $0x1A40;
	[smem:$0x6CE] =	sst s2  }
0xe5: {  	s6 =	simm.s32 $0x1A60;
	[smem:$0x6D0] =	sst s5  }
0xe6: {  	s7 =	simm.s32 $0x1A80;
	[smem:$0x6D1] =	sst s6  }
0xe7: {  	s20 =	simm.s32 $0x1C20;
	[smem:$0x6D2] =	sst s7  }
0xe8: {  	s21 =	simm.s32 $0x1C40;
	[smem:$0x6DF] =	sst s20  }
0xe9: {  	s22 =	simm.s32 $0x1C60;
	[smem:$0x6E0] =	sst s21  }
0xea: {  	s23 =	simm.s32 $0x1C80;
	[smem:$0x6E1] =	sst s22  }
0xeb: {  	s24 =	simm.s32 $0x1CA0;
	[smem:$0x6E2] =	sst s23  }
0xec: {  	s25 =	simm.s32 $0x1CC0;
	[smem:$0x6E3] =	sst s24  }
0xed: {  	s26 =	simm.s32 $0x1CE0;
	[smem:$0x6E4] =	sst s25  }
0xee: {  	s28 =	simm.s32 $0x1D00;
	[smem:$0x6E5] =	sst s26  }
0xef: {  	s29 =	simm.s32 $0x1D20;
	[smem:$0x6E6] =	sst s28  }
0xf0: {  	s30 =	simm.s32 $0x1D40;
	[smem:$0x6E7] =	sst s29  }
0xf1: {  	s31 =	simm.s32 $0x1D60;
	[smem:$0x6E8] =	sst s30  }
0xf2: {  	s4 =	simm.s32 $0x1A20;
	[smem:$0x6E9] =	sst s31  }
0xf3: {  	s8 =	simm.s32 $0x1AA0;
	[smem:$0x6CF] =	sst s4  }
0xf4: {  	s9 =	simm.s32 $0x1AC0;
	[smem:$0x6D3] =	sst s8  }
0xf5: {  	s10 =	simm.s32 $0x1AE0;
	[smem:$0x6D4] =	sst s9  }
0xf6: {  	s11 =	simm.s32 $0x1B00;
	[smem:$0x6D5] =	sst s10  }
0xf7: {  	s12 =	simm.s32 $0x1B20;
	[smem:$0x6D6] =	sst s11  }
0xf8: {  	s13 =	simm.s32 $0x1B40;
	[smem:$0x6D7] =	sst s12  }
0xf9: {  	s14 =	simm.s32 $0x1B60;
	[smem:$0x6D8] =	sst s13  }
0xfa: {  	s15 =	simm.s32 $0x1B80;
	[smem:$0x6D9] =	sst s14  }
0xfb: {  	s16 =	simm.s32 $0x1BA0;
	[smem:$0x6DA] =	sst s15  }
0xfc: {  	s17 =	simm.s32 $0x1BC0;
	[smem:$0x6DB] =	sst s16  }
0xfd: {  	s18 =	simm.s32 $0x1BE0;
	[smem:$0x6DC] =	sst s17  }
0xfe: {  	s19 =	simm.s32 $0x1C00;
	[smem:$0x6DD] =	sst s18  }
0xff: {  	s2 =	simm.s32 $0x1D80;
	[smem:$0x6DE] =	sst s19  }
0x100: {  	s5 =	simm.s32 $0x1DC0;
	[smem:$0x6EA] =	sst s2  }
0x101: {  	s6 =	simm.s32 $0x1DE0;
	[smem:$0x6EC] =	sst s5  }
0x102: {  	s7 =	simm.s32 $0x1E00;
	[smem:$0x6ED] =	sst s6  }
0x103: {  	s20 =	simm.s32 $0x1FA0;
	[smem:$0x6EE] =	sst s7  }
0x104: {  	s21 =	simm.s32 $0x1FC0;
	[smem:$0x6FB] =	sst s20  }
0x105: {  	s22 =	simm.s32 $0x1FE0;
	[smem:$0x6FC] =	sst s21  }
0x106: {  	s23 =	simm.s32 $0x2000;
	[smem:$0x6FD] =	sst s22  }
0x107: {  	s24 =	simm.s32 $0x2020;
	[smem:$0x6FE] =	sst s23  }
0x108: {  	s25 =	simm.s32 $0x2040;
	[smem:$0x6FF] =	sst s24  }
0x109: {  	s26 =	simm.s32 $0x2060;
	[smem:$0x700] =	sst s25  }
0x10a: {  	s28 =	simm.s32 $0x2080;
	[smem:$0x701] =	sst s26  }
0x10b: {  	s29 =	simm.s32 $0x20A0;
	[smem:$0x702] =	sst s28  }
0x10c: {  	s30 =	simm.s32 $0x20C0;
	[smem:$0x703] =	sst s29  }
0x10d: {  	s31 =	simm.s32 $0x20E0;
	[smem:$0x704] =	sst s30  }
0x10e: {  	s4 =	simm.s32 $0x1DA0;
	[smem:$0x705] =	sst s31  }
0x10f: {  	s8 =	simm.s32 $0x1E20;
	[smem:$0x6EB] =	sst s4  }
0x110: {  	s9 =	simm.s32 $0x1E40;
	[smem:$0x6EF] =	sst s8  }
0x111: {  	s10 =	simm.s32 $0x1E60;
	[smem:$0x6F0] =	sst s9  }
0x112: {  	s11 =	simm.s32 $0x1E80;
	[smem:$0x6F1] =	sst s10  }
0x113: {  	s12 =	simm.s32 $0x1EA0;
	[smem:$0x6F2] =	sst s11  }
0x114: {  	s13 =	simm.s32 $0x1EC0;
	[smem:$0x6F3] =	sst s12  }
0x115: {  	s14 =	simm.s32 $0x1EE0;
	[smem:$0x6F4] =	sst s13  }
0x116: {  	s15 =	simm.s32 $0x1F00;
	[smem:$0x6F5] =	sst s14  }
0x117: {  	s16 =	simm.s32 $0x1F20;
	[smem:$0x6F6] =	sst s15  }
0x118: {  	s17 =	simm.s32 $0x1F40;
	[smem:$0x6F7] =	sst s16  }
0x119: {  	s18 =	simm.s32 $0x1F60;
	[smem:$0x6F8] =	sst s17  }
0x11a: {  	s19 =	simm.s32 $0x1F80;
	[smem:$0x6F9] =	sst s18  }
0x11b: {  	s2 =	simm.s32 $0x2100;
	[smem:$0x6FA] =	sst s19  }
0x11c: {  	s5 =	simm.s32 $0x2140;
	[smem:$0x706] =	sst s2  }
0x11d: {  	s6 =	simm.s32 $0x2160;
	[smem:$0x708] =	sst s5  }
0x11e: {  	s7 =	simm.s32 $0x2180;
	[smem:$0x709] =	sst s6  }
0x11f: {  	s20 =	simm.s32 $0x2320;
	[smem:$0x70A] =	sst s7  }
0x120: {  	s21 =	simm.s32 $0x2340;
	[smem:$0x717] =	sst s20  }
0x121: {  	s22 =	simm.s32 $0x2360;
	[smem:$0x718] =	sst s21  }
0x122: {  	s23 =	simm.s32 $0x2380;
	[smem:$0x719] =	sst s22  }
0x123: {  	s24 =	simm.s32 $0x23A0;
	[smem:$0x71A] =	sst s23  }
0x124: {  	s25 =	simm.s32 $0x23C0;
	[smem:$0x71B] =	sst s24  }
0x125: {  	s26 =	simm.s32 $0x23E0;
	[smem:$0x71C] =	sst s25  }
0x126: {  	s28 =	simm.s32 $0x2400;
	[smem:$0x71D] =	sst s26  }
0x127: {  	s29 =	simm.s32 $0x2420;
	[smem:$0x71E] =	sst s28  }
0x128: {  	s30 =	simm.s32 $0x2440;
	[smem:$0x71F] =	sst s29  }
0x129: {  	s31 =	simm.s32 $0x2460;
	[smem:$0x720] =	sst s30  }
0x12a: {  	s4 =	simm.s32 $0x2120;
	[smem:$0x721] =	sst s31  }
0x12b: {  	s8 =	simm.s32 $0x21A0;
	[smem:$0x707] =	sst s4  }
0x12c: {  	s9 =	simm.s32 $0x21C0;
	[smem:$0x70B] =	sst s8  }
0x12d: {  	s10 =	simm.s32 $0x21E0;
	[smem:$0x70C] =	sst s9  }
0x12e: {  	s11 =	simm.s32 $0x2200;
	[smem:$0x70D] =	sst s10  }
0x12f: {  	s12 =	simm.s32 $0x2220;
	[smem:$0x70E] =	sst s11  }
0x130: {  	s13 =	simm.s32 $0x2240;
	[smem:$0x70F] =	sst s12  }
0x131: {  	s14 =	simm.s32 $0x2260;
	[smem:$0x710] =	sst s13  }
0x132: {  	s15 =	simm.s32 $0x2280;
	[smem:$0x711] =	sst s14  }
0x133: {  	s16 =	simm.s32 $0x22A0;
	[smem:$0x712] =	sst s15  }
0x134: {  	s17 =	simm.s32 $0x22C0;
	[smem:$0x713] =	sst s16  }
0x135: {  	s18 =	simm.s32 $0x22E0;
	[smem:$0x714] =	sst s17  }
0x136: {  	s19 =	simm.s32 $0x2300;
	[smem:$0x715] =	sst s18  }
0x137: {  	s2 =	simm.s32 $0x2480;
	[smem:$0x716] =	sst s19  }
0x138: {  	s5 =	simm.s32 $0x24C0;
	[smem:$0x722] =	sst s2  }
0x139: {  	s6 =	simm.s32 $0x24E0;
	[smem:$0x724] =	sst s5  }
0x13a: {  	s7 =	simm.s32 $0x2500;
	[smem:$0x725] =	sst s6  }
0x13b: {  	s20 =	simm.s32 $0x26A0;
	[smem:$0x726] =	sst s7  }
0x13c: {  	s21 =	simm.s32 $0x26C0;
	[smem:$0x733] =	sst s20  }
0x13d: {  	s22 =	simm.s32 $0x26E0;
	[smem:$0x734] =	sst s21  }
0x13e: {  	s23 =	simm.s32 $0x2700;
	[smem:$0x735] =	sst s22  }
0x13f: {  	s24 =	simm.s32 $0x2720;
	[smem:$0x736] =	sst s23  }
0x140: {  	s25 =	simm.s32 $0x2740;
	[smem:$0x737] =	sst s24  }
0x141: {  	s26 =	simm.s32 $0x2760;
	[smem:$0x738] =	sst s25  }
0x142: {  	s28 =	simm.s32 $0x2780;
	[smem:$0x739] =	sst s26  }
0x143: {  	s29 =	simm.s32 $0x27A0;
	[smem:$0x73A] =	sst s28  }
0x144: {  	s30 =	simm.s32 $0x27C0;
	[smem:$0x73B] =	sst s29  }
0x145: {  	s31 =	simm.s32 $0x27E0;
	[smem:$0x73C] =	sst s30  }
0x146: {  	s4 =	simm.s32 $0x24A0;
	[smem:$0x73D] =	sst s31  }
0x147: {  	s8 =	simm.s32 $0x2520;
	[smem:$0x723] =	sst s4  }
0x148: {  	s9 =	simm.s32 $0x2540;
	[smem:$0x727] =	sst s8  }
0x149: {  	s10 =	simm.s32 $0x2560;
	[smem:$0x728] =	sst s9  }
0x14a: {  	s11 =	simm.s32 $0x2580;
	[smem:$0x729] =	sst s10  }
0x14b: {  	s12 =	simm.s32 $0x25A0;
	[smem:$0x72A] =	sst s11  }
0x14c: {  	s13 =	simm.s32 $0x25C0;
	[smem:$0x72B] =	sst s12  }
0x14d: {  	s14 =	simm.s32 $0x25E0;
	[smem:$0x72C] =	sst s13  }
0x14e: {  	s15 =	simm.s32 $0x2600;
	[smem:$0x72D] =	sst s14  }
0x14f: {  	s16 =	simm.s32 $0x2620;
	[smem:$0x72E] =	sst s15  }
0x150: {  	s17 =	simm.s32 $0x2640;
	[smem:$0x72F] =	sst s16  }
0x151: {  	s18 =	simm.s32 $0x2660;
	[smem:$0x730] =	sst s17  }
0x152: {  	s19 =	simm.s32 $0x2680;
	[smem:$0x731] =	sst s18  }
0x153: {  	s2 =	simm.s32 $0x2800;
	[smem:$0x732] =	sst s19  }
0x154: {  	s5 =	simm.s32 $0x2840;
	[smem:$0x73E] =	sst s2  }
0x155: {  	s6 =	simm.s32 $0x2860;
	[smem:$0x740] =	sst s5  }
0x156: {  	s7 =	simm.s32 $0x2880;
	[smem:$0x741] =	sst s6  }
0x157: {  	s20 =	simm.s32 $0x2A20;
	[smem:$0x742] =	sst s7  }
0x158: {  	s21 =	simm.s32 $0x2A40;
	[smem:$0x74F] =	sst s20  }
0x159: {  	s22 =	simm.s32 $0x2A60;
	[smem:$0x750] =	sst s21  }
0x15a: {  	s23 =	simm.s32 $0x2A80;
	[smem:$0x751] =	sst s22  }
0x15b: {  	s24 =	simm.s32 $0x2AA0;
	[smem:$0x752] =	sst s23  }
0x15c: {  	s25 =	simm.s32 $0x2AC0;
	[smem:$0x753] =	sst s24  }
0x15d: {  	s26 =	simm.s32 $0x2AE0;
	[smem:$0x754] =	sst s25  }
0x15e: {  	s28 =	simm.s32 $0x2B00;
	[smem:$0x755] =	sst s26  }
0x15f: {  	s29 =	simm.s32 $0x2B20;
	[smem:$0x756] =	sst s28  }
0x160: {  	s30 =	simm.s32 $0x2B40;
	[smem:$0x757] =	sst s29  }
0x161: {  	s31 =	simm.s32 $0x2B60;
	[smem:$0x758] =	sst s30  }
0x162: {  	s4 =	simm.s32 $0x2820;
	[smem:$0x759] =	sst s31  }
0x163: {  	s8 =	simm.s32 $0x28A0;
	[smem:$0x73F] =	sst s4  }
0x164: {  	s9 =	simm.s32 $0x28C0;
	[smem:$0x743] =	sst s8  }
0x165: {  	s10 =	simm.s32 $0x28E0;
	[smem:$0x744] =	sst s9  }
0x166: {  	s11 =	simm.s32 $0x2900;
	[smem:$0x745] =	sst s10  }
0x167: {  	s12 =	simm.s32 $0x2920;
	[smem:$0x746] =	sst s11  }
0x168: {  	s13 =	simm.s32 $0x2940;
	[smem:$0x747] =	sst s12  }
0x169: {  	s14 =	simm.s32 $0x2960;
	[smem:$0x748] =	sst s13  }
0x16a: {  	s15 =	simm.s32 $0x2980;
	[smem:$0x749] =	sst s14  }
0x16b: {  	s16 =	simm.s32 $0x29A0;
	[smem:$0x74A] =	sst s15  }
0x16c: {  	s17 =	simm.s32 $0x29C0;
	[smem:$0x74B] =	sst s16  }
0x16d: {  	s18 =	simm.s32 $0x29E0;
	[smem:$0x74C] =	sst s17  }
0x16e: {  	s19 =	simm.s32 $0x2A00;
	[smem:$0x74D] =	sst s18  }
0x16f: {  	s2 =	simm.s32 $0x2B80;
	[smem:$0x74E] =	sst s19  }
0x170: {  	s5 =	simm.s32 $0x2BC0;
	[smem:$0x75A] =	sst s2  }
0x171: {  	s6 =	simm.s32 $0x2BE0;
	[smem:$0x75C] =	sst s5  }
0x172: {  	s7 =	simm.s32 $0x2C00;
	[smem:$0x75D] =	sst s6  }
0x173: {  	s20 =	simm.s32 $0x2DA0;
	[smem:$0x75E] =	sst s7  }
0x174: {  	s21 =	simm.s32 $0x2DC0;
	[smem:$0x76B] =	sst s20  }
0x175: {  	s22 =	simm.s32 $0x2DE0;
	[smem:$0x76C] =	sst s21  }
0x176: {  	s23 =	simm.s32 $0x2E00;
	[smem:$0x76D] =	sst s22  }
0x177: {  	s24 =	simm.s32 $0x2E20;
	[smem:$0x76E] =	sst s23  }
0x178: {  	s25 =	simm.s32 $0x2E40;
	[smem:$0x76F] =	sst s24  }
0x179: {  	s26 =	simm.s32 $0x2E60;
	[smem:$0x770] =	sst s25  }
0x17a: {  	s28 =	simm.s32 $0x2E80;
	[smem:$0x771] =	sst s26  }
0x17b: {  	s29 =	simm.s32 $0x2EA0;
	[smem:$0x772] =	sst s28  }
0x17c: {  	s30 =	simm.s32 $0x2EC0;
	[smem:$0x773] =	sst s29  }
0x17d: {  	s31 =	simm.s32 $0x2EE0;
	[smem:$0x774] =	sst s30  }
0x17e: {  	s4 =	simm.s32 $0x2BA0;
	[smem:$0x775] =	sst s31  }
0x17f: {  	s8 =	simm.s32 $0x2C20;
	[smem:$0x75B] =	sst s4  }
0x180: {  	s9 =	simm.s32 $0x2C40;
	[smem:$0x75F] =	sst s8  }
0x181: {  	s10 =	simm.s32 $0x2C60;
	[smem:$0x760] =	sst s9  }
0x182: {  	s11 =	simm.s32 $0x2C80;
	[smem:$0x761] =	sst s10  }
0x183: {  	s12 =	simm.s32 $0x2CA0;
	[smem:$0x762] =	sst s11  }
0x184: {  	s13 =	simm.s32 $0x2CC0;
	[smem:$0x763] =	sst s12  }
0x185: {  	s14 =	simm.s32 $0x2CE0;
	[smem:$0x764] =	sst s13  }
0x186: {  	s15 =	simm.s32 $0x2D00;
	[smem:$0x765] =	sst s14  }
0x187: {  	s16 =	simm.s32 $0x2D20;
	[smem:$0x766] =	sst s15  }
0x188: {  	s17 =	simm.s32 $0x2D40;
	[smem:$0x767] =	sst s16  }
0x189: {  	s18 =	simm.s32 $0x2D60;
	[smem:$0x768] =	sst s17  }
0x18a: {  	s19 =	simm.s32 $0x2D80;
	[smem:$0x769] =	sst s18  }
0x18b: {  	s2 =	simm.s32 $0x2F00;
	[smem:$0x76A] =	sst s19  }
0x18c: {  	s5 =	simm.s32 $0x2F40;
	[smem:$0x776] =	sst s2  }
0x18d: {  	s6 =	simm.s32 $0x2F60;
	[smem:$0x778] =	sst s5  }
0x18e: {  	s7 =	simm.s32 $0x2F80;
	[smem:$0x779] =	sst s6  }
0x18f: {  	s20 =	simm.s32 $0x3120;
	[smem:$0x77A] =	sst s7  }
0x190: {  	s21 =	simm.s32 $0x3140;
	[smem:$0x787] =	sst s20  }
0x191: {  	s22 =	simm.s32 $0x3160;
	[smem:$0x788] =	sst s21  }
0x192: {  	s23 =	simm.s32 $0x3180;
	[smem:$0x789] =	sst s22  }
0x193: {  	s24 =	simm.s32 $0x31A0;
	[smem:$0x78A] =	sst s23  }
0x194: {  	s25 =	simm.s32 $0x31C0;
	[smem:$0x78B] =	sst s24  }
0x195: {  	s26 =	simm.s32 $0x31E0;
	[smem:$0x78C] =	sst s25  }
0x196: {  	s28 =	simm.s32 $0x3200;
	[smem:$0x78D] =	sst s26  }
0x197: {  	s29 =	simm.s32 $0x3220;
	[smem:$0x78E] =	sst s28  }
0x198: {  	s30 =	simm.s32 $0x3240;
	[smem:$0x78F] =	sst s29  }
0x199: {  	s31 =	simm.s32 $0x3260;
	[smem:$0x790] =	sst s30  }
0x19a: {  	s4 =	simm.s32 $0x2F20;
	[smem:$0x791] =	sst s31  }
0x19b: {  	s8 =	simm.s32 $0x2FA0;
	[smem:$0x777] =	sst s4  }
0x19c: {  	s9 =	simm.s32 $0x2FC0;
	[smem:$0x77B] =	sst s8  }
0x19d: {  	s10 =	simm.s32 $0x2FE0;
	[smem:$0x77C] =	sst s9  }
0x19e: {  	s11 =	simm.s32 $0x3000;
	[smem:$0x77D] =	sst s10  }
0x19f: {  	s12 =	simm.s32 $0x3020;
	[smem:$0x77E] =	sst s11  }
0x1a0: {  	s13 =	simm.s32 $0x3040;
	[smem:$0x77F] =	sst s12  }
0x1a1: {  	s14 =	simm.s32 $0x3060;
	[smem:$0x780] =	sst s13  }
0x1a2: {  	s15 =	simm.s32 $0x3080;
	[smem:$0x781] =	sst s14  }
0x1a3: {  	s16 =	simm.s32 $0x30A0;
	[smem:$0x782] =	sst s15  }
0x1a4: {  	s17 =	simm.s32 $0x30C0;
	[smem:$0x783] =	sst s16  }
0x1a5: {  	s18 =	simm.s32 $0x30E0;
	[smem:$0x784] =	sst s17  }
0x1a6: {  	s19 =	simm.s32 $0x3100;
	[smem:$0x785] =	sst s18  }
0x1a7: {  	s2 =	simm.s32 $0x3280;
	[smem:$0x786] =	sst s19  }
0x1a8: {  	s5 =	simm.s32 $0x32C0;
	[smem:$0x792] =	sst s2  }
0x1a9: {  	s6 =	simm.s32 $0x32E0;
	[smem:$0x794] =	sst s5  }
0x1aa: {  	s7 =	simm.s32 $0x3300;
	[smem:$0x795] =	sst s6  }
0x1ab: {  	s20 =	simm.s32 $0x34A0;
	[smem:$0x796] =	sst s7  }
0x1ac: {  	s21 =	simm.s32 $0x34C0;
	[smem:$0x7A3] =	sst s20  }
0x1ad: {  	s22 =	simm.s32 $0x34E0;
	[smem:$0x7A4] =	sst s21  }
0x1ae: {  	s23 =	simm.s32 $0x3500;
	[smem:$0x7A5] =	sst s22  }
0x1af: {  	s24 =	simm.s32 $0x3520;
	[smem:$0x7A6] =	sst s23  }
0x1b0: {  	s25 =	simm.s32 $0x3540;
	[smem:$0x7A7] =	sst s24  }
0x1b1: {  	s26 =	simm.s32 $0x3560;
	[smem:$0x7A8] =	sst s25  }
0x1b2: {  	s28 =	simm.s32 $0x3580;
	[smem:$0x7A9] =	sst s26  }
0x1b3: {  	s29 =	simm.s32 $0x35A0;
	[smem:$0x7AA] =	sst s28  }
0x1b4: {  	s30 =	simm.s32 $0x35C0;
	[smem:$0x7AB] =	sst s29  }
0x1b5: {  	s31 =	simm.s32 $0x35E0;
	[smem:$0x7AC] =	sst s30  }
0x1b6: {  	s4 =	simm.s32 $0x32A0;
	[smem:$0x7AD] =	sst s31  }
0x1b7: {  	s8 =	simm.s32 $0x3320;
	[smem:$0x793] =	sst s4  }
0x1b8: {  	s9 =	simm.s32 $0x3340;
	[smem:$0x797] =	sst s8  }
0x1b9: {  	s10 =	simm.s32 $0x3360;
	[smem:$0x798] =	sst s9  }
0x1ba: {  	s11 =	simm.s32 $0x3380;
	[smem:$0x799] =	sst s10  }
0x1bb: {  	s12 =	simm.s32 $0x33A0;
	[smem:$0x79A] =	sst s11  }
0x1bc: {  	s13 =	simm.s32 $0x33C0;
	[smem:$0x79B] =	sst s12  }
0x1bd: {  	s14 =	simm.s32 $0x33E0;
	[smem:$0x79C] =	sst s13  }
0x1be: {  	s15 =	simm.s32 $0x3400;
	[smem:$0x79D] =	sst s14  }
0x1bf: {  	s16 =	simm.s32 $0x3420;
	[smem:$0x79E] =	sst s15  }
0x1c0: {  	s17 =	simm.s32 $0x3440;
	[smem:$0x79F] =	sst s16  }
0x1c1: {  	s18 =	simm.s32 $0x3460;
	[smem:$0x7A0] =	sst s17  }
0x1c2: {  	s19 =	simm.s32 $0x3480;
	[smem:$0x7A1] =	sst s18  }
0x1c3: {  	s2 =	simm.s32 $0x3600;
	[smem:$0x7A2] =	sst s19  }
0x1c4: {  	s5 =	simm.s32 $0x3620;
	[smem:$0x7AE] =	sst s2  }
0x1c5: {  	s6 =	simm.s32 $0x3640;
	[smem:$0x7AF] =	sst s5  }
0x1c6: {  	s7 =	simm.s32 $0x3660;
	[smem:$0x7B0] =	sst s6  }
0x1c7: {  	s20 =	simm.s32 $0x3800;
	[smem:$0x7B1] =	sst s7  }
0x1c8: {  	s21 =	simm.s32 $0x3820;
	[smem:$0x7BE] =	sst s20  }
0x1c9: {  	s22 =	simm.s32 $0x3840;
	[smem:$0x7BF] =	sst s21  }
0x1ca: {  	s23 =	simm.s32 $0x3860;
	[smem:$0x7C0] =	sst s22  }
0x1cb: {  	s24 =	simm.s32 $0x3880;
	[smem:$0x7C1] =	sst s23  }
0x1cc: {  	s25 =	simm.s32 $0x38A0;
	[smem:$0x7C2] =	sst s24  }
0x1cd: {  	s26 =	simm.s32 $0x38C0;
	[smem:$0x7C3] =	sst s25  }
0x1ce: {  	s28 =	simm.s32 $0x38E0;
	[smem:$0x7C4] =	sst s26  }
0x1cf: {  	s29 =	simm.s32 $0x3900;
	[smem:$0x7C5] =	sst s28  }
0x1d0: {  	s30 =	simm.s32 $0x3920;
	[smem:$0x7C6] =	sst s29  }
0x1d1: {  	s31 =	simm.s32 $0x3940;
	[smem:$0x7C7] =	sst s30  }
0x1d2: {  	s8 =	simm.s32 $0x3680;
	[smem:$0x7C8] =	sst s31  }
0x1d3: {  	s9 =	simm.s32 $0x36A0;
	[smem:$0x7B2] =	sst s8  }
0x1d4: {  	s10 =	simm.s32 $0x36C0;
	[smem:$0x7B3] =	sst s9  }
0x1d5: {  	s11 =	simm.s32 $0x36E0;
	[smem:$0x7B4] =	sst s10  }
0x1d6: {  	s12 =	simm.s32 $0x3700;
	[smem:$0x7B5] =	sst s11  }
0x1d7: {  	s13 =	simm.s32 $0x3720;
	[smem:$0x7B6] =	sst s12  }
0x1d8: {  	s14 =	simm.s32 $0x3740;
	[smem:$0x7B7] =	sst s13  }
0x1d9: {  	s15 =	simm.s32 $0x3760;
	[smem:$0x7B8] =	sst s14  }
0x1da: {  	s16 =	simm.s32 $0x3780;
	[smem:$0x7B9] =	sst s15  }
0x1db: {  	s17 =	simm.s32 $0x37A0;
	[smem:$0x7BA] =	sst s16  }
0x1dc: {  	s18 =	simm.s32 $0x37C0;
	[smem:$0x7BB] =	sst s17  }
0x1dd: {  	s19 =	simm.s32 $0x37E0;
	[smem:$0x7BC] =	sst s18  }
0x1de: {  	s2 =	simm.s32 $0x3FA0;
	[smem:$0x7BD] =	sst s19  }
0x1df: {  	s5 =	simm.s32 $0x3F80;
	[smem:$0x7C9] =	sst s2  }
0x1e0: {  	s6 =	simm.s32 $0x3960;
	[smem:$0x7CA] =	sst s5  }
0x1e1: {  	s7 =	simm.s32 $0x3F60;
	[smem:$0x7CB] =	sst s6  }
0x1e2: {  	s20 =	simm.s32 $0x3A40;
	[smem:$0x7CC] =	sst s7  }
0x1e3: {  	s21 =	simm.s32 $0x3E80;
	[smem:$0x7D9] =	sst s20  }
0x1e4: {  	s22 =	simm.s32 $0x3A60;
	[smem:$0x7DA] =	sst s21  }
0x1e5: {  	s23 =	simm.s32 $0x3E60;
	[smem:$0x7DB] =	sst s22  }
0x1e6: {  	s24 =	simm.s32 $0x3A80;
	[smem:$0x7DC] =	sst s23  }
0x1e7: {  	s25 =	simm.s32 $0x3E40;
	[smem:$0x7DD] =	sst s24  }
0x1e8: {  	s26 =	simm.s32 $0x3AA0;
	[smem:$0x7DE] =	sst s25  }
0x1e9: {  	s28 =	simm.s32 $0x3E20;
	[smem:$0x7DF] =	sst s26  }
0x1ea: {  	s29 =	simm.s32 $0x3AC0;
	[smem:$0x7E0] =	sst s28  }
0x1eb: {  	s30 =	simm.s32 $0x3E00;
	[smem:$0x7E1] =	sst s29  }
0x1ec: {  	s31 =	simm.s32 $0x3AE0;
	[smem:$0x7E2] =	sst s30  }
0x1ed: {  	s8 =	simm.s32 $0x3980;
	[smem:$0x7E3] =	sst s31  }
0x1ee: {  	s9 =	simm.s32 $0x3F40;
	[smem:$0x7CD] =	sst s8  }
0x1ef: {  	s10 =	simm.s32 $0x39A0;
	[smem:$0x7CE] =	sst s9  }
0x1f0: {  	s11 =	simm.s32 $0x3F20;
	[smem:$0x7CF] =	sst s10  }
0x1f1: {  	s12 =	simm.s32 $0x39C0;
	[smem:$0x7D0] =	sst s11  }
0x1f2: {  	s13 =	simm.s32 $0x3F00;
	[smem:$0x7D1] =	sst s12  }
0x1f3: {  	s14 =	simm.s32 $0x39E0;
	[smem:$0x7D2] =	sst s13  }
0x1f4: {  	s15 =	simm.s32 $0x3EE0;
	[smem:$0x7D3] =	sst s14  }
0x1f5: {  	s16 =	simm.s32 $0x3A00;
	[smem:$0x7D4] =	sst s15  }
0x1f6: {  	s17 =	simm.s32 $0x3EC0;
	[smem:$0x7D5] =	sst s16  }
0x1f7: {  	s18 =	simm.s32 $0x3A20;
	[smem:$0x7D6] =	sst s17  }
0x1f8: {  	s19 =	simm.s32 $0x3EA0;
	[smem:$0x7D7] =	sst s18  }
0x1f9: {  	s2 =	simm.s32 $0x3DE0;
	[smem:$0x7D8] =	sst s19  }
0x1fa: {  	s5 =	simm.s32 $0x3DC0;
	[smem:$0x7E4] =	sst s2  }
0x1fb: {  	s6 =	simm.s32 $0x3DA0;
	[smem:$0x7E5] =	sst s5  }
0x1fc: {  	s7 =	simm.s32 $0x3B00;
	[smem:$0x7E6] =	sst s6  }
0x1fd: {  	s20 =	simm.s32 $0x3C40;
	[smem:$0x7E7] =	sst s7  }
0x1fe: {  	s21 =	simm.s32 $0x3C20;
	[smem:$0x7F3] =	sst s20  }
0x1ff: {  	s22 =	simm.s32 $0x3C00;
	[smem:$0x7F4] =	sst s21  }
0x200: {  	s23 =	simm.s32 $0x3BE0;
	[smem:$0x7F5] =	sst s22  }
0x201: {  	s24 =	simm.s32 $0x3BC0;
	[smem:$0x7F6] =	sst s23  }
0x202: {  	s25 =	simm.s32 $0x3BA0;
	[smem:$0x7F7] =	sst s24  }
0x203: {  	s26 =	simm.s32 $0x3B80;
	[smem:$0x7F8] =	sst s25  }
0x204: {  	s28 =	simm.s32 $0x3B60;
	[smem:$0x7F9] =	sst s26  }
0x205: {  	s29 =	simm.s32 $0x3B40;
	[smem:$0x7FA] =	sst s28  }
0x206: {  	s30 =	simm.s32 $0x3FC0;
	[smem:$0x7FB] =	sst s29  }
0x207: {  	s31 =	simm.s32 $0x3FE0;
	[smem:$0x7FC] =	sst s30  }
0x208: {  	s8 =	simm.s32 $0x3D80;
	[smem:$0x7FD] =	sst s31  }
0x209: {  	s10 =	simm.s32 $0x3B20;
	[smem:$0x7E8] =	sst s8  }
0x20a: {  	s11 =	simm.s32 $0x3D60;
	[smem:$0x7E9] =	sst s10  }
0x20b: {  	s12 =	simm.s32 $0x3D40;
	[smem:$0x7EA] =	sst s11  }
0x20c: {  	s0 =	ssub.s32 $0x2, s0;
	s13 =	simm.s32 $0x3D20;
	[smem:$0x7EB] =	sst s12  }
0x20d: {  	s4 =	sadd.s32 $0xF43000, s1;
	s14 =	simm.s32 $0x3D00;
	[smem:$0x7EC] =	sst s13  }
0x20e: {  	s9 =	sshrl.u32 s0, $0x1;
	s15 =	simm.s32 $0x3CE0;
	[smem:$0x7ED] =	sst s14  }
0x20f: {  	s6 =	simm.s32 $0x3;
	s16 =	simm.s32 $0x3CC0;
	[smem:$0x7EE] =	sst s15  }
0x210: {  	s7 =	simm.s32 $0x1A;
	s17 =	simm.s32 $0x3CA0;
	[smem:$0x7EF] =	sst s16  }
0x211: {  	s18 =	simm.s32 $0x3C80;
	s19 =	simm.s32 $0x3C60;
	[smem:$0x7F0] =	sst s17  }
0x212: {  	s23 =	simm.s32 $0x1;
	s0 =	ssub.s32 s0, s9;
	[smem:$0x7F1] =	sst s18  }
0x213: {  	s24 =	simm.s32 $0x2;
	[smem:$0x7F2] =	sst s19;
	s2 =	smax.u32 s0, $0x1  }
.LBB2_1:
0x214: {  	[smem:$0x60A] =	sst s2  }
0x215: {  	s25 =	rddreg [dreg:$0x3];
	s0 =	simm.s32 $0x0  }
0x216: {  	[tilespmem:s0], [sflag:$0x3] =	stream.linear.gather [hbm4b:s25+s0], $0x4000, $0x38;
	[tilespmem:$0x11000] =	vst v63  }
0x217: {  	_ =	swait.ge [sflag:s6], $0x4000  }
0x218: {  	[sflag:s6] =	ssyncset.done $0x0  }
0x219: {  	s1 =	simm.s32 $0x4000;
	s19 =	rddreg [dreg:$0x13];
	[sflag:s6] =	ssyncadd.s32 $0xFFFFC000  }
0x21a: {  	[tilespmem:s1], [sflag:$0x1] =	stream.indirect.gather [hbm4b:s4+s7], $0x20, s0, s7, $0xb8;
	[tilespmem:$0x11000] =	vst v63  }
0x21b: {  	s20 =	simm.s32 $0x4340;
	s26 =	rddreg [dreg:$0x14]  }
0x21c: {  	[tilespmem:s20], [sflag:$0x1] =	stream.indirect.gather [hbm4b:s4+s7], $0x20, s19, s7, $0xb8;
	[tilespmem:$0x11000] =	vst v63  }
0x21d: {  	s22 =	simm.s32 $0x4680;
	s21 =	rddreg [dreg:$0x15]  }
0x21e: {  	[tilespmem:s22], [sflag:$0x1] =	stream.indirect.gather [hbm4b:s4+s7], $0x20, s26, s7, $0xb8;
	[tilespmem:$0x11000] =	vst v63  }
0x21f: {  	s29 =	simm.s32 $0x49C0;
	s28 =	rddreg [dreg:$0x16]  }
0x220: {  	[tilespmem:s29], [sflag:$0x1] =	stream.indirect.gather [hbm4b:s4+s7], $0x20, s21, s7, $0xb8;
	[tilespmem:$0x11000] =	vst v63  }
0x221: {  	s31 =	simm.s32 $0x4D00;
	s30 =	rddreg [dreg:$0x17]  }
0x222: {  	[tilespmem:s31], [sflag:$0x1] =	stream.indirect.gather [hbm4b:s4+s7], $0x20, s28, s7, $0xb8;
	[tilespmem:$0x11000] =	vst v63  }
0x223: {  	s3 =	simm.s32 $0x5040;
	s2 =	rddreg [dreg:$0x18]  }
0x224: {  	[tilespmem:s3], [sflag:$0x1] =	stream.indirect.gather [hbm4b:s4+s7], $0x20, s30, s7, $0xb8;
	[tilespmem:$0x11000] =	vst v63  }
0x225: {  	s13 =	simm.s32 $0x5380;
	s5 =	rddreg [dreg:$0x19]  }
0x226: {  	[tilespmem:s13], [sflag:$0x1] =	stream.indirect.gather [hbm4b:s4+s7], $0x20, s2, s7, $0xb8;
	[tilespmem:$0x11000] =	vst v63  }
0x227: {  	s15 =	simm.s32 $0x56C0;
	s14 =	rddreg [dreg:$0x1a]  }
0x228: {  	[tilespmem:s15], [sflag:$0x1] =	stream.indirect.gather [hbm4b:s4+s7], $0x20, s5, s7, $0xb8;
	[tilespmem:$0x11000] =	vst v63  }
0x229: {  	s17 =	simm.s32 $0x5A00;
	s16 =	rddreg [dreg:$0x1b]  }
0x22a: {  	[tilespmem:s17], [sflag:$0x1] =	stream.indirect.gather [hbm4b:s4+s7], $0x20, s14, s7, $0xb8;
	[tilespmem:$0x11000] =	vst v63  }
0x22b: {  	s18 =	rddreg [dreg:$0x1c];
	s19 =	simm.s32 $0x5D40  }
0x22c: {  	[tilespmem:s19], [sflag:$0x1] =	stream.indirect.gather [hbm4b:s4+s7], $0x20, s16, s7, $0xb8;
	[tilespmem:$0x11000] =	vst v63  }
0x22d: {  	s20 =	rddreg [dreg:$0x1d];
	s21 =	simm.s32 $0x6080  }
0x22e: {  	[tilespmem:s21], [sflag:$0x1] =	stream.indirect.gather [hbm4b:s4+s7], $0x20, s18, s7, $0xb8;
	[tilespmem:$0x11000] =	vst v63  }
0x22f: {  	s22 =	rddreg [dreg:$0x1e];
	s28 =	simm.s32 $0x63C0  }
0x230: {  	[tilespmem:s28], [sflag:$0x1] =	stream.indirect.gather [hbm4b:s4+s7], $0x20, s20, s7, $0xb8;
	[tilespmem:$0x11000] =	vst v63  }
0x231: {  	s29 =	rddreg [dreg:$0x1f];
	s30 =	simm.s32 $0x6700  }
0x232: {  	[tilespmem:s30], [sflag:$0x1] =	stream.indirect.gather [hbm4b:s4+s7], $0x20, s22, s7, $0xb8;
	[tilespmem:$0x11000] =	vst v63  }
0x233: {  	s31 =	sld [smem:$0x60C];
	s2 =	simm.s32 $0x6A40  }
0x234: {  	[tilespmem:s2], [sflag:$0x1] =	stream.indirect.gather [hbm4b:s4+s7], $0x20, s29, s7, $0xb8;
	[tilespmem:$0x11000] =	vst v63  }
0x235: {  	s3 =	sld [smem:$0x60D];
	s5 =	simm.s32 $0x6D80  }
0x236: {  	[tilespmem:s5], [sflag:$0x1] =	stream.indirect.gather [hbm4b:s4+s7], $0x20, s31, s7, $0xb8;
	[tilespmem:$0x11000] =	vst v63  }
0x237: {  	s15 =	sld [smem:$0x60E];
	s28 =	simm.s32 $0x70C0  }
0x238: {  	[tilespmem:s28], [sflag:$0x1] =	stream.indirect.gather [hbm4b:s4+s7], $0x20, s3, s7, $0xb8;
	[tilespmem:$0x11000] =	vst v63  }
0x239: {  	s30 =	simm.s32 $0x7400;
	s29 =	sld [smem:$0x60F]  }
0x23a: {  	[tilespmem:s30], [sflag:$0x1] =	stream.indirect.gather [hbm4b:s4+s7], $0x20, s15, s7, $0xb8;
	[tilespmem:$0x11000] =	vst v63  }
0x23b: {  	s2 =	simm.s32 $0x7740;
	s31 =	sld [smem:$0x610]  }
0x23c: {  	[tilespmem:s2], [sflag:$0x1] =	stream.indirect.gather [hbm4b:s4+s7], $0x20, s29, s7, $0xb8;
	[tilespmem:$0x11000] =	vst v63  }
0x23d: {  	s5 =	simm.s32 $0x7A80;
	s3 =	sld [smem:$0x611]  }
0x23e: {  	[tilespmem:s5], [sflag:$0x1] =	stream.indirect.gather [hbm4b:s4+s7], $0x20, s31, s7, $0xb8;
	[tilespmem:$0x11000] =	vst v63  }
0x23f: {  	s15 =	sld [smem:$0x612];
	s31 =	simm.s32 $0x7DC0  }
0x240: {  	[tilespmem:s31], [sflag:$0x1] =	stream.indirect.gather [hbm4b:s4+s7], $0x20, s3, s7, $0xb8;
	[tilespmem:$0x11000] =	vst v63  }
0x241: {  	s2 =	sld [smem:$0x613];
	s3 =	simm.s32 $0x8100  }
0x242: {  	[tilespmem:s3], [sflag:$0x1] =	stream.indirect.gather [hbm4b:s4+s7], $0x20, s15, s7, $0xb8;
	[tilespmem:$0x11000] =	vst v63  }
0x243: {  	s5 =	sld [smem:$0x614];
	s15 =	simm.s32 $0x8440  }
0x244: {  	[tilespmem:s15], [sflag:$0x1] =	stream.indirect.gather [hbm4b:s4+s7], $0x20, s2, s7, $0xb8;
	[tilespmem:$0x11000] =	vst v63  }
0x245: {  	s3 =	simm.s32 $0x8780;
	s2 =	sld [smem:$0x615]  }
0x246: {  	[tilespmem:s3], [sflag:$0x1] =	stream.indirect.gather [hbm4b:s4+s7], $0x20, s5, s7, $0xb8;
	[tilespmem:$0x11000] =	vst v63  }
0x247: {  	s15 =	simm.s32 $0x8AC0;
	s5 =	sld [smem:$0x616]  }
0x248: {  	[tilespmem:s15], [sflag:$0x1] =	stream.indirect.gather [hbm4b:s4+s7], $0x20, s2, s7, $0xb8;
	[tilespmem:$0x11000] =	vst v63  }
0x249: {  	s3 =	simm.s32 $0x8E00;
	s2 =	sld [smem:$0x617]  }
0x24a: {  	[tilespmem:s3], [sflag:$0x1] =	stream.indirect.gather [hbm4b:s4+s7], $0x20, s5, s7, $0xb8;
	[tilespmem:$0x11000] =	vst v63  }
0x24b: {  	s15 =	simm.s32 $0x9140;
	s5 =	sld [smem:$0x618]  }
0x24c: {  	[tilespmem:s15], [sflag:$0x1] =	stream.indirect.gather [hbm4b:s4+s7], $0x20, s2, s7, $0xb8;
	[tilespmem:$0x11000] =	vst v63  }
0x24d: {  	s3 =	simm.s32 $0x9480;
	s2 =	sld [smem:$0x619]  }
0x24e: {  	[tilespmem:s3], [sflag:$0x1] =	stream.indirect.gather [hbm4b:s4+s7], $0x20, s5, s7, $0xb8;
	[tilespmem:$0x11000] =	vst v63  }
0x24f: {  	s15 =	simm.s32 $0x97C0;
	s5 =	sld [smem:$0x61A]  }
0x250: {  	[tilespmem:s15], [sflag:$0x1] =	stream.indirect.gather [hbm4b:s4+s7], $0x20, s2, s7, $0xb8;
	[tilespmem:$0x11000] =	vst v63  }
0x251: {  	s3 =	simm.s32 $0x9B00;
	s2 =	sld [smem:$0x61B]  }
0x252: {  	[tilespmem:s3], [sflag:$0x1] =	stream.indirect.gather [hbm4b:s4+s7], $0x20, s5, s7, $0xb8;
	[tilespmem:$0x11000] =	vst v63  }
0x253: {  	s15 =	simm.s32 $0x9E40;
	s5 =	sld [smem:$0x61C]  }
0x254: {  	[tilespmem:s15], [sflag:$0x1] =	stream.indirect.gather [hbm4b:s4+s7], $0x20, s2, s7, $0xb8;
	[tilespmem:$0x11000] =	vst v63  }
0x255: {  	s3 =	simm.s32 $0xA180;
	s2 =	sld [smem:$0x61D]  }
0x256: {  	[tilespmem:s3], [sflag:$0x1] =	stream.indirect.gather [hbm4b:s4+s7], $0x20, s5, s7, $0xb8;
	[tilespmem:$0x11000] =	vst v63  }
0x257: {  	s15 =	simm.s32 $0xA4C0;
	s5 =	sld [smem:$0x61E]  }
0x258: {  	[tilespmem:s15], [sflag:$0x1] =	stream.indirect.gather [hbm4b:s4+s7], $0x20, s2, s7, $0xb8;
	[tilespmem:$0x11000] =	vst v63  }
0x259: {  	s3 =	simm.s32 $0xA800;
	s2 =	sld [smem:$0x61F]  }
0x25a: {  	[tilespmem:s3], [sflag:$0x2] =	stream.indirect.gather [hbm4b:s4+s7], $0x20, s5, s7, $0xb8;
	[tilespmem:$0x11000] =	vst v63  }
0x25b: {  	s0 =	simm.s32 $0xAB40;
	s5 =	sld [smem:$0x620]  }
0x25c: {  	[tilespmem:s0], [sflag:$0x2] =	stream.indirect.gather [hbm4b:s4+s7], $0x20, s2, s7, $0xb8;
	[tilespmem:$0x11000] =	vst v63  }
0x25d: {  	s15 =	simm.s32 $0xAE80;
	s3 =	sld [smem:$0x621]  }
0x25e: {  	[tilespmem:s15], [sflag:$0x2] =	stream.indirect.gather [hbm4b:s4+s7], $0x20, s5, s7, $0xb8;
	[tilespmem:$0x11000] =	vst v63  }
0x25f: {  	s0 =	sld [smem:$0x622];
	s5 =	simm.s32 $0xB1C0  }
0x260: {  	[tilespmem:s5], [sflag:$0x2] =	stream.indirect.gather [hbm4b:s4+s7], $0x20, s3, s7, $0xb8;
	[tilespmem:$0x11000] =	vst v63  }
0x261: {  	s15 =	sld [smem:$0x623];
	s3 =	simm.s32 $0xB500  }
0x262: {  	[tilespmem:s3], [sflag:$0x2] =	stream.indirect.gather [hbm4b:s4+s7], $0x20, s0, s7, $0xb8;
	[tilespmem:$0x11000] =	vst v63  }
0x263: {  	s5 =	sld [smem:$0x624];
	s0 =	simm.s32 $0xB840  }
0x264: {  	[tilespmem:s0], [sflag:$0x2] =	stream.indirect.gather [hbm4b:s4+s7], $0x20, s15, s7, $0xb8;
	[tilespmem:$0x11000] =	vst v63  }
0x265: {  	s3 =	sld [smem:$0x625];
	s15 =	simm.s32 $0xBB80  }
0x266: {  	[tilespmem:s15], [sflag:$0x2] =	stream.indirect.gather [hbm4b:s4+s7], $0x20, s5, s7, $0xb8;
	[tilespmem:$0x11000] =	vst v63  }
0x267: {  	s0 =	sld [smem:$0x626];
	s5 =	simm.s32 $0xBEC0  }
0x268: {  	[tilespmem:s5], [sflag:$0x2] =	stream.indirect.gather [hbm4b:s4+s7], $0x20, s3, s7, $0xb8;
	[tilespmem:$0x11000] =	vst v63  }
0x269: {  	s15 =	sld [smem:$0x627];
	s3 =	simm.s32 $0xC200  }
0x26a: {  	[tilespmem:s3], [sflag:$0x2] =	stream.indirect.gather [hbm4b:s4+s7], $0x20, s0, s7, $0xb8;
	[tilespmem:$0x11000] =	vst v63  }
0x26b: {  	s5 =	sld [smem:$0x628];
	s0 =	simm.s32 $0xC540  }
0x26c: {  	[tilespmem:s0], [sflag:$0x2] =	stream.indirect.gather [hbm4b:s4+s7], $0x20, s15, s7, $0xb8;
	[tilespmem:$0x11000] =	vst v63  }
0x26d: {  	s3 =	sld [smem:$0x629];
	s15 =	simm.s32 $0xC880  }
0x26e: {  	[tilespmem:s15], [sflag:$0x2] =	stream.indirect.gather [hbm4b:s4+s7], $0x20, s5, s7, $0xb8;
	[tilespmem:$0x11000] =	vst v63  }
0x26f: {  	s0 =	sld [smem:$0x62A];
	s5 =	simm.s32 $0xCBC0  }
0x270: {  	[tilespmem:s5], [sflag:$0x2] =	stream.indirect.gather [hbm4b:s4+s7], $0x20, s3, s7, $0xb8;
	[tilespmem:$0x11000] =	vst v63  }
0x271: {  	s15 =	sld [smem:$0x62B];
	s3 =	simm.s32 $0xCF00  }
0x272: {  	[tilespmem:s3], [sflag:$0x2] =	stream.indirect.gather [hbm4b:s4+s7], $0x20, s0, s7, $0xb8;
	[tilespmem:$0x11000] =	vst v63  }
0x273: {  	s5 =	sld [smem:$0x62C];
	s0 =	simm.s32 $0xD240  }
0x274: {  	[tilespmem:s0], [sflag:$0x2] =	stream.indirect.gather [hbm4b:s4+s7], $0x20, s15, s7, $0xb8;
	[tilespmem:$0x11000] =	vst v63  }
0x275: {  	s3 =	sld [smem:$0x62D];
	s15 =	simm.s32 $0xD580  }
0x276: {  	[tilespmem:s15], [sflag:$0x2] =	stream.indirect.gather [hbm4b:s4+s7], $0x20, s5, s7, $0xb8;
	[tilespmem:$0x11000] =	vst v63  }
0x277: {  	s0 =	sld [smem:$0x62E];
	s5 =	simm.s32 $0xD8C0  }
0x278: {  	[tilespmem:s5], [sflag:$0x2] =	stream.indirect.gather [hbm4b:s4+s7], $0x20, s3, s7, $0xb8;
	[tilespmem:$0x11000] =	vst v63  }
0x279: {  	s15 =	sld [smem:$0x62F];
	s3 =	simm.s32 $0xDC00  }
0x27a: {  	[tilespmem:s3], [sflag:$0x2] =	stream.indirect.gather [hbm4b:s4+s7], $0x20, s0, s7, $0xb8;
	[tilespmem:$0x11000] =	vst v63  }
0x27b: {  	s5 =	sld [smem:$0x630];
	s0 =	simm.s32 $0xDF40  }
0x27c: {  	[tilespmem:s0], [sflag:$0x2] =	stream.indirect.gather [hbm4b:s4+s7], $0x20, s15, s7, $0xb8;
	[tilespmem:$0x11000] =	vst v63  }
0x27d: {  	s3 =	sld [smem:$0x631];
	s15 =	simm.s32 $0xE280  }
0x27e: {  	[tilespmem:s15], [sflag:$0x2] =	stream.indirect.gather [hbm4b:s4+s7], $0x20, s5, s7, $0xb8;
	[tilespmem:$0x11000] =	vst v63  }
0x27f: {  	s26 =	sld [smem:$0x632];
	s0 =	simm.s32 $0xE5C0  }
0x280: {  	[tilespmem:s0], [sflag:$0x2] =	stream.indirect.gather [hbm4b:s4+s7], $0x20, s3, s7, $0xb8;
	[tilespmem:$0x11000] =	vst v63  }
0x281: {  	s15 =	simm.s32 $0xE900;
	s3 =	sld [smem:$0x633]  }
0x282: {  	[tilespmem:s15], [sflag:$0x2] =	stream.indirect.gather [hbm4b:s4+s7], $0x20, s26, s7, $0xb8;
	[tilespmem:$0x11000] =	vst v63  }
0x283: {  	s0 =	simm.s32 $0xEC40;
	s26 =	sld [smem:$0x634]  }
0x284: {  	[tilespmem:s0], [sflag:$0x2] =	stream.indirect.gather [hbm4b:s4+s7], $0x20, s3, s7, $0xb8;
	[tilespmem:$0x11000] =	vst v63  }
0x285: {  	s25 =	sld [smem:$0x635];
	s3 =	simm.s32 $0xEF80  }
0x286: {  	[tilespmem:s3], [sflag:$0x2] =	stream.indirect.gather [hbm4b:s4+s7], $0x20, s26, s7, $0xb8;
	[tilespmem:$0x11000] =	vst v63  }
0x287: {  	s0 =	simm.s32 $0xF2C0;
	s26 =	sld [smem:$0x636]  }
0x288: {  	[tilespmem:s0], [sflag:$0x2] =	stream.indirect.gather [hbm4b:s4+s7], $0x20, s25, s7, $0xb8;
	[tilespmem:$0x11000] =	vst v63  }
0x289: {  	s3 =	simm.s32 $0xF600;
	s25 =	sld [smem:$0x637]  }
0x28a: {  	[tilespmem:s3], [sflag:$0x2] =	stream.indirect.gather [hbm4b:s4+s7], $0x20, s26, s7, $0xb8;
	[tilespmem:$0x11000] =	vst v63  }
0x28b: {  	s0 =	simm.s32 $0xF940;
	s26 =	sld [smem:$0x638]  }
0x28c: {  	[tilespmem:s0], [sflag:$0x2] =	stream.indirect.gather [hbm4b:s4+s7], $0x20, s25, s7, $0xb8;
	[tilespmem:$0x11000] =	vst v63  }
0x28d: {  	s3 =	sld [smem:$0x639];
	s0 =	simm.s32 $0xFC80  }
0x28e: {  	[tilespmem:s0], [sflag:$0x2] =	stream.indirect.gather [hbm4b:s4+s7], $0x20, s26, s7, $0xb8;
	[tilespmem:$0x11000] =	vst v63  }
0x28f: {  	s2 =	simm.s32 $0xFFC0  }
0x290: {  	[tilespmem:s2], [sflag:$0x2] =	stream.indirect.gather [hbm4b:s4+s7], $0x20, s3, s7, $0xb8;
	[tilespmem:$0x11000] =	vst v63  }
0x291: {  	s3 =	sld [smem:$0x63A];
	_ =	sdelay $0x1  }
0x292: {  	s0 =	simm.s32 $0x10300;
	s26 =	sld [smem:$0x63B]  }
0x293: {  	[tilespmem:s0], [sflag:$0x2] =	stream.indirect.gather [hbm4b:s4+s7], $0x20, s3, s7, $0xb8;
	[tilespmem:$0x11000] =	vst v63  }
0x294: {  	s25 =	sld [smem:$0x63C];
	s3 =	simm.s32 $0x10640  }
0x295: {  	[tilespmem:s3], [sflag:$0x2] =	stream.indirect.gather [hbm4b:s4+s7], $0x20, s26, s7, $0xb8;
	[tilespmem:$0x11000] =	vst v63  }
0x296: {  	s0 =	sld [smem:$0x63D];
	s3 =	simm.s32 $0x10980  }
0x297: {  	[tilespmem:s3], [sflag:$0x2] =	stream.indirect.gather [hbm4b:s4+s7], $0x20, s25, s7, $0xb8;
	[tilespmem:$0x11000] =	vst v63  }
0x298: {  	s3 =	simm.s32 $0x10CC0  }
0x299: {  	[tilespmem:s3], [sflag:$0x2] =	stream.indirect.gather [hbm4b:s4+s7], $0x20, s0, s7, $0xb8;
	[tilespmem:$0x11000] =	vst v63  }
0x29a: {  	_ =	swait.ge [sflag:s23], $0x6800  }
0x29b: {  	s26 =	sld [smem:$0x60B]  }
0x29c: {  	[sflag:s23] =	ssyncset.done $0x0  }
0x29d: {  	s3 =	simm.s32 $0x4000;
	s0 =	simm.s32 $0x0;
	[sflag:s23] =	ssyncadd.s32 $0xFFFF9800  }
0x29e: {  	[hbm4b:s26+s0] =	stream.linear.scatter [tilespmem:s3], [sflag:$0x3], $0x6800, $0x38;
	[tilespmem:$0x11000] =	vst v63  }
0x29f: {  	_ =	swait.ge [sflag:s6], $0x6800  }
0x2a0: {  	s2 =	sld [smem:$0x63E]  }
0x2a1: {  	[sflag:s6] =	ssyncset.done $0x0  }
0x2a2: {  	s26 =	sld [smem:$0x63F];
	[sflag:s6] =	ssyncadd.s32 $0xFFFF9800  }
0x2a3: {  	[tilespmem:s3], [sflag:$0x1] =	stream.indirect.gather [hbm4b:s4+s7], $0x20, s2, s7, $0xb8;
	[tilespmem:$0x11000] =	vst v63  }
0x2a4: {  	s1 =	simm.s32 $0x4340;
	s2 =	sld [smem:$0x640]  }
0x2a5: {  	[tilespmem:s1], [sflag:$0x1] =	stream.indirect.gather [hbm4b:s4+s7], $0x20, s26, s7, $0xb8;
	[tilespmem:$0x11000] =	vst v63  }
0x2a6: {  	s8 =	simm.s32 $0x4680;
	s3 =	sld [smem:$0x641]  }
0x2a7: {  	[tilespmem:s8], [sflag:$0x1] =	stream.indirect.gather [hbm4b:s4+s7], $0x20, s2, s7, $0xb8;
	[tilespmem:$0x11000] =	vst v63  }
0x2a8: {  	s9 =	simm.s32 $0x49C0;
	s8 =	sld [smem:$0x642]  }
0x2a9: {  	[tilespmem:s9], [sflag:$0x1] =	stream.indirect.gather [hbm4b:s4+s7], $0x20, s3, s7, $0xb8;
	[tilespmem:$0x11000] =	vst v63  }
0x2aa: {  	s10 =	simm.s32 $0x4D00;
	s9 =	sld [smem:$0x643]  }
0x2ab: {  	[tilespmem:s10], [sflag:$0x1] =	stream.indirect.gather [hbm4b:s4+s7], $0x20, s8, s7, $0xb8;
	[tilespmem:$0x11000] =	vst v63  }
0x2ac: {  	s11 =	simm.s32 $0x5040;
	s10 =	sld [smem:$0x644]  }
0x2ad: {  	[tilespmem:s11], [sflag:$0x1] =	stream.indirect.gather [hbm4b:s4+s7], $0x20, s9, s7, $0xb8;
	[tilespmem:$0x11000] =	vst v63  }
0x2ae: {  	s12 =	simm.s32 $0x5380;
	s11 =	sld [smem:$0x645]  }
0x2af: {  	[tilespmem:s12], [sflag:$0x1] =	stream.indirect.gather [hbm4b:s4+s7], $0x20, s10, s7, $0xb8;
	[tilespmem:$0x11000] =	vst v63  }
0x2b0: {  	s13 =	simm.s32 $0x56C0;
	s12 =	sld [smem:$0x646]  }
0x2b1: {  	[tilespmem:s13], [sflag:$0x1] =	stream.indirect.gather [hbm4b:s4+s7], $0x20, s11, s7, $0xb8;
	[tilespmem:$0x11000] =	vst v63  }
0x2b2: {  	s14 =	simm.s32 $0x5A00;
	s13 =	sld [smem:$0x647]  }
0x2b3: {  	[tilespmem:s14], [sflag:$0x1] =	stream.indirect.gather [hbm4b:s4+s7], $0x20, s12, s7, $0xb8;
	[tilespmem:$0x11000] =	vst v63  }
0x2b4: {  	s16 =	simm.s32 $0x5D40;
	s14 =	sld [smem:$0x648]  }
0x2b5: {  	[tilespmem:s16], [sflag:$0x1] =	stream.indirect.gather [hbm4b:s4+s7], $0x20, s13, s7, $0xb8;
	[tilespmem:$0x11000] =	vst v63  }
0x2b6: {  	s17 =	simm.s32 $0x6080;
	s16 =	sld [smem:$0x649]  }
0x2b7: {  	[tilespmem:s17], [sflag:$0x1] =	stream.indirect.gather [hbm4b:s4+s7], $0x20, s14, s7, $0xb8;
	[tilespmem:$0x11000] =	vst v63  }
0x2b8: {  	s18 =	simm.s32 $0x63C0;
	s17 =	sld [smem:$0x64A]  }
0x2b9: {  	[tilespmem:s18], [sflag:$0x1] =	stream.indirect.gather [hbm4b:s4+s7], $0x20, s16, s7, $0xb8;
	[tilespmem:$0x11000] =	vst v63  }
0x2ba: {  	s19 =	simm.s32 $0x6700;
	s18 =	sld [smem:$0x64B]  }
0x2bb: {  	[tilespmem:s19], [sflag:$0x1] =	stream.indirect.gather [hbm4b:s4+s7], $0x20, s17, s7, $0xb8;
	[tilespmem:$0x11000] =	vst v63  }
0x2bc: {  	s20 =	simm.s32 $0x6A40;
	s19 =	sld [smem:$0x64C]  }
0x2bd: {  	[tilespmem:s20], [sflag:$0x1] =	stream.indirect.gather [hbm4b:s4+s7], $0x20, s18, s7, $0xb8;
	[tilespmem:$0x11000] =	vst v63  }
0x2be: {  	s21 =	simm.s32 $0x6D80;
	s20 =	sld [smem:$0x64D]  }
0x2bf: {  	[tilespmem:s21], [sflag:$0x1] =	stream.indirect.gather [hbm4b:s4+s7], $0x20, s19, s7, $0xb8;
	[tilespmem:$0x11000] =	vst v63  }
0x2c0: {  	s22 =	simm.s32 $0x70C0;
	s1 =	sld [smem:$0x64E]  }
0x2c1: {  	[tilespmem:s22], [sflag:$0x1] =	stream.indirect.gather [hbm4b:s4+s7], $0x20, s20, s7, $0xb8;
	[tilespmem:$0x11000] =	vst v63  }
0x2c2: {  	s28 =	simm.s32 $0x7400;
	s2 =	sld [smem:$0x64F]  }
0x2c3: {  	[tilespmem:s28], [sflag:$0x1] =	stream.indirect.gather [hbm4b:s4+s7], $0x20, s1, s7, $0xb8;
	[tilespmem:$0x11000] =	vst v63  }
0x2c4: {  	s29 =	simm.s32 $0x7740;
	s3 =	sld [smem:$0x650]  }
0x2c5: {  	[tilespmem:s29], [sflag:$0x1] =	stream.indirect.gather [hbm4b:s4+s7], $0x20, s2, s7, $0xb8;
	[tilespmem:$0x11000] =	vst v63  }
0x2c6: {  	s30 =	simm.s32 $0x7A80;
	s8 =	sld [smem:$0x651]  }
0x2c7: {  	[tilespmem:s30], [sflag:$0x1] =	stream.indirect.gather [hbm4b:s4+s7], $0x20, s3, s7, $0xb8;
	[tilespmem:$0x11000] =	vst v63  }
0x2c8: {  	s31 =	simm.s32 $0x7DC0;
	s9 =	sld [smem:$0x652]  }
0x2c9: {  	[tilespmem:s31], [sflag:$0x1] =	stream.indirect.gather [hbm4b:s4+s7], $0x20, s8, s7, $0xb8;
	[tilespmem:$0x11000] =	vst v63  }
0x2ca: {  	s10 =	sld [smem:$0x653];
	s2 =	simm.s32 $0x8100  }
0x2cb: {  	[tilespmem:s2], [sflag:$0x1] =	stream.indirect.gather [hbm4b:s4+s7], $0x20, s9, s7, $0xb8;
	[tilespmem:$0x11000] =	vst v63  }
0x2cc: {  	s11 =	sld [smem:$0x654];
	s12 =	simm.s32 $0x8440  }
0x2cd: {  	[tilespmem:s12], [sflag:$0x1] =	stream.indirect.gather [hbm4b:s4+s7], $0x20, s10, s7, $0xb8;
	[tilespmem:$0x11000] =	vst v63  }
0x2ce: {  	s13 =	sld [smem:$0x655];
	s14 =	simm.s32 $0x8780  }
0x2cf: {  	[tilespmem:s14], [sflag:$0x1] =	stream.indirect.gather [hbm4b:s4+s7], $0x20, s11, s7, $0xb8;
	[tilespmem:$0x11000] =	vst v63  }
0x2d0: {  	s16 =	sld [smem:$0x656];
	s17 =	simm.s32 $0x8AC0  }
0x2d1: {  	[tilespmem:s17], [sflag:$0x1] =	stream.indirect.gather [hbm4b:s4+s7], $0x20, s13, s7, $0xb8;
	[tilespmem:$0x11000] =	vst v63  }
0x2d2: {  	s18 =	sld [smem:$0x657];
	s19 =	simm.s32 $0x8E00  }
0x2d3: {  	[tilespmem:s19], [sflag:$0x1] =	stream.indirect.gather [hbm4b:s4+s7], $0x20, s16, s7, $0xb8;
	[tilespmem:$0x11000] =	vst v63  }
0x2d4: {  	s21 =	simm.s32 $0x9140;
	s20 =	sld [smem:$0x658]  }
0x2d5: {  	[tilespmem:s21], [sflag:$0x1] =	stream.indirect.gather [hbm4b:s4+s7], $0x20, s18, s7, $0xb8;
	[tilespmem:$0x11000] =	vst v63  }
0x2d6: {  	s22 =	sld [smem:$0x659];
	s28 =	simm.s32 $0x9480  }
0x2d7: {  	[tilespmem:s28], [sflag:$0x1] =	stream.indirect.gather [hbm4b:s4+s7], $0x20, s20, s7, $0xb8;
	[tilespmem:$0x11000] =	vst v63  }
0x2d8: {  	s29 =	sld [smem:$0x65A];
	s30 =	simm.s32 $0x97C0  }
0x2d9: {  	[tilespmem:s30], [sflag:$0x1] =	stream.indirect.gather [hbm4b:s4+s7], $0x20, s22, s7, $0xb8;
	[tilespmem:$0x11000] =	vst v63  }
0x2da: {  	s3 =	simm.s32 $0x9B00;
	s31 =	sld [smem:$0x65B]  }
0x2db: {  	[tilespmem:s3], [sflag:$0x1] =	stream.indirect.gather [hbm4b:s4+s7], $0x20, s29, s7, $0xb8;
	[tilespmem:$0x11000] =	vst v63  }
0x2dc: {  	s8 =	sld [smem:$0x65C];
	s9 =	simm.s32 $0x9E40  }
0x2dd: {  	[tilespmem:s9], [sflag:$0x1] =	stream.indirect.gather [hbm4b:s4+s7], $0x20, s31, s7, $0xb8;
	[tilespmem:$0x11000] =	vst v63  }
0x2de: {  	s10 =	sld [smem:$0x65D];
	s11 =	simm.s32 $0xA180  }
0x2df: {  	[tilespmem:s11], [sflag:$0x1] =	stream.indirect.gather [hbm4b:s4+s7], $0x20, s8, s7, $0xb8;
	[tilespmem:$0x11000] =	vst v63  }
0x2e0: {  	s12 =	simm.s32 $0xA4C0  }
0x2e1: {  	[tilespmem:s12], [sflag:$0x1] =	stream.indirect.gather [hbm4b:s4+s7], $0x20, s10, s7, $0xb8;
	[tilespmem:$0x11000] =	vst v63  }
0x2e2: {  	_ =	swait.ge [sflag:s24], $0x6800  }
0x2e3: {  	[sflag:s24] =	ssyncset.done $0x0  }
0x2e4: {  	s14 =	simm.s32 $0xA800;
	s13 =	rddreg [dreg:$0x4];
	[sflag:s24] =	ssyncadd.s32 $0xFFFF9800  }
0x2e5: {  	[hbm4b:s13+s0] =	stream.linear.scatter [tilespmem:s14], [sflag:$0x3], $0x6800, $0x38;
	[tilespmem:$0x11000] =	vst v63  }
0x2e6: {  	_ =	swait.ge [sflag:s6], $0x6800  }
0x2e7: {  	s16 =	sld [smem:$0x65E]  }
0x2e8: {  	[sflag:s6] =	ssyncset.done $0x0  }
0x2e9: {  	s17 =	sld [smem:$0x65F];
	[sflag:s6] =	ssyncadd.s32 $0xFFFF9800  }
0x2ea: {  	[tilespmem:s14], [sflag:$0x2] =	stream.indirect.gather [hbm4b:s4+s7], $0x20, s16, s7, $0xb8;
	[tilespmem:$0x11000] =	vst v63  }
0x2eb: {  	s9 =	simm.s32 $0xAB40;
	s18 =	sld [smem:$0x660]  }
0x2ec: {  	[tilespmem:s9], [sflag:$0x2] =	stream.indirect.gather [hbm4b:s4+s7], $0x20, s17, s7, $0xb8;
	[tilespmem:$0x11000] =	vst v63  }
0x2ed: {  	s12 =	simm.s32 $0xAE80;
	s19 =	sld [smem:$0x661]  }
0x2ee: {  	[tilespmem:s12], [sflag:$0x2] =	stream.indirect.gather [hbm4b:s4+s7], $0x20, s18, s7, $0xb8;
	[tilespmem:$0x11000] =	vst v63  }
0x2ef: {  	s11 =	simm.s32 $0xB1C0;
	s20 =	sld [smem:$0x662]  }
0x2f0: {  	[tilespmem:s11], [sflag:$0x2] =	stream.indirect.gather [hbm4b:s4+s7], $0x20, s19, s7, $0xb8;
	[tilespmem:$0x11000] =	vst v63  }
0x2f1: {  	s21 =	sld [smem:$0x663];
	s14 =	simm.s32 $0xB500  }
0x2f2: {  	[tilespmem:s14], [sflag:$0x2] =	stream.indirect.gather [hbm4b:s4+s7], $0x20, s20, s7, $0xb8;
	[tilespmem:$0x11000] =	vst v63  }
0x2f3: {  	s13 =	simm.s32 $0xB840;
	s22 =	sld [smem:$0x664]  }
0x2f4: {  	[tilespmem:s13], [sflag:$0x2] =	stream.indirect.gather [hbm4b:s4+s7], $0x20, s21, s7, $0xb8;
	[tilespmem:$0x11000] =	vst v63  }
0x2f5: {  	s28 =	sld [smem:$0x665];
	s17 =	simm.s32 $0xBB80  }
0x2f6: {  	[tilespmem:s17], [sflag:$0x2] =	stream.indirect.gather [hbm4b:s4+s7], $0x20, s22, s7, $0xb8;
	[tilespmem:$0x11000] =	vst v63  }
0x2f7: {  	s29 =	sld [smem:$0x666];
	s16 =	simm.s32 $0xBEC0  }
0x2f8: {  	[tilespmem:s16], [sflag:$0x2] =	stream.indirect.gather [hbm4b:s4+s7], $0x20, s28, s7, $0xb8;
	[tilespmem:$0x11000] =	vst v63  }
0x2f9: {  	s30 =	sld [smem:$0x667];
	s19 =	simm.s32 $0xC200  }
0x2fa: {  	[tilespmem:s19], [sflag:$0x2] =	stream.indirect.gather [hbm4b:s4+s7], $0x20, s29, s7, $0xb8;
	[tilespmem:$0x11000] =	vst v63  }
0x2fb: {  	s31 =	sld [smem:$0x668];
	s18 =	simm.s32 $0xC540  }
0x2fc: {  	[tilespmem:s18], [sflag:$0x2] =	stream.indirect.gather [hbm4b:s4+s7], $0x20, s30, s7, $0xb8;
	[tilespmem:$0x11000] =	vst v63  }
0x2fd: {  	s0 =	sld [smem:$0x669];
	s21 =	simm.s32 $0xC880  }
0x2fe: {  	[tilespmem:s21], [sflag:$0x2] =	stream.indirect.gather [hbm4b:s4+s7], $0x20, s31, s7, $0xb8;
	[tilespmem:$0x11000] =	vst v63  }
0x2ff: {  	s1 =	sld [smem:$0x66A];
	s20 =	simm.s32 $0xCBC0  }
0x300: {  	[tilespmem:s20], [sflag:$0x2] =	stream.indirect.gather [hbm4b:s4+s7], $0x20, s0, s7, $0xb8;
	[tilespmem:$0x11000] =	vst v63  }
0x301: {  	s3 =	sld [smem:$0x66B];
	s28 =	simm.s32 $0xCF00  }
0x302: {  	[tilespmem:s28], [sflag:$0x2] =	stream.indirect.gather [hbm4b:s4+s7], $0x20, s1, s7, $0xb8;
	[tilespmem:$0x11000] =	vst v63  }
0x303: {  	s8 =	sld [smem:$0x66C];
	s22 =	simm.s32 $0xD240  }
0x304: {  	[tilespmem:s22], [sflag:$0x2] =	stream.indirect.gather [hbm4b:s4+s7], $0x20, s3, s7, $0xb8;
	[tilespmem:$0x11000] =	vst v63  }
0x305: {  	s10 =	sld [smem:$0x66D];
	s30 =	simm.s32 $0xD580  }
0x306: {  	[tilespmem:s30], [sflag:$0x2] =	stream.indirect.gather [hbm4b:s4+s7], $0x20, s8, s7, $0xb8;
	[tilespmem:$0x11000] =	vst v63  }
0x307: {  	s29 =	simm.s32 $0xD8C0;
	s31 =	sld [smem:$0x66E]  }
0x308: {  	[tilespmem:s29], [sflag:$0x2] =	stream.indirect.gather [hbm4b:s4+s7], $0x20, s10, s7, $0xb8;
	[tilespmem:$0x11000] =	vst v63  }
0x309: {  	s0 =	sld [smem:$0x66F];
	s10 =	simm.s32 $0xDC00  }
0x30a: {  	[tilespmem:s10], [sflag:$0x2] =	stream.indirect.gather [hbm4b:s4+s7], $0x20, s31, s7, $0xb8;
	[tilespmem:$0x11000] =	vst v63  }
0x30b: {  	s1 =	sld [smem:$0x670];
	s31 =	simm.s32 $0xDF40  }
0x30c: {  	[tilespmem:s31], [sflag:$0x2] =	stream.indirect.gather [hbm4b:s4+s7], $0x20, s0, s7, $0xb8;
	[tilespmem:$0x11000] =	vst v63  }
0x30d: {  	s5 =	simm.s32 $0xE280;
	s3 =	sld [smem:$0x671]  }
0x30e: {  	[tilespmem:s5], [sflag:$0x2] =	stream.indirect.gather [hbm4b:s4+s7], $0x20, s1, s7, $0xb8;
	[tilespmem:$0x11000] =	vst v63  }
0x30f: {  	s8 =	simm.s32 $0xE5C0;
	s5 =	sld [smem:$0x672]  }
0x310: {  	[tilespmem:s8], [sflag:$0x2] =	stream.indirect.gather [hbm4b:s4+s7], $0x20, s3, s7, $0xb8;
	[tilespmem:$0x11000] =	vst v63  }
0x311: {  	s15 =	simm.s32 $0xE900;
	s0 =	sld [smem:$0x673]  }
0x312: {  	[tilespmem:s15], [sflag:$0x2] =	stream.indirect.gather [hbm4b:s4+s7], $0x20, s5, s7, $0xb8;
	[tilespmem:$0x11000] =	vst v63  }
0x313: {  	s1 =	sld [smem:$0x674];
	s15 =	simm.s32 $0xEC40  }
0x314: {  	[tilespmem:s15], [sflag:$0x2] =	stream.indirect.gather [hbm4b:s4+s7], $0x20, s0, s7, $0xb8;
	[tilespmem:$0x11000] =	vst v63  }
0x315: {  	s3 =	sld [smem:$0x675];
	s5 =	simm.s32 $0xEF80  }
0x316: {  	[tilespmem:s5], [sflag:$0x2] =	stream.indirect.gather [hbm4b:s4+s7], $0x20, s1, s7, $0xb8;
	[tilespmem:$0x11000] =	vst v63  }
0x317: {  	s25 =	sld [smem:$0x676];
	s1 =	simm.s32 $0xF2C0  }
0x318: {  	[tilespmem:s1], [sflag:$0x2] =	stream.indirect.gather [hbm4b:s4+s7], $0x20, s3, s7, $0xb8;
	[tilespmem:$0x11000] =	vst v63  }
0x319: {  	s5 =	simm.s32 $0xF600;
	s3 =	sld [smem:$0x677]  }
0x31a: {  	[tilespmem:s5], [sflag:$0x2] =	stream.indirect.gather [hbm4b:s4+s7], $0x20, s25, s7, $0xb8;
	[tilespmem:$0x11000] =	vst v63  }
0x31b: {  	s1 =	simm.s32 $0xF940;
	s25 =	sld [smem:$0x678]  }
0x31c: {  	[tilespmem:s1], [sflag:$0x2] =	stream.indirect.gather [hbm4b:s4+s7], $0x20, s3, s7, $0xb8;
	[tilespmem:$0x11000] =	vst v63  }
0x31d: {  	s5 =	simm.s32 $0xFC80;
	s3 =	sld [smem:$0x679]  }
0x31e: {  	[tilespmem:s5], [sflag:$0x2] =	stream.indirect.gather [hbm4b:s4+s7], $0x20, s25, s7, $0xb8;
	[tilespmem:$0x11000] =	vst v63  }
0x31f: {  	s0 =	sld [smem:$0x67A];
	s5 =	simm.s32 $0xFFC0  }
0x320: {  	[tilespmem:s5], [sflag:$0x2] =	stream.indirect.gather [hbm4b:s4+s7], $0x20, s3, s7, $0xb8;
	[tilespmem:$0x11000] =	vst v63  }
0x321: {  	s26 =	sld [smem:$0x67B];
	s1 =	simm.s32 $0x10300  }
0x322: {  	[tilespmem:s1], [sflag:$0x2] =	stream.indirect.gather [hbm4b:s4+s7], $0x20, s0, s7, $0xb8;
	[tilespmem:$0x11000] =	vst v63  }
0x323: {  	s25 =	sld [smem:$0x67C];
	s3 =	simm.s32 $0x10640  }
0x324: {  	[tilespmem:s3], [sflag:$0x2] =	stream.indirect.gather [hbm4b:s4+s7], $0x20, s26, s7, $0xb8;
	[tilespmem:$0x11000] =	vst v63  }
0x325: {  	s1 =	sld [smem:$0x67D];
	s3 =	simm.s32 $0x10980  }
0x326: {  	[tilespmem:s3], [sflag:$0x2] =	stream.indirect.gather [hbm4b:s4+s7], $0x20, s25, s7, $0xb8;
	[tilespmem:$0x11000] =	vst v63  }
0x327: {  	s3 =	simm.s32 $0x10CC0  }
0x328: {  	[tilespmem:s3], [sflag:$0x2] =	stream.indirect.gather [hbm4b:s4+s7], $0x20, s1, s7, $0xb8;
	[tilespmem:$0x11000] =	vst v63  }
0x329: {  	_ =	swait.ge [sflag:s23], $0x6800  }
0x32a: {  	s0 =	simm.s32 $0x4000;
	[sflag:s23] =	ssyncset.done $0x0  }
0x32b: {  	s1 =	simm.s32 $0x0;
	s26 =	rddreg [dreg:$0x5];
	[sflag:s23] =	ssyncadd.s32 $0xFFFF9800  }
0x32c: {  	[hbm4b:s26+s1] =	stream.linear.scatter [tilespmem:s0], [sflag:$0x3], $0x6800, $0x38;
	[tilespmem:$0x11000] =	vst v63  }
0x32d: {  	_ =	swait.ge [sflag:s6], $0x6800  }
0x32e: {  	s25 =	sld [smem:$0x67E]  }
0x32f: {  	[sflag:s6] =	ssyncset.done $0x0  }
0x330: {  	s26 =	sld [smem:$0x67F];
	[sflag:s6] =	ssyncadd.s32 $0xFFFF9800  }
0x331: {  	[tilespmem:s0], [sflag:$0x1] =	stream.indirect.gather [hbm4b:s4+s7], $0x20, s25, s7, $0xb8;
	[tilespmem:$0x11000] =	vst v63  }
0x332: {  	s25 =	sld [smem:$0x680];
	s0 =	simm.s32 $0x4340  }
0x333: {  	[tilespmem:s0], [sflag:$0x1] =	stream.indirect.gather [hbm4b:s4+s7], $0x20, s26, s7, $0xb8;
	[tilespmem:$0x11000] =	vst v63  }
0x334: {  	s26 =	sld [smem:$0x681];
	s0 =	simm.s32 $0x4680  }
0x335: {  	[tilespmem:s0], [sflag:$0x1] =	stream.indirect.gather [hbm4b:s4+s7], $0x20, s25, s7, $0xb8;
	[tilespmem:$0x11000] =	vst v63  }
0x336: {  	s25 =	sld [smem:$0x682];
	s0 =	simm.s32 $0x49C0  }
0x337: {  	[tilespmem:s0], [sflag:$0x1] =	stream.indirect.gather [hbm4b:s4+s7], $0x20, s26, s7, $0xb8;
	[tilespmem:$0x11000] =	vst v63  }
0x338: {  	s26 =	sld [smem:$0x683];
	s0 =	simm.s32 $0x4D00  }
0x339: {  	[tilespmem:s0], [sflag:$0x1] =	stream.indirect.gather [hbm4b:s4+s7], $0x20, s25, s7, $0xb8;
	[tilespmem:$0x11000] =	vst v63  }
0x33a: {  	s25 =	sld [smem:$0x684];
	s0 =	simm.s32 $0x5040  }
0x33b: {  	[tilespmem:s0], [sflag:$0x1] =	stream.indirect.gather [hbm4b:s4+s7], $0x20, s26, s7, $0xb8;
	[tilespmem:$0x11000] =	vst v63  }
0x33c: {  	s26 =	sld [smem:$0x685];
	s0 =	simm.s32 $0x5380  }
0x33d: {  	[tilespmem:s0], [sflag:$0x1] =	stream.indirect.gather [hbm4b:s4+s7], $0x20, s25, s7, $0xb8;
	[tilespmem:$0x11000] =	vst v63  }
0x33e: {  	s25 =	sld [smem:$0x686];
	s0 =	simm.s32 $0x56C0  }
0x33f: {  	[tilespmem:s0], [sflag:$0x1] =	stream.indirect.gather [hbm4b:s4+s7], $0x20, s26, s7, $0xb8;
	[tilespmem:$0x11000] =	vst v63  }
0x340: {  	s26 =	sld [smem:$0x687];
	s0 =	simm.s32 $0x5A00  }
0x341: {  	[tilespmem:s0], [sflag:$0x1] =	stream.indirect.gather [hbm4b:s4+s7], $0x20, s25, s7, $0xb8;
	[tilespmem:$0x11000] =	vst v63  }
0x342: {  	s25 =	sld [smem:$0x688];
	s0 =	simm.s32 $0x5D40  }
0x343: {  	[tilespmem:s0], [sflag:$0x1] =	stream.indirect.gather [hbm4b:s4+s7], $0x20, s26, s7, $0xb8;
	[tilespmem:$0x11000] =	vst v63  }
0x344: {  	s26 =	sld [smem:$0x689];
	s0 =	simm.s32 $0x6080  }
0x345: {  	[tilespmem:s0], [sflag:$0x1] =	stream.indirect.gather [hbm4b:s4+s7], $0x20, s25, s7, $0xb8;
	[tilespmem:$0x11000] =	vst v63  }
0x346: {  	s25 =	sld [smem:$0x68A];
	s0 =	simm.s32 $0x63C0  }
0x347: {  	[tilespmem:s0], [sflag:$0x1] =	stream.indirect.gather [hbm4b:s4+s7], $0x20, s26, s7, $0xb8;
	[tilespmem:$0x11000] =	vst v63  }
0x348: {  	s26 =	sld [smem:$0x68B];
	s0 =	simm.s32 $0x6700  }
0x349: {  	[tilespmem:s0], [sflag:$0x1] =	stream.indirect.gather [hbm4b:s4+s7], $0x20, s25, s7, $0xb8;
	[tilespmem:$0x11000] =	vst v63  }
0x34a: {  	s25 =	sld [smem:$0x68C];
	s0 =	simm.s32 $0x6A40  }
0x34b: {  	[tilespmem:s0], [sflag:$0x1] =	stream.indirect.gather [hbm4b:s4+s7], $0x20, s26, s7, $0xb8;
	[tilespmem:$0x11000] =	vst v63  }
0x34c: {  	s26 =	sld [smem:$0x68D];
	s0 =	simm.s32 $0x6D80  }
0x34d: {  	[tilespmem:s0], [sflag:$0x1] =	stream.indirect.gather [hbm4b:s4+s7], $0x20, s25, s7, $0xb8;
	[tilespmem:$0x11000] =	vst v63  }
0x34e: {  	s25 =	sld [smem:$0x68E];
	s0 =	simm.s32 $0x70C0  }
0x34f: {  	[tilespmem:s0], [sflag:$0x1] =	stream.indirect.gather [hbm4b:s4+s7], $0x20, s26, s7, $0xb8;
	[tilespmem:$0x11000] =	vst v63  }
0x350: {  	s26 =	sld [smem:$0x68F];
	s0 =	simm.s32 $0x7400  }
0x351: {  	[tilespmem:s0], [sflag:$0x1] =	stream.indirect.gather [hbm4b:s4+s7], $0x20, s25, s7, $0xb8;
	[tilespmem:$0x11000] =	vst v63  }
0x352: {  	s25 =	sld [smem:$0x690];
	s0 =	simm.s32 $0x7740  }
0x353: {  	[tilespmem:s0], [sflag:$0x1] =	stream.indirect.gather [hbm4b:s4+s7], $0x20, s26, s7, $0xb8;
	[tilespmem:$0x11000] =	vst v63  }
0x354: {  	s26 =	sld [smem:$0x691];
	s0 =	simm.s32 $0x7A80  }
0x355: {  	[tilespmem:s0], [sflag:$0x1] =	stream.indirect.gather [hbm4b:s4+s7], $0x20, s25, s7, $0xb8;
	[tilespmem:$0x11000] =	vst v63  }
0x356: {  	s25 =	sld [smem:$0x692];
	s0 =	simm.s32 $0x7DC0  }
0x357: {  	[tilespmem:s0], [sflag:$0x1] =	stream.indirect.gather [hbm4b:s4+s7], $0x20, s26, s7, $0xb8;
	[tilespmem:$0x11000] =	vst v63  }
0x358: {  	s0 =	sld [smem:$0x693]  }
0x359: {  	[tilespmem:s2], [sflag:$0x1] =	stream.indirect.gather [hbm4b:s4+s7], $0x20, s25, s7, $0xb8;
	[tilespmem:$0x11000] =	vst v63  }
0x35a: {  	s25 =	sld [smem:$0x694];
	s2 =	simm.s32 $0x8440  }
0x35b: {  	[tilespmem:s2], [sflag:$0x1] =	stream.indirect.gather [hbm4b:s4+s7], $0x20, s0, s7, $0xb8;
	[tilespmem:$0x11000] =	vst v63  }
0x35c: {  	s26 =	sld [smem:$0x695];
	s2 =	simm.s32 $0x8780  }
0x35d: {  	[tilespmem:s2], [sflag:$0x1] =	stream.indirect.gather [hbm4b:s4+s7], $0x20, s25, s7, $0xb8;
	[tilespmem:$0x11000] =	vst v63  }
0x35e: {  	s25 =	sld [smem:$0x696];
	s2 =	simm.s32 $0x8AC0  }
0x35f: {  	[tilespmem:s2], [sflag:$0x1] =	stream.indirect.gather [hbm4b:s4+s7], $0x20, s26, s7, $0xb8;
	[tilespmem:$0x11000] =	vst v63  }
0x360: {  	s26 =	sld [smem:$0x697];
	s2 =	simm.s32 $0x8E00  }
0x361: {  	[tilespmem:s2], [sflag:$0x1] =	stream.indirect.gather [hbm4b:s4+s7], $0x20, s25, s7, $0xb8;
	[tilespmem:$0x11000] =	vst v63  }
0x362: {  	s25 =	sld [smem:$0x698];
	s2 =	simm.s32 $0x9140  }
0x363: {  	[tilespmem:s2], [sflag:$0x1] =	stream.indirect.gather [hbm4b:s4+s7], $0x20, s26, s7, $0xb8;
	[tilespmem:$0x11000] =	vst v63  }
0x364: {  	s26 =	sld [smem:$0x699];
	s2 =	simm.s32 $0x9480  }
0x365: {  	[tilespmem:s2], [sflag:$0x1] =	stream.indirect.gather [hbm4b:s4+s7], $0x20, s25, s7, $0xb8;
	[tilespmem:$0x11000] =	vst v63  }
0x366: {  	s25 =	sld [smem:$0x69A];
	s2 =	simm.s32 $0x97C0  }
0x367: {  	[tilespmem:s2], [sflag:$0x1] =	stream.indirect.gather [hbm4b:s4+s7], $0x20, s26, s7, $0xb8;
	[tilespmem:$0x11000] =	vst v63  }
0x368: {  	s26 =	sld [smem:$0x69B];
	s2 =	simm.s32 $0x9B00  }
0x369: {  	[tilespmem:s2], [sflag:$0x1] =	stream.indirect.gather [hbm4b:s4+s7], $0x20, s25, s7, $0xb8;
	[tilespmem:$0x11000] =	vst v63  }
0x36a: {  	s25 =	sld [smem:$0x69C];
	s2 =	simm.s32 $0x9E40  }
0x36b: {  	[tilespmem:s2], [sflag:$0x1] =	stream.indirect.gather [hbm4b:s4+s7], $0x20, s26, s7, $0xb8;
	[tilespmem:$0x11000] =	vst v63  }
0x36c: {  	s26 =	sld [smem:$0x69D];
	s2 =	simm.s32 $0xA180  }
0x36d: {  	[tilespmem:s2], [sflag:$0x1] =	stream.indirect.gather [hbm4b:s4+s7], $0x20, s25, s7, $0xb8;
	[tilespmem:$0x11000] =	vst v63  }
0x36e: {  	s25 =	simm.s32 $0xA4C0  }
0x36f: {  	[tilespmem:s25], [sflag:$0x1] =	stream.indirect.gather [hbm4b:s4+s7], $0x20, s26, s7, $0xb8;
	[tilespmem:$0x11000] =	vst v63  }
0x370: {  	_ =	swait.ge [sflag:s24], $0x6800  }
0x371: {  	[sflag:s24] =	ssyncset.done $0x0  }
0x372: {  	s0 =	simm.s32 $0xA800;
	s2 =	rddreg [dreg:$0x6];
	[sflag:s24] =	ssyncadd.s32 $0xFFFF9800  }
0x373: {  	[hbm4b:s2+s1] =	stream.linear.scatter [tilespmem:s0], [sflag:$0x3], $0x6800, $0x38;
	[tilespmem:$0x11000] =	vst v63  }
0x374: {  	_ =	swait.ge [sflag:s6], $0x6800  }
0x375: {  	s26 =	sld [smem:$0x69E]  }
0x376: {  	[sflag:s6] =	ssyncset.done $0x0  }
0x377: {  	s1 =	sld [smem:$0x69F];
	[sflag:s6] =	ssyncadd.s32 $0xFFFF9800  }
0x378: {  	[tilespmem:s0], [sflag:$0x2] =	stream.indirect.gather [hbm4b:s4+s7], $0x20, s26, s7, $0xb8;
	[tilespmem:$0x11000] =	vst v63  }
0x379: {  	s0 =	sld [smem:$0x6A0]  }
0x37a: {  	[tilespmem:s9], [sflag:$0x2] =	stream.indirect.gather [hbm4b:s4+s7], $0x20, s1, s7, $0xb8;
	[tilespmem:$0x11000] =	vst v63  }
0x37b: {  	s1 =	sld [smem:$0x6A1]  }
0x37c: {  	[tilespmem:s12], [sflag:$0x2] =	stream.indirect.gather [hbm4b:s4+s7], $0x20, s0, s7, $0xb8;
	[tilespmem:$0x11000] =	vst v63  }
0x37d: {  	s9 =	sld [smem:$0x6A2]  }
0x37e: {  	[tilespmem:s11], [sflag:$0x2] =	stream.indirect.gather [hbm4b:s4+s7], $0x20, s1, s7, $0xb8;
	[tilespmem:$0x11000] =	vst v63  }
0x37f: {  	s11 =	sld [smem:$0x6A3]  }
0x380: {  	[tilespmem:s14], [sflag:$0x2] =	stream.indirect.gather [hbm4b:s4+s7], $0x20, s9, s7, $0xb8;
	[tilespmem:$0x11000] =	vst v63  }
0x381: {  	s12 =	sld [smem:$0x6A4]  }
0x382: {  	[tilespmem:s13], [sflag:$0x2] =	stream.indirect.gather [hbm4b:s4+s7], $0x20, s11, s7, $0xb8;
	[tilespmem:$0x11000] =	vst v63  }
0x383: {  	s13 =	sld [smem:$0x6A5]  }
0x384: {  	[tilespmem:s17], [sflag:$0x2] =	stream.indirect.gather [hbm4b:s4+s7], $0x20, s12, s7, $0xb8;
	[tilespmem:$0x11000] =	vst v63  }
0x385: {  	s14 =	sld [smem:$0x6A6]  }
0x386: {  	[tilespmem:s16], [sflag:$0x2] =	stream.indirect.gather [hbm4b:s4+s7], $0x20, s13, s7, $0xb8;
	[tilespmem:$0x11000] =	vst v63  }
0x387: {  	s16 =	sld [smem:$0x6A7]  }
0x388: {  	[tilespmem:s19], [sflag:$0x2] =	stream.indirect.gather [hbm4b:s4+s7], $0x20, s14, s7, $0xb8;
	[tilespmem:$0x11000] =	vst v63  }
0x389: {  	s17 =	sld [smem:$0x6A8]  }
0x38a: {  	[tilespmem:s18], [sflag:$0x2] =	stream.indirect.gather [hbm4b:s4+s7], $0x20, s16, s7, $0xb8;
	[tilespmem:$0x11000] =	vst v63  }
0x38b: {  	s19 =	sld [smem:$0x6A9]  }
0x38c: {  	[tilespmem:s21], [sflag:$0x2] =	stream.indirect.gather [hbm4b:s4+s7], $0x20, s17, s7, $0xb8;
	[tilespmem:$0x11000] =	vst v63  }
0x38d: {  	s0 =	sld [smem:$0x6AA]  }
0x38e: {  	[tilespmem:s20], [sflag:$0x2] =	stream.indirect.gather [hbm4b:s4+s7], $0x20, s19, s7, $0xb8;
	[tilespmem:$0x11000] =	vst v63  }
0x38f: {  	s1 =	sld [smem:$0x6AB]  }
0x390: {  	[tilespmem:s28], [sflag:$0x2] =	stream.indirect.gather [hbm4b:s4+s7], $0x20, s0, s7, $0xb8;
	[tilespmem:$0x11000] =	vst v63  }
0x391: {  	s9 =	sld [smem:$0x6AC]  }
0x392: {  	[tilespmem:s22], [sflag:$0x2] =	stream.indirect.gather [hbm4b:s4+s7], $0x20, s1, s7, $0xb8;
	[tilespmem:$0x11000] =	vst v63  }
0x393: {  	s11 =	sld [smem:$0x6AD]  }
0x394: {  	[tilespmem:s30], [sflag:$0x2] =	stream.indirect.gather [hbm4b:s4+s7], $0x20, s9, s7, $0xb8;
	[tilespmem:$0x11000] =	vst v63  }
0x395: {  	s12 =	sld [smem:$0x6AE]  }
0x396: {  	[tilespmem:s29], [sflag:$0x2] =	stream.indirect.gather [hbm4b:s4+s7], $0x20, s11, s7, $0xb8;
	[tilespmem:$0x11000] =	vst v63  }
0x397: {  	s13 =	sld [smem:$0x6AF]  }
0x398: {  	[tilespmem:s10], [sflag:$0x2] =	stream.indirect.gather [hbm4b:s4+s7], $0x20, s12, s7, $0xb8;
	[tilespmem:$0x11000] =	vst v63  }
0x399: {  	s14 =	sld [smem:$0x6B0]  }
0x39a: {  	[tilespmem:s31], [sflag:$0x2] =	stream.indirect.gather [hbm4b:s4+s7], $0x20, s13, s7, $0xb8;
	[tilespmem:$0x11000] =	vst v63  }
0x39b: {  	s16 =	sld [smem:$0x6B1];
	s9 =	simm.s32 $0xE280  }
0x39c: {  	[tilespmem:s9], [sflag:$0x2] =	stream.indirect.gather [hbm4b:s4+s7], $0x20, s14, s7, $0xb8;
	[tilespmem:$0x11000] =	vst v63  }
0x39d: {  	s17 =	sld [smem:$0x6B2]  }
0x39e: {  	[tilespmem:s8], [sflag:$0x2] =	stream.indirect.gather [hbm4b:s4+s7], $0x20, s16, s7, $0xb8;
	[tilespmem:$0x11000] =	vst v63  }
0x39f: {  	s18 =	sld [smem:$0x6B3];
	s8 =	simm.s32 $0xE900  }
0x3a0: {  	[tilespmem:s8], [sflag:$0x2] =	stream.indirect.gather [hbm4b:s4+s7], $0x20, s17, s7, $0xb8;
	[tilespmem:$0x11000] =	vst v63  }
0x3a1: {  	s19 =	sld [smem:$0x6B4]  }
0x3a2: {  	[tilespmem:s15], [sflag:$0x2] =	stream.indirect.gather [hbm4b:s4+s7], $0x20, s18, s7, $0xb8;
	[tilespmem:$0x11000] =	vst v63  }
0x3a3: {  	s21 =	simm.s32 $0xEF80;
	s20 =	sld [smem:$0x6B5]  }
0x3a4: {  	[tilespmem:s21], [sflag:$0x2] =	stream.indirect.gather [hbm4b:s4+s7], $0x20, s19, s7, $0xb8;
	[tilespmem:$0x11000] =	vst v63  }
0x3a5: {  	s28 =	simm.s32 $0xF2C0;
	s22 =	sld [smem:$0x6B6]  }
0x3a6: {  	[tilespmem:s28], [sflag:$0x2] =	stream.indirect.gather [hbm4b:s4+s7], $0x20, s20, s7, $0xb8;
	[tilespmem:$0x11000] =	vst v63  }
0x3a7: {  	s30 =	simm.s32 $0xF600;
	s29 =	sld [smem:$0x6B7]  }
0x3a8: {  	[tilespmem:s30], [sflag:$0x2] =	stream.indirect.gather [hbm4b:s4+s7], $0x20, s22, s7, $0xb8;
	[tilespmem:$0x11000] =	vst v63  }
0x3a9: {  	s1 =	simm.s32 $0xF940;
	s31 =	sld [smem:$0x6B8]  }
0x3aa: {  	[tilespmem:s1], [sflag:$0x2] =	stream.indirect.gather [hbm4b:s4+s7], $0x20, s29, s7, $0xb8;
	[tilespmem:$0x11000] =	vst v63  }
0x3ab: {  	s11 =	simm.s32 $0xFC80;
	s10 =	sld [smem:$0x6B9]  }
0x3ac: {  	[tilespmem:s11], [sflag:$0x2] =	stream.indirect.gather [hbm4b:s4+s7], $0x20, s31, s7, $0xb8;
	[tilespmem:$0x11000] =	vst v63  }
0x3ad: {  	s12 =	sld [smem:$0x6BA]  }
0x3ae: {  	[tilespmem:s5], [sflag:$0x2] =	stream.indirect.gather [hbm4b:s4+s7], $0x20, s10, s7, $0xb8;
	[tilespmem:$0x11000] =	vst v63  }
0x3af: {  	s13 =	sld [smem:$0x6BB];
	s14 =	simm.s32 $0x10300  }
0x3b0: {  	[tilespmem:s14], [sflag:$0x2] =	stream.indirect.gather [hbm4b:s4+s7], $0x20, s12, s7, $0xb8;
	[tilespmem:$0x11000] =	vst v63  }
0x3b1: {  	s16 =	simm.s32 $0x10640;
	s15 =	sld [smem:$0x6BC]  }
0x3b2: {  	[tilespmem:s16], [sflag:$0x2] =	stream.indirect.gather [hbm4b:s4+s7], $0x20, s13, s7, $0xb8;
	[tilespmem:$0x11000] =	vst v63  }
0x3b3: {  	s0 =	simm.s32 $0x10980;
	s17 =	sld [smem:$0x6BD]  }
0x3b4: {  	[tilespmem:s0], [sflag:$0x2] =	stream.indirect.gather [hbm4b:s4+s7], $0x20, s15, s7, $0xb8;
	[tilespmem:$0x11000] =	vst v63  }
0x3b5: {  	_ = 	snop  }
0x3b6: {  	[tilespmem:s3], [sflag:$0x2] =	stream.indirect.gather [hbm4b:s4+s7], $0x20, s17, s7, $0xb8;
	[tilespmem:$0x11000] =	vst v63  }
0x3b7: {  	_ =	swait.ge [sflag:s23], $0x6800  }
0x3b8: {  	s2 =	simm.s32 $0x0;
	[sflag:s23] =	ssyncset.done $0x0  }
0x3b9: {  	s19 =	simm.s32 $0x4000;
	s18 =	rddreg [dreg:$0x7];
	[sflag:s23] =	ssyncadd.s32 $0xFFFF9800  }
0x3ba: {  	[hbm4b:s18+s2] =	stream.linear.scatter [tilespmem:s19], [sflag:$0x3], $0x6800, $0x38;
	[tilespmem:$0x11000] =	vst v63  }
0x3bb: {  	_ =	swait.ge [sflag:s6], $0x6800  }
0x3bc: {  	s20 =	sld [smem:$0x6BE]  }
0x3bd: {  	[sflag:s6] =	ssyncset.done $0x0  }
0x3be: {  	s21 =	sld [smem:$0x6BF];
	[sflag:s6] =	ssyncadd.s32 $0xFFFF9800  }
0x3bf: {  	[tilespmem:s19], [sflag:$0x1] =	stream.indirect.gather [hbm4b:s4+s7], $0x20, s20, s7, $0xb8;
	[tilespmem:$0x11000] =	vst v63  }
0x3c0: {  	s28 =	simm.s32 $0x4340;
	s22 =	sld [smem:$0x6C0]  }
0x3c1: {  	[tilespmem:s28], [sflag:$0x1] =	stream.indirect.gather [hbm4b:s4+s7], $0x20, s21, s7, $0xb8;
	[tilespmem:$0x11000] =	vst v63  }
0x3c2: {  	s30 =	simm.s32 $0x4680;
	s29 =	sld [smem:$0x6C1]  }
0x3c3: {  	[tilespmem:s30], [sflag:$0x1] =	stream.indirect.gather [hbm4b:s4+s7], $0x20, s22, s7, $0xb8;
	[tilespmem:$0x11000] =	vst v63  }
0x3c4: {  	s5 =	simm.s32 $0x49C0;
	s31 =	sld [smem:$0x6C2]  }
0x3c5: {  	[tilespmem:s5], [sflag:$0x1] =	stream.indirect.gather [hbm4b:s4+s7], $0x20, s29, s7, $0xb8;
	[tilespmem:$0x11000] =	vst v63  }
0x3c6: {  	s3 =	simm.s32 $0x4D00;
	s10 =	sld [smem:$0x6C3]  }
0x3c7: {  	[tilespmem:s3], [sflag:$0x1] =	stream.indirect.gather [hbm4b:s4+s7], $0x20, s31, s7, $0xb8;
	[tilespmem:$0x11000] =	vst v63  }
0x3c8: {  	s11 =	sld [smem:$0x6C4];
	s5 =	simm.s32 $0x5040  }
0x3c9: {  	[tilespmem:s5], [sflag:$0x1] =	stream.indirect.gather [hbm4b:s4+s7], $0x20, s10, s7, $0xb8;
	[tilespmem:$0x11000] =	vst v63  }
0x3ca: {  	s12 =	sld [smem:$0x6C5];
	s10 =	simm.s32 $0x5380  }
0x3cb: {  	[tilespmem:s10], [sflag:$0x1] =	stream.indirect.gather [hbm4b:s4+s7], $0x20, s11, s7, $0xb8;
	[tilespmem:$0x11000] =	vst v63  }
0x3cc: {  	s13 =	sld [smem:$0x6C6];
	s11 =	simm.s32 $0x56C0  }
0x3cd: {  	[tilespmem:s11], [sflag:$0x1] =	stream.indirect.gather [hbm4b:s4+s7], $0x20, s12, s7, $0xb8;
	[tilespmem:$0x11000] =	vst v63  }
0x3ce: {  	s14 =	sld [smem:$0x6C7];
	s12 =	simm.s32 $0x5A00  }
0x3cf: {  	[tilespmem:s12], [sflag:$0x1] =	stream.indirect.gather [hbm4b:s4+s7], $0x20, s13, s7, $0xb8;
	[tilespmem:$0x11000] =	vst v63  }
0x3d0: {  	s15 =	sld [smem:$0x6C8];
	s13 =	simm.s32 $0x5D40  }
0x3d1: {  	[tilespmem:s13], [sflag:$0x1] =	stream.indirect.gather [hbm4b:s4+s7], $0x20, s14, s7, $0xb8;
	[tilespmem:$0x11000] =	vst v63  }
0x3d2: {  	s16 =	sld [smem:$0x6C9];
	s14 =	simm.s32 $0x6080  }
0x3d3: {  	[tilespmem:s14], [sflag:$0x1] =	stream.indirect.gather [hbm4b:s4+s7], $0x20, s15, s7, $0xb8;
	[tilespmem:$0x11000] =	vst v63  }
0x3d4: {  	s17 =	sld [smem:$0x6CA];
	s15 =	simm.s32 $0x63C0  }
0x3d5: {  	[tilespmem:s15], [sflag:$0x1] =	stream.indirect.gather [hbm4b:s4+s7], $0x20, s16, s7, $0xb8;
	[tilespmem:$0x11000] =	vst v63  }
0x3d6: {  	s18 =	sld [smem:$0x6CB];
	s16 =	simm.s32 $0x6700  }
0x3d7: {  	[tilespmem:s16], [sflag:$0x1] =	stream.indirect.gather [hbm4b:s4+s7], $0x20, s17, s7, $0xb8;
	[tilespmem:$0x11000] =	vst v63  }
0x3d8: {  	s19 =	sld [smem:$0x6CC];
	s17 =	simm.s32 $0x6A40  }
0x3d9: {  	[tilespmem:s17], [sflag:$0x1] =	stream.indirect.gather [hbm4b:s4+s7], $0x20, s18, s7, $0xb8;
	[tilespmem:$0x11000] =	vst v63  }
0x3da: {  	s20 =	sld [smem:$0x6CD];
	s18 =	simm.s32 $0x6D80  }
0x3db: {  	[tilespmem:s18], [sflag:$0x1] =	stream.indirect.gather [hbm4b:s4+s7], $0x20, s19, s7, $0xb8;
	[tilespmem:$0x11000] =	vst v63  }
0x3dc: {  	s21 =	sld [smem:$0x6CE];
	s19 =	simm.s32 $0x70C0  }
0x3dd: {  	[tilespmem:s19], [sflag:$0x1] =	stream.indirect.gather [hbm4b:s4+s7], $0x20, s20, s7, $0xb8;
	[tilespmem:$0x11000] =	vst v63  }
0x3de: {  	s22 =	sld [smem:$0x6CF];
	s20 =	simm.s32 $0x7400  }
0x3df: {  	[tilespmem:s20], [sflag:$0x1] =	stream.indirect.gather [hbm4b:s4+s7], $0x20, s21, s7, $0xb8;
	[tilespmem:$0x11000] =	vst v63  }
0x3e0: {  	s28 =	sld [smem:$0x6D0];
	s21 =	simm.s32 $0x7740  }
0x3e1: {  	[tilespmem:s21], [sflag:$0x1] =	stream.indirect.gather [hbm4b:s4+s7], $0x20, s22, s7, $0xb8;
	[tilespmem:$0x11000] =	vst v63  }
0x3e2: {  	s29 =	sld [smem:$0x6D1];
	s22 =	simm.s32 $0x7A80  }
0x3e3: {  	[tilespmem:s22], [sflag:$0x1] =	stream.indirect.gather [hbm4b:s4+s7], $0x20, s28, s7, $0xb8;
	[tilespmem:$0x11000] =	vst v63  }
0x3e4: {  	s30 =	sld [smem:$0x6D2];
	s28 =	simm.s32 $0x7DC0  }
0x3e5: {  	[tilespmem:s28], [sflag:$0x1] =	stream.indirect.gather [hbm4b:s4+s7], $0x20, s29, s7, $0xb8;
	[tilespmem:$0x11000] =	vst v63  }
0x3e6: {  	s31 =	sld [smem:$0x6D3];
	s29 =	simm.s32 $0x8100  }
0x3e7: {  	[tilespmem:s29], [sflag:$0x1] =	stream.indirect.gather [hbm4b:s4+s7], $0x20, s30, s7, $0xb8;
	[tilespmem:$0x11000] =	vst v63  }
0x3e8: {  	s25 =	sld [smem:$0x6D4];
	s30 =	simm.s32 $0x8440  }
0x3e9: {  	[tilespmem:s30], [sflag:$0x1] =	stream.indirect.gather [hbm4b:s4+s7], $0x20, s31, s7, $0xb8;
	[tilespmem:$0x11000] =	vst v63  }
0x3ea: {  	s29 =	simm.s32 $0x8780;
	s31 =	sld [smem:$0x6D5]  }
0x3eb: {  	[tilespmem:s29], [sflag:$0x1] =	stream.indirect.gather [hbm4b:s4+s7], $0x20, s25, s7, $0xb8;
	[tilespmem:$0x11000] =	vst v63  }
0x3ec: {  	s30 =	simm.s32 $0x8AC0;
	s25 =	sld [smem:$0x6D6]  }
0x3ed: {  	[tilespmem:s30], [sflag:$0x1] =	stream.indirect.gather [hbm4b:s4+s7], $0x20, s31, s7, $0xb8;
	[tilespmem:$0x11000] =	vst v63  }
0x3ee: {  	s29 =	simm.s32 $0x8E00;
	s31 =	sld [smem:$0x6D7]  }
0x3ef: {  	[tilespmem:s29], [sflag:$0x1] =	stream.indirect.gather [hbm4b:s4+s7], $0x20, s25, s7, $0xb8;
	[tilespmem:$0x11000] =	vst v63  }
0x3f0: {  	s30 =	simm.s32 $0x9140;
	s25 =	sld [smem:$0x6D8]  }
0x3f1: {  	[tilespmem:s30], [sflag:$0x1] =	stream.indirect.gather [hbm4b:s4+s7], $0x20, s31, s7, $0xb8;
	[tilespmem:$0x11000] =	vst v63  }
0x3f2: {  	s29 =	simm.s32 $0x9480;
	s31 =	sld [smem:$0x6D9]  }
0x3f3: {  	[tilespmem:s29], [sflag:$0x1] =	stream.indirect.gather [hbm4b:s4+s7], $0x20, s25, s7, $0xb8;
	[tilespmem:$0x11000] =	vst v63  }
0x3f4: {  	s30 =	simm.s32 $0x97C0;
	s25 =	sld [smem:$0x6DA]  }
0x3f5: {  	[tilespmem:s30], [sflag:$0x1] =	stream.indirect.gather [hbm4b:s4+s7], $0x20, s31, s7, $0xb8;
	[tilespmem:$0x11000] =	vst v63  }
0x3f6: {  	s29 =	simm.s32 $0x9B00;
	s31 =	sld [smem:$0x6DB]  }
0x3f7: {  	[tilespmem:s29], [sflag:$0x1] =	stream.indirect.gather [hbm4b:s4+s7], $0x20, s25, s7, $0xb8;
	[tilespmem:$0x11000] =	vst v63  }
0x3f8: {  	s30 =	simm.s32 $0x9E40;
	s25 =	sld [smem:$0x6DC]  }
0x3f9: {  	[tilespmem:s30], [sflag:$0x1] =	stream.indirect.gather [hbm4b:s4+s7], $0x20, s31, s7, $0xb8;
	[tilespmem:$0x11000] =	vst v63  }
0x3fa: {  	s29 =	simm.s32 $0xA180;
	s31 =	sld [smem:$0x6DD]  }
0x3fb: {  	[tilespmem:s29], [sflag:$0x1] =	stream.indirect.gather [hbm4b:s4+s7], $0x20, s25, s7, $0xb8;
	[tilespmem:$0x11000] =	vst v63  }
0x3fc: {  	s30 =	simm.s32 $0xA4C0  }
0x3fd: {  	[tilespmem:s30], [sflag:$0x1] =	stream.indirect.gather [hbm4b:s4+s7], $0x20, s31, s7, $0xb8;
	[tilespmem:$0x11000] =	vst v63  }
0x3fe: {  	_ =	swait.ge [sflag:s24], $0x6800  }
0x3ff: {  	[sflag:s24] =	ssyncset.done $0x0  }
0x400: {  	s1 =	simm.s32 $0xA800;
	s31 =	rddreg [dreg:$0x8];
	[sflag:s24] =	ssyncadd.s32 $0xFFFF9800  }
0x401: {  	[hbm4b:s31+s2] =	stream.linear.scatter [tilespmem:s1], [sflag:$0x3], $0x6800, $0x38;
	[tilespmem:$0x11000] =	vst v63  }
0x402: {  	_ =	swait.ge [sflag:s6], $0x6800  }
0x403: {  	s26 =	sld [smem:$0x6DE]  }
0x404: {  	[sflag:s6] =	ssyncset.done $0x0  }
0x405: {  	s30 =	sld [smem:$0x6DF];
	[sflag:s6] =	ssyncadd.s32 $0xFFFF9800  }
0x406: {  	[tilespmem:s1], [sflag:$0x2] =	stream.indirect.gather [hbm4b:s4+s7], $0x20, s26, s7, $0xb8;
	[tilespmem:$0x11000] =	vst v63  }
0x407: {  	s31 =	simm.s32 $0xAB40;
	s1 =	sld [smem:$0x6E0]  }
0x408: {  	[tilespmem:s31], [sflag:$0x2] =	stream.indirect.gather [hbm4b:s4+s7], $0x20, s30, s7, $0xb8;
	[tilespmem:$0x11000] =	vst v63  }
0x409: {  	s2 =	sld [smem:$0x6E1];
	s30 =	simm.s32 $0xAE80  }
0x40a: {  	[tilespmem:s30], [sflag:$0x2] =	stream.indirect.gather [hbm4b:s4+s7], $0x20, s1, s7, $0xb8;
	[tilespmem:$0x11000] =	vst v63  }
0x40b: {  	s29 =	simm.s32 $0xB1C0;
	s1 =	sld [smem:$0x6E2]  }
0x40c: {  	[tilespmem:s29], [sflag:$0x2] =	stream.indirect.gather [hbm4b:s4+s7], $0x20, s2, s7, $0xb8;
	[tilespmem:$0x11000] =	vst v63  }
0x40d: {  	s26 =	sld [smem:$0x6E3];
	s2 =	simm.s32 $0xB500  }
0x40e: {  	[tilespmem:s2], [sflag:$0x2] =	stream.indirect.gather [hbm4b:s4+s7], $0x20, s1, s7, $0xb8;
	[tilespmem:$0x11000] =	vst v63  }
0x40f: {  	s25 =	sld [smem:$0x6E4];
	s2 =	simm.s32 $0xB840  }
0x410: {  	[tilespmem:s2], [sflag:$0x2] =	stream.indirect.gather [hbm4b:s4+s7], $0x20, s26, s7, $0xb8;
	[tilespmem:$0x11000] =	vst v63  }
0x411: {  	s26 =	sld [smem:$0x6E5];
	s2 =	simm.s32 $0xBB80  }
0x412: {  	[tilespmem:s2], [sflag:$0x2] =	stream.indirect.gather [hbm4b:s4+s7], $0x20, s25, s7, $0xb8;
	[tilespmem:$0x11000] =	vst v63  }
0x413: {  	s25 =	sld [smem:$0x6E6];
	s2 =	simm.s32 $0xBEC0  }
0x414: {  	[tilespmem:s2], [sflag:$0x2] =	stream.indirect.gather [hbm4b:s4+s7], $0x20, s26, s7, $0xb8;
	[tilespmem:$0x11000] =	vst v63  }
0x415: {  	s26 =	sld [smem:$0x6E7];
	s2 =	simm.s32 $0xC200  }
0x416: {  	[tilespmem:s2], [sflag:$0x2] =	stream.indirect.gather [hbm4b:s4+s7], $0x20, s25, s7, $0xb8;
	[tilespmem:$0x11000] =	vst v63  }
0x417: {  	s25 =	sld [smem:$0x6E8];
	s2 =	simm.s32 $0xC540  }
0x418: {  	[tilespmem:s2], [sflag:$0x2] =	stream.indirect.gather [hbm4b:s4+s7], $0x20, s26, s7, $0xb8;
	[tilespmem:$0x11000] =	vst v63  }
0x419: {  	s26 =	sld [smem:$0x6E9];
	s2 =	simm.s32 $0xC880  }
0x41a: {  	[tilespmem:s2], [sflag:$0x2] =	stream.indirect.gather [hbm4b:s4+s7], $0x20, s25, s7, $0xb8;
	[tilespmem:$0x11000] =	vst v63  }
0x41b: {  	s25 =	sld [smem:$0x6EA];
	s2 =	simm.s32 $0xCBC0  }
0x41c: {  	[tilespmem:s2], [sflag:$0x2] =	stream.indirect.gather [hbm4b:s4+s7], $0x20, s26, s7, $0xb8;
	[tilespmem:$0x11000] =	vst v63  }
0x41d: {  	s26 =	sld [smem:$0x6EB];
	s2 =	simm.s32 $0xCF00  }
0x41e: {  	[tilespmem:s2], [sflag:$0x2] =	stream.indirect.gather [hbm4b:s4+s7], $0x20, s25, s7, $0xb8;
	[tilespmem:$0x11000] =	vst v63  }
0x41f: {  	s25 =	sld [smem:$0x6EC];
	s2 =	simm.s32 $0xD240  }
0x420: {  	[tilespmem:s2], [sflag:$0x2] =	stream.indirect.gather [hbm4b:s4+s7], $0x20, s26, s7, $0xb8;
	[tilespmem:$0x11000] =	vst v63  }
0x421: {  	s26 =	sld [smem:$0x6ED];
	s2 =	simm.s32 $0xD580  }
0x422: {  	[tilespmem:s2], [sflag:$0x2] =	stream.indirect.gather [hbm4b:s4+s7], $0x20, s25, s7, $0xb8;
	[tilespmem:$0x11000] =	vst v63  }
0x423: {  	s25 =	sld [smem:$0x6EE];
	s2 =	simm.s32 $0xD8C0  }
0x424: {  	[tilespmem:s2], [sflag:$0x2] =	stream.indirect.gather [hbm4b:s4+s7], $0x20, s26, s7, $0xb8;
	[tilespmem:$0x11000] =	vst v63  }
0x425: {  	s26 =	sld [smem:$0x6EF];
	s2 =	simm.s32 $0xDC00  }
0x426: {  	[tilespmem:s2], [sflag:$0x2] =	stream.indirect.gather [hbm4b:s4+s7], $0x20, s25, s7, $0xb8;
	[tilespmem:$0x11000] =	vst v63  }
0x427: {  	s25 =	sld [smem:$0x6F0];
	s2 =	simm.s32 $0xDF40  }
0x428: {  	[tilespmem:s2], [sflag:$0x2] =	stream.indirect.gather [hbm4b:s4+s7], $0x20, s26, s7, $0xb8;
	[tilespmem:$0x11000] =	vst v63  }
0x429: {  	s2 =	sld [smem:$0x6F1]  }
0x42a: {  	[tilespmem:s9], [sflag:$0x2] =	stream.indirect.gather [hbm4b:s4+s7], $0x20, s25, s7, $0xb8;
	[tilespmem:$0x11000] =	vst v63  }
0x42b: {  	s25 =	sld [smem:$0x6F2];
	s9 =	simm.s32 $0xE5C0  }
0x42c: {  	[tilespmem:s9], [sflag:$0x2] =	stream.indirect.gather [hbm4b:s4+s7], $0x20, s2, s7, $0xb8;
	[tilespmem:$0x11000] =	vst v63  }
0x42d: {  	s2 =	sld [smem:$0x6F3]  }
0x42e: {  	[tilespmem:s8], [sflag:$0x2] =	stream.indirect.gather [hbm4b:s4+s7], $0x20, s25, s7, $0xb8;
	[tilespmem:$0x11000] =	vst v63  }
0x42f: {  	s9 =	simm.s32 $0xEC40;
	s8 =	sld [smem:$0x6F4]  }
0x430: {  	[tilespmem:s9], [sflag:$0x2] =	stream.indirect.gather [hbm4b:s4+s7], $0x20, s2, s7, $0xb8;
	[tilespmem:$0x11000] =	vst v63  }
0x431: {  	s26 =	sld [smem:$0x6F5];
	s2 =	simm.s32 $0xEF80  }
0x432: {  	[tilespmem:s2], [sflag:$0x2] =	stream.indirect.gather [hbm4b:s4+s7], $0x20, s8, s7, $0xb8;
	[tilespmem:$0x11000] =	vst v63  }
0x433: {  	s9 =	simm.s32 $0xF2C0;
	s8 =	sld [smem:$0x6F6]  }
0x434: {  	[tilespmem:s9], [sflag:$0x2] =	stream.indirect.gather [hbm4b:s4+s7], $0x20, s26, s7, $0xb8;
	[tilespmem:$0x11000] =	vst v63  }
0x435: {  	s2 =	simm.s32 $0xF600;
	s26 =	sld [smem:$0x6F7]  }
0x436: {  	[tilespmem:s2], [sflag:$0x2] =	stream.indirect.gather [hbm4b:s4+s7], $0x20, s8, s7, $0xb8;
	[tilespmem:$0x11000] =	vst v63  }
0x437: {  	s9 =	simm.s32 $0xF940;
	s8 =	sld [smem:$0x6F8]  }
0x438: {  	[tilespmem:s9], [sflag:$0x2] =	stream.indirect.gather [hbm4b:s4+s7], $0x20, s26, s7, $0xb8;
	[tilespmem:$0x11000] =	vst v63  }
0x439: {  	s2 =	sld [smem:$0x6F9];
	s9 =	simm.s32 $0xFC80  }
0x43a: {  	[tilespmem:s9], [sflag:$0x2] =	stream.indirect.gather [hbm4b:s4+s7], $0x20, s8, s7, $0xb8;
	[tilespmem:$0x11000] =	vst v63  }
0x43b: {  	s1 =	sld [smem:$0x6FA];
	s8 =	simm.s32 $0xFFC0  }
0x43c: {  	[tilespmem:s8], [sflag:$0x2] =	stream.indirect.gather [hbm4b:s4+s7], $0x20, s2, s7, $0xb8;
	[tilespmem:$0x11000] =	vst v63  }
0x43d: {  	s26 =	sld [smem:$0x6FB];
	s2 =	simm.s32 $0x10300  }
0x43e: {  	[tilespmem:s2], [sflag:$0x2] =	stream.indirect.gather [hbm4b:s4+s7], $0x20, s1, s7, $0xb8;
	[tilespmem:$0x11000] =	vst v63  }
0x43f: {  	s25 =	sld [smem:$0x6FC];
	s2 =	simm.s32 $0x10640  }
0x440: {  	[tilespmem:s2], [sflag:$0x2] =	stream.indirect.gather [hbm4b:s4+s7], $0x20, s26, s7, $0xb8;
	[tilespmem:$0x11000] =	vst v63  }
0x441: {  	s2 =	sld [smem:$0x6FD]  }
0x442: {  	[tilespmem:s0], [sflag:$0x2] =	stream.indirect.gather [hbm4b:s4+s7], $0x20, s25, s7, $0xb8;
	[tilespmem:$0x11000] =	vst v63  }
0x443: {  	s1 =	simm.s32 $0x10CC0  }
0x444: {  	[tilespmem:s1], [sflag:$0x2] =	stream.indirect.gather [hbm4b:s4+s7], $0x20, s2, s7, $0xb8;
	[tilespmem:$0x11000] =	vst v63  }
0x445: {  	_ =	swait.ge [sflag:s23], $0x6800  }
0x446: {  	s0 =	simm.s32 $0x0;
	[sflag:s23] =	ssyncset.done $0x0  }
0x447: {  	s2 =	simm.s32 $0x4000;
	s26 =	rddreg [dreg:$0x9];
	[sflag:s23] =	ssyncadd.s32 $0xFFFF9800  }
0x448: {  	[hbm4b:s26+s0] =	stream.linear.scatter [tilespmem:s2], [sflag:$0x3], $0x6800, $0x38;
	[tilespmem:$0x11000] =	vst v63  }
0x449: {  	_ =	swait.ge [sflag:s6], $0x6800  }
0x44a: {  	s25 =	sld [smem:$0x6FE]  }
0x44b: {  	[sflag:s6] =	ssyncset.done $0x0  }
0x44c: {  	s26 =	sld [smem:$0x6FF];
	[sflag:s6] =	ssyncadd.s32 $0xFFFF9800  }
0x44d: {  	[tilespmem:s2], [sflag:$0x1] =	stream.indirect.gather [hbm4b:s4+s7], $0x20, s25, s7, $0xb8;
	[tilespmem:$0x11000] =	vst v63  }
0x44e: {  	s25 =	sld [smem:$0x700];
	s2 =	simm.s32 $0x4340  }
0x44f: {  	[tilespmem:s2], [sflag:$0x1] =	stream.indirect.gather [hbm4b:s4+s7], $0x20, s26, s7, $0xb8;
	[tilespmem:$0x11000] =	vst v63  }
0x450: {  	s26 =	sld [smem:$0x701];
	s2 =	simm.s32 $0x4680  }
0x451: {  	[tilespmem:s2], [sflag:$0x1] =	stream.indirect.gather [hbm4b:s4+s7], $0x20, s25, s7, $0xb8;
	[tilespmem:$0x11000] =	vst v63  }
0x452: {  	s25 =	sld [smem:$0x702];
	s2 =	simm.s32 $0x49C0  }
0x453: {  	[tilespmem:s2], [sflag:$0x1] =	stream.indirect.gather [hbm4b:s4+s7], $0x20, s26, s7, $0xb8;
	[tilespmem:$0x11000] =	vst v63  }
0x454: {  	s2 =	sld [smem:$0x703]  }
0x455: {  	[tilespmem:s3], [sflag:$0x1] =	stream.indirect.gather [hbm4b:s4+s7], $0x20, s25, s7, $0xb8;
	[tilespmem:$0x11000] =	vst v63  }
0x456: {  	s3 =	sld [smem:$0x704]  }
0x457: {  	[tilespmem:s5], [sflag:$0x1] =	stream.indirect.gather [hbm4b:s4+s7], $0x20, s2, s7, $0xb8;
	[tilespmem:$0x11000] =	vst v63  }
0x458: {  	s5 =	sld [smem:$0x705]  }
0x459: {  	[tilespmem:s10], [sflag:$0x1] =	stream.indirect.gather [hbm4b:s4+s7], $0x20, s3, s7, $0xb8;
	[tilespmem:$0x11000] =	vst v63  }
0x45a: {  	s10 =	sld [smem:$0x706]  }
0x45b: {  	[tilespmem:s11], [sflag:$0x1] =	stream.indirect.gather [hbm4b:s4+s7], $0x20, s5, s7, $0xb8;
	[tilespmem:$0x11000] =	vst v63  }
0x45c: {  	s11 =	sld [smem:$0x707]  }
0x45d: {  	[tilespmem:s12], [sflag:$0x1] =	stream.indirect.gather [hbm4b:s4+s7], $0x20, s10, s7, $0xb8;
	[tilespmem:$0x11000] =	vst v63  }
0x45e: {  	s12 =	sld [smem:$0x708]  }
0x45f: {  	[tilespmem:s13], [sflag:$0x1] =	stream.indirect.gather [hbm4b:s4+s7], $0x20, s11, s7, $0xb8;
	[tilespmem:$0x11000] =	vst v63  }
0x460: {  	s13 =	sld [smem:$0x709]  }
0x461: {  	[tilespmem:s14], [sflag:$0x1] =	stream.indirect.gather [hbm4b:s4+s7], $0x20, s12, s7, $0xb8;
	[tilespmem:$0x11000] =	vst v63  }
0x462: {  	s14 =	sld [smem:$0x70A]  }
0x463: {  	[tilespmem:s15], [sflag:$0x1] =	stream.indirect.gather [hbm4b:s4+s7], $0x20, s13, s7, $0xb8;
	[tilespmem:$0x11000] =	vst v63  }
0x464: {  	s15 =	sld [smem:$0x70B]  }
0x465: {  	[tilespmem:s16], [sflag:$0x1] =	stream.indirect.gather [hbm4b:s4+s7], $0x20, s14, s7, $0xb8;
	[tilespmem:$0x11000] =	vst v63  }
0x466: {  	s16 =	sld [smem:$0x70C]  }
0x467: {  	[tilespmem:s17], [sflag:$0x1] =	stream.indirect.gather [hbm4b:s4+s7], $0x20, s15, s7, $0xb8;
	[tilespmem:$0x11000] =	vst v63  }
0x468: {  	s17 =	sld [smem:$0x70D]  }
0x469: {  	[tilespmem:s18], [sflag:$0x1] =	stream.indirect.gather [hbm4b:s4+s7], $0x20, s16, s7, $0xb8;
	[tilespmem:$0x11000] =	vst v63  }
0x46a: {  	s18 =	sld [smem:$0x70E]  }
0x46b: {  	[tilespmem:s19], [sflag:$0x1] =	stream.indirect.gather [hbm4b:s4+s7], $0x20, s17, s7, $0xb8;
	[tilespmem:$0x11000] =	vst v63  }
0x46c: {  	s2 =	sld [smem:$0x70F]  }
0x46d: {  	[tilespmem:s20], [sflag:$0x1] =	stream.indirect.gather [hbm4b:s4+s7], $0x20, s18, s7, $0xb8;
	[tilespmem:$0x11000] =	vst v63  }
0x46e: {  	s3 =	sld [smem:$0x710]  }
0x46f: {  	[tilespmem:s21], [sflag:$0x1] =	stream.indirect.gather [hbm4b:s4+s7], $0x20, s2, s7, $0xb8;
	[tilespmem:$0x11000] =	vst v63  }
0x470: {  	s5 =	sld [smem:$0x711]  }
0x471: {  	[tilespmem:s22], [sflag:$0x1] =	stream.indirect.gather [hbm4b:s4+s7], $0x20, s3, s7, $0xb8;
	[tilespmem:$0x11000] =	vst v63  }
0x472: {  	s10 =	sld [smem:$0x712]  }
0x473: {  	[tilespmem:s28], [sflag:$0x1] =	stream.indirect.gather [hbm4b:s4+s7], $0x20, s5, s7, $0xb8;
	[tilespmem:$0x11000] =	vst v63  }
0x474: {  	s11 =	sld [smem:$0x713];
	s18 =	simm.s32 $0x8100  }
0x475: {  	[tilespmem:s18], [sflag:$0x1] =	stream.indirect.gather [hbm4b:s4+s7], $0x20, s10, s7, $0xb8;
	[tilespmem:$0x11000] =	vst v63  }
0x476: {  	s12 =	sld [smem:$0x714];
	s2 =	simm.s32 $0x8440  }
0x477: {  	[tilespmem:s2], [sflag:$0x1] =	stream.indirect.gather [hbm4b:s4+s7], $0x20, s11, s7, $0xb8;
	[tilespmem:$0x11000] =	vst v63  }
0x478: {  	s13 =	sld [smem:$0x715];
	s3 =	simm.s32 $0x8780  }
0x479: {  	[tilespmem:s3], [sflag:$0x1] =	stream.indirect.gather [hbm4b:s4+s7], $0x20, s12, s7, $0xb8;
	[tilespmem:$0x11000] =	vst v63  }
0x47a: {  	s14 =	sld [smem:$0x716];
	s5 =	simm.s32 $0x8AC0  }
0x47b: {  	[tilespmem:s5], [sflag:$0x1] =	stream.indirect.gather [hbm4b:s4+s7], $0x20, s13, s7, $0xb8;
	[tilespmem:$0x11000] =	vst v63  }
0x47c: {  	s15 =	sld [smem:$0x717];
	s10 =	simm.s32 $0x8E00  }
0x47d: {  	[tilespmem:s10], [sflag:$0x1] =	stream.indirect.gather [hbm4b:s4+s7], $0x20, s14, s7, $0xb8;
	[tilespmem:$0x11000] =	vst v63  }
0x47e: {  	s16 =	sld [smem:$0x718];
	s11 =	simm.s32 $0x9140  }
0x47f: {  	[tilespmem:s11], [sflag:$0x1] =	stream.indirect.gather [hbm4b:s4+s7], $0x20, s15, s7, $0xb8;
	[tilespmem:$0x11000] =	vst v63  }
0x480: {  	s17 =	sld [smem:$0x719];
	s12 =	simm.s32 $0x9480  }
0x481: {  	[tilespmem:s12], [sflag:$0x1] =	stream.indirect.gather [hbm4b:s4+s7], $0x20, s16, s7, $0xb8;
	[tilespmem:$0x11000] =	vst v63  }
0x482: {  	s19 =	sld [smem:$0x71A];
	s13 =	simm.s32 $0x97C0  }
0x483: {  	[tilespmem:s13], [sflag:$0x1] =	stream.indirect.gather [hbm4b:s4+s7], $0x20, s17, s7, $0xb8;
	[tilespmem:$0x11000] =	vst v63  }
0x484: {  	s20 =	sld [smem:$0x71B];
	s14 =	simm.s32 $0x9B00  }
0x485: {  	[tilespmem:s14], [sflag:$0x1] =	stream.indirect.gather [hbm4b:s4+s7], $0x20, s19, s7, $0xb8;
	[tilespmem:$0x11000] =	vst v63  }
0x486: {  	s21 =	sld [smem:$0x71C];
	s15 =	simm.s32 $0x9E40  }
0x487: {  	[tilespmem:s15], [sflag:$0x1] =	stream.indirect.gather [hbm4b:s4+s7], $0x20, s20, s7, $0xb8;
	[tilespmem:$0x11000] =	vst v63  }
0x488: {  	s22 =	sld [smem:$0x71D];
	s16 =	simm.s32 $0xA180  }
0x489: {  	[tilespmem:s16], [sflag:$0x1] =	stream.indirect.gather [hbm4b:s4+s7], $0x20, s21, s7, $0xb8;
	[tilespmem:$0x11000] =	vst v63  }
0x48a: {  	s17 =	simm.s32 $0xA4C0  }
0x48b: {  	[tilespmem:s17], [sflag:$0x1] =	stream.indirect.gather [hbm4b:s4+s7], $0x20, s22, s7, $0xb8;
	[tilespmem:$0x11000] =	vst v63  }
0x48c: {  	_ =	swait.ge [sflag:s24], $0x6800  }
0x48d: {  	[sflag:s24] =	ssyncset.done $0x0  }
0x48e: {  	s28 =	simm.s32 $0xA800;
	s26 =	rddreg [dreg:$0xa];
	[sflag:s24] =	ssyncadd.s32 $0xFFFF9800  }
0x48f: {  	[hbm4b:s26+s0] =	stream.linear.scatter [tilespmem:s28], [sflag:$0x3], $0x6800, $0x38;
	[tilespmem:$0x11000] =	vst v63  }
0x490: {  	_ =	swait.ge [sflag:s6], $0x6800  }
0x491: {  	s0 =	sld [smem:$0x71E]  }
0x492: {  	[sflag:s6] =	ssyncset.done $0x0  }
0x493: {  	s20 =	sld [smem:$0x71F];
	[sflag:s6] =	ssyncadd.s32 $0xFFFF9800  }
0x494: {  	[tilespmem:s28], [sflag:$0x2] =	stream.indirect.gather [hbm4b:s4+s7], $0x20, s0, s7, $0xb8;
	[tilespmem:$0x11000] =	vst v63  }
0x495: {  	s21 =	sld [smem:$0x720]  }
0x496: {  	[tilespmem:s31], [sflag:$0x2] =	stream.indirect.gather [hbm4b:s4+s7], $0x20, s20, s7, $0xb8;
	[tilespmem:$0x11000] =	vst v63  }
0x497: {  	s22 =	sld [smem:$0x721]  }
0x498: {  	[tilespmem:s30], [sflag:$0x2] =	stream.indirect.gather [hbm4b:s4+s7], $0x20, s21, s7, $0xb8;
	[tilespmem:$0x11000] =	vst v63  }
0x499: {  	s28 =	sld [smem:$0x722]  }
0x49a: {  	[tilespmem:s29], [sflag:$0x2] =	stream.indirect.gather [hbm4b:s4+s7], $0x20, s22, s7, $0xb8;
	[tilespmem:$0x11000] =	vst v63  }
0x49b: {  	s30 =	simm.s32 $0xB500;
	s29 =	sld [smem:$0x723]  }
0x49c: {  	[tilespmem:s30], [sflag:$0x2] =	stream.indirect.gather [hbm4b:s4+s7], $0x20, s28, s7, $0xb8;
	[tilespmem:$0x11000] =	vst v63  }
0x49d: {  	s19 =	simm.s32 $0xB840;
	s31 =	sld [smem:$0x724]  }
0x49e: {  	[tilespmem:s19], [sflag:$0x2] =	stream.indirect.gather [hbm4b:s4+s7], $0x20, s29, s7, $0xb8;
	[tilespmem:$0x11000] =	vst v63  }
0x49f: {  	s20 =	sld [smem:$0x725];
	s21 =	simm.s32 $0xBB80  }
0x4a0: {  	[tilespmem:s21], [sflag:$0x2] =	stream.indirect.gather [hbm4b:s4+s7], $0x20, s31, s7, $0xb8;
	[tilespmem:$0x11000] =	vst v63  }
0x4a1: {  	s22 =	sld [smem:$0x726];
	s28 =	simm.s32 $0xBEC0  }
0x4a2: {  	[tilespmem:s28], [sflag:$0x2] =	stream.indirect.gather [hbm4b:s4+s7], $0x20, s20, s7, $0xb8;
	[tilespmem:$0x11000] =	vst v63  }
0x4a3: {  	s30 =	simm.s32 $0xC200;
	s29 =	sld [smem:$0x727]  }
0x4a4: {  	[tilespmem:s30], [sflag:$0x2] =	stream.indirect.gather [hbm4b:s4+s7], $0x20, s22, s7, $0xb8;
	[tilespmem:$0x11000] =	vst v63  }
0x4a5: {  	s19 =	simm.s32 $0xC540;
	s31 =	sld [smem:$0x728]  }
0x4a6: {  	[tilespmem:s19], [sflag:$0x2] =	stream.indirect.gather [hbm4b:s4+s7], $0x20, s29, s7, $0xb8;
	[tilespmem:$0x11000] =	vst v63  }
0x4a7: {  	s21 =	simm.s32 $0xC880;
	s20 =	sld [smem:$0x729]  }
0x4a8: {  	[tilespmem:s21], [sflag:$0x2] =	stream.indirect.gather [hbm4b:s4+s7], $0x20, s31, s7, $0xb8;
	[tilespmem:$0x11000] =	vst v63  }
0x4a9: {  	s28 =	simm.s32 $0xCBC0;
	s22 =	sld [smem:$0x72A]  }
0x4aa: {  	[tilespmem:s28], [sflag:$0x2] =	stream.indirect.gather [hbm4b:s4+s7], $0x20, s20, s7, $0xb8;
	[tilespmem:$0x11000] =	vst v63  }
0x4ab: {  	s30 =	simm.s32 $0xCF00;
	s29 =	sld [smem:$0x72B]  }
0x4ac: {  	[tilespmem:s30], [sflag:$0x2] =	stream.indirect.gather [hbm4b:s4+s7], $0x20, s22, s7, $0xb8;
	[tilespmem:$0x11000] =	vst v63  }
0x4ad: {  	s19 =	simm.s32 $0xD240;
	s31 =	sld [smem:$0x72C]  }
0x4ae: {  	[tilespmem:s19], [sflag:$0x2] =	stream.indirect.gather [hbm4b:s4+s7], $0x20, s29, s7, $0xb8;
	[tilespmem:$0x11000] =	vst v63  }
0x4af: {  	s21 =	simm.s32 $0xD580;
	s20 =	sld [smem:$0x72D]  }
0x4b0: {  	[tilespmem:s21], [sflag:$0x2] =	stream.indirect.gather [hbm4b:s4+s7], $0x20, s31, s7, $0xb8;
	[tilespmem:$0x11000] =	vst v63  }
0x4b1: {  	s28 =	simm.s32 $0xD8C0;
	s22 =	sld [smem:$0x72E]  }
0x4b2: {  	[tilespmem:s28], [sflag:$0x2] =	stream.indirect.gather [hbm4b:s4+s7], $0x20, s20, s7, $0xb8;
	[tilespmem:$0x11000] =	vst v63  }
0x4b3: {  	s30 =	simm.s32 $0xDC00;
	s29 =	sld [smem:$0x72F]  }
0x4b4: {  	[tilespmem:s30], [sflag:$0x2] =	stream.indirect.gather [hbm4b:s4+s7], $0x20, s22, s7, $0xb8;
	[tilespmem:$0x11000] =	vst v63  }
0x4b5: {  	s19 =	simm.s32 $0xDF40;
	s31 =	sld [smem:$0x730]  }
0x4b6: {  	[tilespmem:s19], [sflag:$0x2] =	stream.indirect.gather [hbm4b:s4+s7], $0x20, s29, s7, $0xb8;
	[tilespmem:$0x11000] =	vst v63  }
0x4b7: {  	s20 =	sld [smem:$0x731];
	s19 =	simm.s32 $0xE280  }
0x4b8: {  	[tilespmem:s19], [sflag:$0x2] =	stream.indirect.gather [hbm4b:s4+s7], $0x20, s31, s7, $0xb8;
	[tilespmem:$0x11000] =	vst v63  }
0x4b9: {  	s21 =	sld [smem:$0x732];
	s22 =	simm.s32 $0xE5C0  }
0x4ba: {  	[tilespmem:s22], [sflag:$0x2] =	stream.indirect.gather [hbm4b:s4+s7], $0x20, s20, s7, $0xb8;
	[tilespmem:$0x11000] =	vst v63  }
0x4bb: {  	s28 =	sld [smem:$0x733];
	s20 =	simm.s32 $0xE900  }
0x4bc: {  	[tilespmem:s20], [sflag:$0x2] =	stream.indirect.gather [hbm4b:s4+s7], $0x20, s21, s7, $0xb8;
	[tilespmem:$0x11000] =	vst v63  }
0x4bd: {  	s30 =	simm.s32 $0xEC40;
	s29 =	sld [smem:$0x734]  }
0x4be: {  	[tilespmem:s30], [sflag:$0x2] =	stream.indirect.gather [hbm4b:s4+s7], $0x20, s28, s7, $0xb8;
	[tilespmem:$0x11000] =	vst v63  }
0x4bf: {  	s31 =	sld [smem:$0x735];
	s21 =	simm.s32 $0xEF80  }
0x4c0: {  	[tilespmem:s21], [sflag:$0x2] =	stream.indirect.gather [hbm4b:s4+s7], $0x20, s29, s7, $0xb8;
	[tilespmem:$0x11000] =	vst v63  }
0x4c1: {  	s22 =	sld [smem:$0x736];
	s28 =	simm.s32 $0xF2C0  }
0x4c2: {  	[tilespmem:s28], [sflag:$0x2] =	stream.indirect.gather [hbm4b:s4+s7], $0x20, s31, s7, $0xb8;
	[tilespmem:$0x11000] =	vst v63  }
0x4c3: {  	s30 =	simm.s32 $0xF600;
	s29 =	sld [smem:$0x737]  }
0x4c4: {  	[tilespmem:s30], [sflag:$0x2] =	stream.indirect.gather [hbm4b:s4+s7], $0x20, s22, s7, $0xb8;
	[tilespmem:$0x11000] =	vst v63  }
0x4c5: {  	s21 =	simm.s32 $0xF940;
	s31 =	sld [smem:$0x738]  }
0x4c6: {  	[tilespmem:s21], [sflag:$0x2] =	stream.indirect.gather [hbm4b:s4+s7], $0x20, s29, s7, $0xb8;
	[tilespmem:$0x11000] =	vst v63  }
0x4c7: {  	s22 =	sld [smem:$0x739]  }
0x4c8: {  	[tilespmem:s9], [sflag:$0x2] =	stream.indirect.gather [hbm4b:s4+s7], $0x20, s31, s7, $0xb8;
	[tilespmem:$0x11000] =	vst v63  }
0x4c9: {  	s28 =	sld [smem:$0x73A]  }
0x4ca: {  	[tilespmem:s8], [sflag:$0x2] =	stream.indirect.gather [hbm4b:s4+s7], $0x20, s22, s7, $0xb8;
	[tilespmem:$0x11000] =	vst v63  }
0x4cb: {  	s30 =	simm.s32 $0x10300;
	s29 =	sld [smem:$0x73B]  }
0x4cc: {  	[tilespmem:s30], [sflag:$0x2] =	stream.indirect.gather [hbm4b:s4+s7], $0x20, s28, s7, $0xb8;
	[tilespmem:$0x11000] =	vst v63  }
0x4cd: {  	s31 =	sld [smem:$0x73C];
	s8 =	simm.s32 $0x10640  }
0x4ce: {  	[tilespmem:s8], [sflag:$0x2] =	stream.indirect.gather [hbm4b:s4+s7], $0x20, s29, s7, $0xb8;
	[tilespmem:$0x11000] =	vst v63  }
0x4cf: {  	s9 =	sld [smem:$0x73D];
	s8 =	simm.s32 $0x10980  }
0x4d0: {  	[tilespmem:s8], [sflag:$0x2] =	stream.indirect.gather [hbm4b:s4+s7], $0x20, s31, s7, $0xb8;
	[tilespmem:$0x11000] =	vst v63  }
0x4d1: {  	_ = 	snop  }
0x4d2: {  	[tilespmem:s1], [sflag:$0x2] =	stream.indirect.gather [hbm4b:s4+s7], $0x20, s9, s7, $0xb8;
	[tilespmem:$0x11000] =	vst v63  }
0x4d3: {  	_ =	swait.ge [sflag:s23], $0x6800  }
0x4d4: {  	s22 =	simm.s32 $0x4000;
	[sflag:s23] =	ssyncset.done $0x0  }
0x4d5: {  	s1 =	simm.s32 $0x0;
	s21 =	rddreg [dreg:$0xb];
	[sflag:s23] =	ssyncadd.s32 $0xFFFF9800  }
0x4d6: {  	[hbm4b:s21+s1] =	stream.linear.scatter [tilespmem:s22], [sflag:$0x3], $0x6800, $0x38;
	[tilespmem:$0x11000] =	vst v63  }
0x4d7: {  	_ =	swait.ge [sflag:s6], $0x6800  }
0x4d8: {  	s26 =	sld [smem:$0x73E]  }
0x4d9: {  	[sflag:s6] =	ssyncset.done $0x0  }
0x4da: {  	s28 =	sld [smem:$0x73F];
	[sflag:s6] =	ssyncadd.s32 $0xFFFF9800  }
0x4db: {  	[tilespmem:s22], [sflag:$0x1] =	stream.indirect.gather [hbm4b:s4+s7], $0x20, s26, s7, $0xb8;
	[tilespmem:$0x11000] =	vst v63  }
0x4dc: {  	s30 =	simm.s32 $0x4340;
	s29 =	sld [smem:$0x740]  }
0x4dd: {  	[tilespmem:s30], [sflag:$0x1] =	stream.indirect.gather [hbm4b:s4+s7], $0x20, s28, s7, $0xb8;
	[tilespmem:$0x11000] =	vst v63  }
0x4de: {  	s21 =	simm.s32 $0x4680;
	s31 =	sld [smem:$0x741]  }
0x4df: {  	[tilespmem:s21], [sflag:$0x1] =	stream.indirect.gather [hbm4b:s4+s7], $0x20, s29, s7, $0xb8;
	[tilespmem:$0x11000] =	vst v63  }
0x4e0: {  	s9 =	simm.s32 $0x49C0;
	s22 =	sld [smem:$0x742]  }
0x4e1: {  	[tilespmem:s9], [sflag:$0x1] =	stream.indirect.gather [hbm4b:s4+s7], $0x20, s31, s7, $0xb8;
	[tilespmem:$0x11000] =	vst v63  }
0x4e2: {  	s28 =	sld [smem:$0x743];
	s21 =	simm.s32 $0x4D00  }
0x4e3: {  	[tilespmem:s21], [sflag:$0x1] =	stream.indirect.gather [hbm4b:s4+s7], $0x20, s22, s7, $0xb8;
	[tilespmem:$0x11000] =	vst v63  }
0x4e4: {  	s29 =	sld [smem:$0x744];
	s22 =	simm.s32 $0x5040  }
0x4e5: {  	[tilespmem:s22], [sflag:$0x1] =	stream.indirect.gather [hbm4b:s4+s7], $0x20, s28, s7, $0xb8;
	[tilespmem:$0x11000] =	vst v63  }
0x4e6: {  	s30 =	sld [smem:$0x745];
	s28 =	simm.s32 $0x5380  }
0x4e7: {  	[tilespmem:s28], [sflag:$0x1] =	stream.indirect.gather [hbm4b:s4+s7], $0x20, s29, s7, $0xb8;
	[tilespmem:$0x11000] =	vst v63  }
0x4e8: {  	s31 =	sld [smem:$0x746];
	s29 =	simm.s32 $0x56C0  }
0x4e9: {  	[tilespmem:s29], [sflag:$0x1] =	stream.indirect.gather [hbm4b:s4+s7], $0x20, s30, s7, $0xb8;
	[tilespmem:$0x11000] =	vst v63  }
0x4ea: {  	s0 =	sld [smem:$0x747];
	s30 =	simm.s32 $0x5A00  }
0x4eb: {  	[tilespmem:s30], [sflag:$0x1] =	stream.indirect.gather [hbm4b:s4+s7], $0x20, s31, s7, $0xb8;
	[tilespmem:$0x11000] =	vst v63  }
0x4ec: {  	s25 =	sld [smem:$0x748];
	s31 =	simm.s32 $0x5D40  }
0x4ed: {  	[tilespmem:s31], [sflag:$0x1] =	stream.indirect.gather [hbm4b:s4+s7], $0x20, s0, s7, $0xb8;
	[tilespmem:$0x11000] =	vst v63  }
0x4ee: {  	s26 =	sld [smem:$0x749];
	s0 =	simm.s32 $0x6080  }
0x4ef: {  	[tilespmem:s0], [sflag:$0x1] =	stream.indirect.gather [hbm4b:s4+s7], $0x20, s25, s7, $0xb8;
	[tilespmem:$0x11000] =	vst v63  }
0x4f0: {  	s25 =	sld [smem:$0x74A];
	s0 =	simm.s32 $0x63C0  }
0x4f1: {  	[tilespmem:s0], [sflag:$0x1] =	stream.indirect.gather [hbm4b:s4+s7], $0x20, s26, s7, $0xb8;
	[tilespmem:$0x11000] =	vst v63  }
0x4f2: {  	s26 =	sld [smem:$0x74B];
	s0 =	simm.s32 $0x6700  }
0x4f3: {  	[tilespmem:s0], [sflag:$0x1] =	stream.indirect.gather [hbm4b:s4+s7], $0x20, s25, s7, $0xb8;
	[tilespmem:$0x11000] =	vst v63  }
0x4f4: {  	s25 =	sld [smem:$0x74C];
	s0 =	simm.s32 $0x6A40  }
0x4f5: {  	[tilespmem:s0], [sflag:$0x1] =	stream.indirect.gather [hbm4b:s4+s7], $0x20, s26, s7, $0xb8;
	[tilespmem:$0x11000] =	vst v63  }
0x4f6: {  	s26 =	sld [smem:$0x74D];
	s0 =	simm.s32 $0x6D80  }
0x4f7: {  	[tilespmem:s0], [sflag:$0x1] =	stream.indirect.gather [hbm4b:s4+s7], $0x20, s25, s7, $0xb8;
	[tilespmem:$0x11000] =	vst v63  }
0x4f8: {  	s25 =	sld [smem:$0x74E];
	s0 =	simm.s32 $0x70C0  }
0x4f9: {  	[tilespmem:s0], [sflag:$0x1] =	stream.indirect.gather [hbm4b:s4+s7], $0x20, s26, s7, $0xb8;
	[tilespmem:$0x11000] =	vst v63  }
0x4fa: {  	s26 =	sld [smem:$0x74F];
	s0 =	simm.s32 $0x7400  }
0x4fb: {  	[tilespmem:s0], [sflag:$0x1] =	stream.indirect.gather [hbm4b:s4+s7], $0x20, s25, s7, $0xb8;
	[tilespmem:$0x11000] =	vst v63  }
0x4fc: {  	s25 =	sld [smem:$0x750];
	s0 =	simm.s32 $0x7740  }
0x4fd: {  	[tilespmem:s0], [sflag:$0x1] =	stream.indirect.gather [hbm4b:s4+s7], $0x20, s26, s7, $0xb8;
	[tilespmem:$0x11000] =	vst v63  }
0x4fe: {  	s26 =	sld [smem:$0x751];
	s0 =	simm.s32 $0x7A80  }
0x4ff: {  	[tilespmem:s0], [sflag:$0x1] =	stream.indirect.gather [hbm4b:s4+s7], $0x20, s25, s7, $0xb8;
	[tilespmem:$0x11000] =	vst v63  }
0x500: {  	s25 =	sld [smem:$0x752];
	s0 =	simm.s32 $0x7DC0  }
0x501: {  	[tilespmem:s0], [sflag:$0x1] =	stream.indirect.gather [hbm4b:s4+s7], $0x20, s26, s7, $0xb8;
	[tilespmem:$0x11000] =	vst v63  }
0x502: {  	s26 =	sld [smem:$0x753]  }
0x503: {  	[tilespmem:s18], [sflag:$0x1] =	stream.indirect.gather [hbm4b:s4+s7], $0x20, s25, s7, $0xb8;
	[tilespmem:$0x11000] =	vst v63  }
0x504: {  	s0 =	sld [smem:$0x754]  }
0x505: {  	[tilespmem:s2], [sflag:$0x1] =	stream.indirect.gather [hbm4b:s4+s7], $0x20, s26, s7, $0xb8;
	[tilespmem:$0x11000] =	vst v63  }
0x506: {  	s2 =	sld [smem:$0x755]  }
0x507: {  	[tilespmem:s3], [sflag:$0x1] =	stream.indirect.gather [hbm4b:s4+s7], $0x20, s0, s7, $0xb8;
	[tilespmem:$0x11000] =	vst v63  }
0x508: {  	s3 =	sld [smem:$0x756]  }
0x509: {  	[tilespmem:s5], [sflag:$0x1] =	stream.indirect.gather [hbm4b:s4+s7], $0x20, s2, s7, $0xb8;
	[tilespmem:$0x11000] =	vst v63  }
0x50a: {  	s5 =	sld [smem:$0x757]  }
0x50b: {  	[tilespmem:s10], [sflag:$0x1] =	stream.indirect.gather [hbm4b:s4+s7], $0x20, s3, s7, $0xb8;
	[tilespmem:$0x11000] =	vst v63  }
0x50c: {  	s10 =	sld [smem:$0x758]  }
0x50d: {  	[tilespmem:s11], [sflag:$0x1] =	stream.indirect.gather [hbm4b:s4+s7], $0x20, s5, s7, $0xb8;
	[tilespmem:$0x11000] =	vst v63  }
0x50e: {  	s11 =	sld [smem:$0x759]  }
0x50f: {  	[tilespmem:s12], [sflag:$0x1] =	stream.indirect.gather [hbm4b:s4+s7], $0x20, s10, s7, $0xb8;
	[tilespmem:$0x11000] =	vst v63  }
0x510: {  	s12 =	sld [smem:$0x75A]  }
0x511: {  	[tilespmem:s13], [sflag:$0x1] =	stream.indirect.gather [hbm4b:s4+s7], $0x20, s11, s7, $0xb8;
	[tilespmem:$0x11000] =	vst v63  }
0x512: {  	s13 =	sld [smem:$0x75B]  }
0x513: {  	[tilespmem:s14], [sflag:$0x1] =	stream.indirect.gather [hbm4b:s4+s7], $0x20, s12, s7, $0xb8;
	[tilespmem:$0x11000] =	vst v63  }
0x514: {  	s14 =	sld [smem:$0x75C]  }
0x515: {  	[tilespmem:s15], [sflag:$0x1] =	stream.indirect.gather [hbm4b:s4+s7], $0x20, s13, s7, $0xb8;
	[tilespmem:$0x11000] =	vst v63  }
0x516: {  	s15 =	sld [smem:$0x75D]  }
0x517: {  	[tilespmem:s16], [sflag:$0x1] =	stream.indirect.gather [hbm4b:s4+s7], $0x20, s14, s7, $0xb8;
	[tilespmem:$0x11000] =	vst v63  }
0x518: {  	_ = 	snop  }
0x519: {  	[tilespmem:s17], [sflag:$0x1] =	stream.indirect.gather [hbm4b:s4+s7], $0x20, s15, s7, $0xb8;
	[tilespmem:$0x11000] =	vst v63  }
0x51a: {  	_ =	swait.ge [sflag:s24], $0x6800  }
0x51b: {  	[sflag:s24] =	ssyncset.done $0x0  }
0x51c: {  	s26 =	simm.s32 $0xA800;
	s18 =	rddreg [dreg:$0xc];
	[sflag:s24] =	ssyncadd.s32 $0xFFFF9800  }
0x51d: {  	[hbm4b:s18+s1] =	stream.linear.scatter [tilespmem:s26], [sflag:$0x3], $0x6800, $0x38;
	[tilespmem:$0x11000] =	vst v63  }
0x51e: {  	_ =	swait.ge [sflag:s6], $0x6800  }
0x51f: {  	s0 =	sld [smem:$0x75E]  }
0x520: {  	[sflag:s6] =	ssyncset.done $0x0  }
0x521: {  	s2 =	sld [smem:$0x75F];
	[sflag:s6] =	ssyncadd.s32 $0xFFFF9800  }
0x522: {  	[tilespmem:s26], [sflag:$0x2] =	stream.indirect.gather [hbm4b:s4+s7], $0x20, s0, s7, $0xb8;
	[tilespmem:$0x11000] =	vst v63  }
0x523: {  	s10 =	simm.s32 $0xAB40;
	s5 =	sld [smem:$0x760]  }
0x524: {  	[tilespmem:s10], [sflag:$0x2] =	stream.indirect.gather [hbm4b:s4+s7], $0x20, s2, s7, $0xb8;
	[tilespmem:$0x11000] =	vst v63  }
0x525: {  	s18 =	simm.s32 $0xAE80;
	s11 =	sld [smem:$0x761]  }
0x526: {  	[tilespmem:s18], [sflag:$0x2] =	stream.indirect.gather [hbm4b:s4+s7], $0x20, s5, s7, $0xb8;
	[tilespmem:$0x11000] =	vst v63  }
0x527: {  	s17 =	simm.s32 $0xB1C0;
	s12 =	sld [smem:$0x762]  }
0x528: {  	[tilespmem:s17], [sflag:$0x2] =	stream.indirect.gather [hbm4b:s4+s7], $0x20, s11, s7, $0xb8;
	[tilespmem:$0x11000] =	vst v63  }
0x529: {  	s14 =	simm.s32 $0xB500;
	s13 =	sld [smem:$0x763]  }
0x52a: {  	[tilespmem:s14], [sflag:$0x2] =	stream.indirect.gather [hbm4b:s4+s7], $0x20, s12, s7, $0xb8;
	[tilespmem:$0x11000] =	vst v63  }
0x52b: {  	s16 =	simm.s32 $0xB840;
	s15 =	sld [smem:$0x764]  }
0x52c: {  	[tilespmem:s16], [sflag:$0x2] =	stream.indirect.gather [hbm4b:s4+s7], $0x20, s13, s7, $0xb8;
	[tilespmem:$0x11000] =	vst v63  }
0x52d: {  	s3 =	simm.s32 $0xBB80;
	s2 =	sld [smem:$0x765]  }
0x52e: {  	[tilespmem:s3], [sflag:$0x2] =	stream.indirect.gather [hbm4b:s4+s7], $0x20, s15, s7, $0xb8;
	[tilespmem:$0x11000] =	vst v63  }
0x52f: {  	s10 =	simm.s32 $0xBEC0;
	s5 =	sld [smem:$0x766]  }
0x530: {  	[tilespmem:s10], [sflag:$0x2] =	stream.indirect.gather [hbm4b:s4+s7], $0x20, s2, s7, $0xb8;
	[tilespmem:$0x11000] =	vst v63  }
0x531: {  	s11 =	sld [smem:$0x767];
	s12 =	simm.s32 $0xC200  }
0x532: {  	[tilespmem:s12], [sflag:$0x2] =	stream.indirect.gather [hbm4b:s4+s7], $0x20, s5, s7, $0xb8;
	[tilespmem:$0x11000] =	vst v63  }
0x533: {  	s14 =	simm.s32 $0xC540;
	s13 =	sld [smem:$0x768]  }
0x534: {  	[tilespmem:s14], [sflag:$0x2] =	stream.indirect.gather [hbm4b:s4+s7], $0x20, s11, s7, $0xb8;
	[tilespmem:$0x11000] =	vst v63  }
0x535: {  	s16 =	simm.s32 $0xC880;
	s15 =	sld [smem:$0x769]  }
0x536: {  	[tilespmem:s16], [sflag:$0x2] =	stream.indirect.gather [hbm4b:s4+s7], $0x20, s13, s7, $0xb8;
	[tilespmem:$0x11000] =	vst v63  }
0x537: {  	s3 =	simm.s32 $0xCBC0;
	s2 =	sld [smem:$0x76A]  }
0x538: {  	[tilespmem:s3], [sflag:$0x2] =	stream.indirect.gather [hbm4b:s4+s7], $0x20, s15, s7, $0xb8;
	[tilespmem:$0x11000] =	vst v63  }
0x539: {  	s10 =	simm.s32 $0xCF00;
	s5 =	sld [smem:$0x76B]  }
0x53a: {  	[tilespmem:s10], [sflag:$0x2] =	stream.indirect.gather [hbm4b:s4+s7], $0x20, s2, s7, $0xb8;
	[tilespmem:$0x11000] =	vst v63  }
0x53b: {  	s12 =	simm.s32 $0xD240;
	s11 =	sld [smem:$0x76C]  }
0x53c: {  	[tilespmem:s12], [sflag:$0x2] =	stream.indirect.gather [hbm4b:s4+s7], $0x20, s5, s7, $0xb8;
	[tilespmem:$0x11000] =	vst v63  }
0x53d: {  	s14 =	simm.s32 $0xD580;
	s13 =	sld [smem:$0x76D]  }
0x53e: {  	[tilespmem:s14], [sflag:$0x2] =	stream.indirect.gather [hbm4b:s4+s7], $0x20, s11, s7, $0xb8;
	[tilespmem:$0x11000] =	vst v63  }
0x53f: {  	s16 =	simm.s32 $0xD8C0;
	s15 =	sld [smem:$0x76E]  }
0x540: {  	[tilespmem:s16], [sflag:$0x2] =	stream.indirect.gather [hbm4b:s4+s7], $0x20, s13, s7, $0xb8;
	[tilespmem:$0x11000] =	vst v63  }
0x541: {  	s3 =	simm.s32 $0xDC00;
	s2 =	sld [smem:$0x76F]  }
0x542: {  	[tilespmem:s3], [sflag:$0x2] =	stream.indirect.gather [hbm4b:s4+s7], $0x20, s15, s7, $0xb8;
	[tilespmem:$0x11000] =	vst v63  }
0x543: {  	s10 =	simm.s32 $0xDF40;
	s5 =	sld [smem:$0x770]  }
0x544: {  	[tilespmem:s10], [sflag:$0x2] =	stream.indirect.gather [hbm4b:s4+s7], $0x20, s2, s7, $0xb8;
	[tilespmem:$0x11000] =	vst v63  }
0x545: {  	s11 =	sld [smem:$0x771]  }
0x546: {  	[tilespmem:s19], [sflag:$0x2] =	stream.indirect.gather [hbm4b:s4+s7], $0x20, s5, s7, $0xb8;
	[tilespmem:$0x11000] =	vst v63  }
0x547: {  	s12 =	sld [smem:$0x772];
	s13 =	simm.s32 $0xE5C0  }
0x548: {  	[tilespmem:s13], [sflag:$0x2] =	stream.indirect.gather [hbm4b:s4+s7], $0x20, s11, s7, $0xb8;
	[tilespmem:$0x11000] =	vst v63  }
0x549: {  	s14 =	sld [smem:$0x773]  }
0x54a: {  	[tilespmem:s20], [sflag:$0x2] =	stream.indirect.gather [hbm4b:s4+s7], $0x20, s12, s7, $0xb8;
	[tilespmem:$0x11000] =	vst v63  }
0x54b: {  	s15 =	sld [smem:$0x774];
	s19 =	simm.s32 $0xEC40  }
0x54c: {  	[tilespmem:s19], [sflag:$0x2] =	stream.indirect.gather [hbm4b:s4+s7], $0x20, s14, s7, $0xb8;
	[tilespmem:$0x11000] =	vst v63  }
0x54d: {  	s16 =	sld [smem:$0x775];
	s20 =	simm.s32 $0xEF80  }
0x54e: {  	[tilespmem:s20], [sflag:$0x2] =	stream.indirect.gather [hbm4b:s4+s7], $0x20, s15, s7, $0xb8;
	[tilespmem:$0x11000] =	vst v63  }
0x54f: {  	s2 =	sld [smem:$0x776];
	s20 =	simm.s32 $0xF2C0  }
0x550: {  	[tilespmem:s20], [sflag:$0x2] =	stream.indirect.gather [hbm4b:s4+s7], $0x20, s16, s7, $0xb8;
	[tilespmem:$0x11000] =	vst v63  }
0x551: {  	s3 =	sld [smem:$0x777];
	s5 =	simm.s32 $0xF600  }
0x552: {  	[tilespmem:s5], [sflag:$0x2] =	stream.indirect.gather [hbm4b:s4+s7], $0x20, s2, s7, $0xb8;
	[tilespmem:$0x11000] =	vst v63  }
0x553: {  	s10 =	sld [smem:$0x778];
	s11 =	simm.s32 $0xF940  }
0x554: {  	[tilespmem:s11], [sflag:$0x2] =	stream.indirect.gather [hbm4b:s4+s7], $0x20, s3, s7, $0xb8;
	[tilespmem:$0x11000] =	vst v63  }
0x555: {  	s13 =	simm.s32 $0xFC80;
	s12 =	sld [smem:$0x779]  }
0x556: {  	[tilespmem:s13], [sflag:$0x2] =	stream.indirect.gather [hbm4b:s4+s7], $0x20, s10, s7, $0xb8;
	[tilespmem:$0x11000] =	vst v63  }
0x557: {  	s14 =	sld [smem:$0x77A];
	s2 =	simm.s32 $0xFFC0  }
0x558: {  	[tilespmem:s2], [sflag:$0x2] =	stream.indirect.gather [hbm4b:s4+s7], $0x20, s12, s7, $0xb8;
	[tilespmem:$0x11000] =	vst v63  }
0x559: {  	s15 =	sld [smem:$0x77B];
	s16 =	simm.s32 $0x10300  }
0x55a: {  	[tilespmem:s16], [sflag:$0x2] =	stream.indirect.gather [hbm4b:s4+s7], $0x20, s14, s7, $0xb8;
	[tilespmem:$0x11000] =	vst v63  }
0x55b: {  	s5 =	simm.s32 $0x10640;
	s3 =	sld [smem:$0x77C]  }
0x55c: {  	[tilespmem:s5], [sflag:$0x2] =	stream.indirect.gather [hbm4b:s4+s7], $0x20, s15, s7, $0xb8;
	[tilespmem:$0x11000] =	vst v63  }
0x55d: {  	s10 =	sld [smem:$0x77D]  }
0x55e: {  	[tilespmem:s8], [sflag:$0x2] =	stream.indirect.gather [hbm4b:s4+s7], $0x20, s3, s7, $0xb8;
	[tilespmem:$0x11000] =	vst v63  }
0x55f: {  	s16 =	simm.s32 $0x10CC0  }
0x560: {  	[tilespmem:s16], [sflag:$0x2] =	stream.indirect.gather [hbm4b:s4+s7], $0x20, s10, s7, $0xb8;
	[tilespmem:$0x11000] =	vst v63  }
0x561: {  	_ =	swait.ge [sflag:s23], $0x6800  }
0x562: {  	s1 =	simm.s32 $0x0;
	[sflag:s23] =	ssyncset.done $0x0  }
0x563: {  	s12 =	simm.s32 $0x4000;
	s11 =	rddreg [dreg:$0xd];
	[sflag:s23] =	ssyncadd.s32 $0xFFFF9800  }
0x564: {  	[hbm4b:s11+s1] =	stream.linear.scatter [tilespmem:s12], [sflag:$0x3], $0x6800, $0x38;
	[tilespmem:$0x11000] =	vst v63  }
0x565: {  	_ =	swait.ge [sflag:s6], $0x6800  }
0x566: {  	s13 =	sld [smem:$0x77E]  }
0x567: {  	[sflag:s6] =	ssyncset.done $0x0  }
0x568: {  	s14 =	sld [smem:$0x77F];
	[sflag:s6] =	ssyncadd.s32 $0xFFFF9800  }
0x569: {  	[tilespmem:s12], [sflag:$0x1] =	stream.indirect.gather [hbm4b:s4+s7], $0x20, s13, s7, $0xb8;
	[tilespmem:$0x11000] =	vst v63  }
0x56a: {  	s1 =	simm.s32 $0x4340;
	s15 =	sld [smem:$0x780]  }
0x56b: {  	[tilespmem:s1], [sflag:$0x1] =	stream.indirect.gather [hbm4b:s4+s7], $0x20, s14, s7, $0xb8;
	[tilespmem:$0x11000] =	vst v63  }
0x56c: {  	s5 =	simm.s32 $0x4680;
	s3 =	sld [smem:$0x781]  }
0x56d: {  	[tilespmem:s5], [sflag:$0x1] =	stream.indirect.gather [hbm4b:s4+s7], $0x20, s15, s7, $0xb8;
	[tilespmem:$0x11000] =	vst v63  }
0x56e: {  	s8 =	sld [smem:$0x782]  }
0x56f: {  	[tilespmem:s9], [sflag:$0x1] =	stream.indirect.gather [hbm4b:s4+s7], $0x20, s3, s7, $0xb8;
	[tilespmem:$0x11000] =	vst v63  }
0x570: {  	s9 =	sld [smem:$0x783]  }
0x571: {  	[tilespmem:s21], [sflag:$0x1] =	stream.indirect.gather [hbm4b:s4+s7], $0x20, s8, s7, $0xb8;
	[tilespmem:$0x11000] =	vst v63  }
0x572: {  	s10 =	sld [smem:$0x784]  }
0x573: {  	[tilespmem:s22], [sflag:$0x1] =	stream.indirect.gather [hbm4b:s4+s7], $0x20, s9, s7, $0xb8;
	[tilespmem:$0x11000] =	vst v63  }
0x574: {  	s11 =	sld [smem:$0x785]  }
0x575: {  	[tilespmem:s28], [sflag:$0x1] =	stream.indirect.gather [hbm4b:s4+s7], $0x20, s10, s7, $0xb8;
	[tilespmem:$0x11000] =	vst v63  }
0x576: {  	s12 =	sld [smem:$0x786]  }
0x577: {  	[tilespmem:s29], [sflag:$0x1] =	stream.indirect.gather [hbm4b:s4+s7], $0x20, s11, s7, $0xb8;
	[tilespmem:$0x11000] =	vst v63  }
0x578: {  	s13 =	sld [smem:$0x787]  }
0x579: {  	[tilespmem:s30], [sflag:$0x1] =	stream.indirect.gather [hbm4b:s4+s7], $0x20, s12, s7, $0xb8;
	[tilespmem:$0x11000] =	vst v63  }
0x57a: {  	s14 =	sld [smem:$0x788]  }
0x57b: {  	[tilespmem:s31], [sflag:$0x1] =	stream.indirect.gather [hbm4b:s4+s7], $0x20, s13, s7, $0xb8;
	[tilespmem:$0x11000] =	vst v63  }
0x57c: {  	s15 =	sld [smem:$0x789];
	s21 =	simm.s32 $0x6080  }
0x57d: {  	[tilespmem:s21], [sflag:$0x1] =	stream.indirect.gather [hbm4b:s4+s7], $0x20, s14, s7, $0xb8;
	[tilespmem:$0x11000] =	vst v63  }
0x57e: {  	s22 =	sld [smem:$0x78A];
	s28 =	simm.s32 $0x63C0  }
0x57f: {  	[tilespmem:s28], [sflag:$0x1] =	stream.indirect.gather [hbm4b:s4+s7], $0x20, s15, s7, $0xb8;
	[tilespmem:$0x11000] =	vst v63  }
0x580: {  	s29 =	sld [smem:$0x78B];
	s30 =	simm.s32 $0x6700  }
0x581: {  	[tilespmem:s30], [sflag:$0x1] =	stream.indirect.gather [hbm4b:s4+s7], $0x20, s22, s7, $0xb8;
	[tilespmem:$0x11000] =	vst v63  }
0x582: {  	s0 =	simm.s32 $0x6A40;
	s31 =	sld [smem:$0x78C]  }
0x583: {  	[tilespmem:s0], [sflag:$0x1] =	stream.indirect.gather [hbm4b:s4+s7], $0x20, s29, s7, $0xb8;
	[tilespmem:$0x11000] =	vst v63  }
0x584: {  	s1 =	sld [smem:$0x78D];
	s3 =	simm.s32 $0x6D80  }
0x585: {  	[tilespmem:s3], [sflag:$0x1] =	stream.indirect.gather [hbm4b:s4+s7], $0x20, s31, s7, $0xb8;
	[tilespmem:$0x11000] =	vst v63  }
0x586: {  	s5 =	sld [smem:$0x78E];
	s8 =	simm.s32 $0x70C0  }
0x587: {  	[tilespmem:s8], [sflag:$0x1] =	stream.indirect.gather [hbm4b:s4+s7], $0x20, s1, s7, $0xb8;
	[tilespmem:$0x11000] =	vst v63  }
0x588: {  	s9 =	sld [smem:$0x78F];
	s10 =	simm.s32 $0x7400  }
0x589: {  	[tilespmem:s10], [sflag:$0x1] =	stream.indirect.gather [hbm4b:s4+s7], $0x20, s5, s7, $0xb8;
	[tilespmem:$0x11000] =	vst v63  }
0x58a: {  	s11 =	sld [smem:$0x790];
	s12 =	simm.s32 $0x7740  }
0x58b: {  	[tilespmem:s12], [sflag:$0x1] =	stream.indirect.gather [hbm4b:s4+s7], $0x20, s9, s7, $0xb8;
	[tilespmem:$0x11000] =	vst v63  }
0x58c: {  	s13 =	sld [smem:$0x791];
	s15 =	simm.s32 $0x7A80  }
0x58d: {  	[tilespmem:s15], [sflag:$0x1] =	stream.indirect.gather [hbm4b:s4+s7], $0x20, s11, s7, $0xb8;
	[tilespmem:$0x11000] =	vst v63  }
0x58e: {  	s21 =	sld [smem:$0x792];
	s22 =	simm.s32 $0x7DC0  }
0x58f: {  	[tilespmem:s22], [sflag:$0x1] =	stream.indirect.gather [hbm4b:s4+s7], $0x20, s13, s7, $0xb8;
	[tilespmem:$0x11000] =	vst v63  }
0x590: {  	s28 =	sld [smem:$0x793];
	s11 =	simm.s32 $0x8100  }
0x591: {  	[tilespmem:s11], [sflag:$0x1] =	stream.indirect.gather [hbm4b:s4+s7], $0x20, s21, s7, $0xb8;
	[tilespmem:$0x11000] =	vst v63  }
0x592: {  	s29 =	sld [smem:$0x794];
	s12 =	simm.s32 $0x8440  }
0x593: {  	[tilespmem:s12], [sflag:$0x1] =	stream.indirect.gather [hbm4b:s4+s7], $0x20, s28, s7, $0xb8;
	[tilespmem:$0x11000] =	vst v63  }
0x594: {  	s30 =	sld [smem:$0x795];
	s13 =	simm.s32 $0x8780  }
0x595: {  	[tilespmem:s13], [sflag:$0x1] =	stream.indirect.gather [hbm4b:s4+s7], $0x20, s29, s7, $0xb8;
	[tilespmem:$0x11000] =	vst v63  }
0x596: {  	s14 =	simm.s32 $0x8AC0;
	s31 =	sld [smem:$0x796]  }
0x597: {  	[tilespmem:s14], [sflag:$0x1] =	stream.indirect.gather [hbm4b:s4+s7], $0x20, s30, s7, $0xb8;
	[tilespmem:$0x11000] =	vst v63  }
0x598: {  	s0 =	sld [smem:$0x797];
	s15 =	simm.s32 $0x8E00  }
0x599: {  	[tilespmem:s15], [sflag:$0x1] =	stream.indirect.gather [hbm4b:s4+s7], $0x20, s31, s7, $0xb8;
	[tilespmem:$0x11000] =	vst v63  }
0x59a: {  	s1 =	sld [smem:$0x798];
	s21 =	simm.s32 $0x9140  }
0x59b: {  	[tilespmem:s21], [sflag:$0x1] =	stream.indirect.gather [hbm4b:s4+s7], $0x20, s0, s7, $0xb8;
	[tilespmem:$0x11000] =	vst v63  }
0x59c: {  	s3 =	sld [smem:$0x799];
	s22 =	simm.s32 $0x9480  }
0x59d: {  	[tilespmem:s22], [sflag:$0x1] =	stream.indirect.gather [hbm4b:s4+s7], $0x20, s1, s7, $0xb8;
	[tilespmem:$0x11000] =	vst v63  }
0x59e: {  	s5 =	sld [smem:$0x79A];
	s28 =	simm.s32 $0x97C0  }
0x59f: {  	[tilespmem:s28], [sflag:$0x1] =	stream.indirect.gather [hbm4b:s4+s7], $0x20, s3, s7, $0xb8;
	[tilespmem:$0x11000] =	vst v63  }
0x5a0: {  	s8 =	sld [smem:$0x79B];
	s29 =	simm.s32 $0x9B00  }
0x5a1: {  	[tilespmem:s29], [sflag:$0x1] =	stream.indirect.gather [hbm4b:s4+s7], $0x20, s5, s7, $0xb8;
	[tilespmem:$0x11000] =	vst v63  }
0x5a2: {  	s9 =	sld [smem:$0x79C];
	s30 =	simm.s32 $0x9E40  }
0x5a3: {  	[tilespmem:s30], [sflag:$0x1] =	stream.indirect.gather [hbm4b:s4+s7], $0x20, s8, s7, $0xb8;
	[tilespmem:$0x11000] =	vst v63  }
0x5a4: {  	s10 =	sld [smem:$0x79D];
	s31 =	simm.s32 $0xA180  }
0x5a5: {  	[tilespmem:s31], [sflag:$0x1] =	stream.indirect.gather [hbm4b:s4+s7], $0x20, s9, s7, $0xb8;
	[tilespmem:$0x11000] =	vst v63  }
0x5a6: {  	s25 =	simm.s32 $0xA4C0  }
0x5a7: {  	[tilespmem:s25], [sflag:$0x1] =	stream.indirect.gather [hbm4b:s4+s7], $0x20, s10, s7, $0xb8;
	[tilespmem:$0x11000] =	vst v63  }
0x5a8: {  	_ =	swait.ge [sflag:s24], $0x6800  }
0x5a9: {  	s1 =	simm.s32 $0xA800;
	[sflag:s24] =	ssyncset.done $0x0  }
0x5aa: {  	s3 =	simm.s32 $0x0;
	s0 =	rddreg [dreg:$0xe];
	[sflag:s24] =	ssyncadd.s32 $0xFFFF9800  }
0x5ab: {  	[hbm4b:s0+s3] =	stream.linear.scatter [tilespmem:s1], [sflag:$0x3], $0x6800, $0x38;
	[tilespmem:$0x11000] =	vst v63  }
0x5ac: {  	_ =	swait.ge [sflag:s6], $0x6800  }
0x5ad: {  	s5 =	sld [smem:$0x79E]  }
0x5ae: {  	[sflag:s6] =	ssyncset.done $0x0  }
0x5af: {  	s8 =	sld [smem:$0x79F];
	[sflag:s6] =	ssyncadd.s32 $0xFFFF9800  }
0x5b0: {  	[tilespmem:s1], [sflag:$0x2] =	stream.indirect.gather [hbm4b:s4+s7], $0x20, s5, s7, $0xb8;
	[tilespmem:$0x11000] =	vst v63  }
0x5b1: {  	s10 =	simm.s32 $0xAB40;
	s9 =	sld [smem:$0x7A0]  }
0x5b2: {  	[tilespmem:s10], [sflag:$0x2] =	stream.indirect.gather [hbm4b:s4+s7], $0x20, s8, s7, $0xb8;
	[tilespmem:$0x11000] =	vst v63  }
0x5b3: {  	s1 =	sld [smem:$0x7A1]  }
0x5b4: {  	[tilespmem:s18], [sflag:$0x2] =	stream.indirect.gather [hbm4b:s4+s7], $0x20, s9, s7, $0xb8;
	[tilespmem:$0x11000] =	vst v63  }
0x5b5: {  	s5 =	sld [smem:$0x7A2]  }
0x5b6: {  	[tilespmem:s17], [sflag:$0x2] =	stream.indirect.gather [hbm4b:s4+s7], $0x20, s1, s7, $0xb8;
	[tilespmem:$0x11000] =	vst v63  }
0x5b7: {  	s8 =	sld [smem:$0x7A3];
	s9 =	simm.s32 $0xB500  }
0x5b8: {  	[tilespmem:s9], [sflag:$0x2] =	stream.indirect.gather [hbm4b:s4+s7], $0x20, s5, s7, $0xb8;
	[tilespmem:$0x11000] =	vst v63  }
0x5b9: {  	s10 =	sld [smem:$0x7A4];
	s17 =	simm.s32 $0xB840  }
0x5ba: {  	[tilespmem:s17], [sflag:$0x2] =	stream.indirect.gather [hbm4b:s4+s7], $0x20, s8, s7, $0xb8;
	[tilespmem:$0x11000] =	vst v63  }
0x5bb: {  	s18 =	sld [smem:$0x7A5];
	s1 =	simm.s32 $0xBB80  }
0x5bc: {  	[tilespmem:s1], [sflag:$0x2] =	stream.indirect.gather [hbm4b:s4+s7], $0x20, s10, s7, $0xb8;
	[tilespmem:$0x11000] =	vst v63  }
0x5bd: {  	s0 =	simm.s32 $0xBEC0;
	s5 =	sld [smem:$0x7A6]  }
0x5be: {  	[tilespmem:s0], [sflag:$0x2] =	stream.indirect.gather [hbm4b:s4+s7], $0x20, s18, s7, $0xb8;
	[tilespmem:$0x11000] =	vst v63  }
0x5bf: {  	s9 =	simm.s32 $0xC200;
	s8 =	sld [smem:$0x7A7]  }
0x5c0: {  	[tilespmem:s9], [sflag:$0x2] =	stream.indirect.gather [hbm4b:s4+s7], $0x20, s5, s7, $0xb8;
	[tilespmem:$0x11000] =	vst v63  }
0x5c1: {  	s17 =	simm.s32 $0xC540;
	s10 =	sld [smem:$0x7A8]  }
0x5c2: {  	[tilespmem:s17], [sflag:$0x2] =	stream.indirect.gather [hbm4b:s4+s7], $0x20, s8, s7, $0xb8;
	[tilespmem:$0x11000] =	vst v63  }
0x5c3: {  	s18 =	sld [smem:$0x7A9];
	s5 =	simm.s32 $0xC880  }
0x5c4: {  	[tilespmem:s5], [sflag:$0x2] =	stream.indirect.gather [hbm4b:s4+s7], $0x20, s10, s7, $0xb8;
	[tilespmem:$0x11000] =	vst v63  }
0x5c5: {  	s1 =	simm.s32 $0xCBC0;
	s8 =	sld [smem:$0x7AA]  }
0x5c6: {  	[tilespmem:s1], [sflag:$0x2] =	stream.indirect.gather [hbm4b:s4+s7], $0x20, s18, s7, $0xb8;
	[tilespmem:$0x11000] =	vst v63  }
0x5c7: {  	s9 =	sld [smem:$0x7AB];
	s10 =	simm.s32 $0xCF00  }
0x5c8: {  	[tilespmem:s10], [sflag:$0x2] =	stream.indirect.gather [hbm4b:s4+s7], $0x20, s8, s7, $0xb8;
	[tilespmem:$0x11000] =	vst v63  }
0x5c9: {  	s17 =	sld [smem:$0x7AC];
	s18 =	simm.s32 $0xD240  }
0x5ca: {  	[tilespmem:s18], [sflag:$0x2] =	stream.indirect.gather [hbm4b:s4+s7], $0x20, s9, s7, $0xb8;
	[tilespmem:$0x11000] =	vst v63  }
0x5cb: {  	s8 =	sld [smem:$0x7AD];
	s9 =	simm.s32 $0xD580  }
0x5cc: {  	[tilespmem:s9], [sflag:$0x2] =	stream.indirect.gather [hbm4b:s4+s7], $0x20, s17, s7, $0xb8;
	[tilespmem:$0x11000] =	vst v63  }
0x5cd: {  	s5 =	simm.s32 $0xD8C0;
	s10 =	sld [smem:$0x7AE]  }
0x5ce: {  	[tilespmem:s5], [sflag:$0x2] =	stream.indirect.gather [hbm4b:s4+s7], $0x20, s8, s7, $0xb8;
	[tilespmem:$0x11000] =	vst v63  }
0x5cf: {  	s17 =	sld [smem:$0x7AF];
	s9 =	simm.s32 $0xDC00  }
0x5d0: {  	[tilespmem:s9], [sflag:$0x2] =	stream.indirect.gather [hbm4b:s4+s7], $0x20, s10, s7, $0xb8;
	[tilespmem:$0x11000] =	vst v63  }
0x5d1: {  	s18 =	simm.s32 $0xDF40;
	s10 =	sld [smem:$0x7B0]  }
0x5d2: {  	[tilespmem:s18], [sflag:$0x2] =	stream.indirect.gather [hbm4b:s4+s7], $0x20, s17, s7, $0xb8;
	[tilespmem:$0x11000] =	vst v63  }
0x5d3: {  	s9 =	sld [smem:$0x7B1];
	s17 =	simm.s32 $0xE280  }
0x5d4: {  	[tilespmem:s17], [sflag:$0x2] =	stream.indirect.gather [hbm4b:s4+s7], $0x20, s10, s7, $0xb8;
	[tilespmem:$0x11000] =	vst v63  }
0x5d5: {  	s8 =	simm.s32 $0xE5C0;
	s10 =	sld [smem:$0x7B2]  }
0x5d6: {  	[tilespmem:s8], [sflag:$0x2] =	stream.indirect.gather [hbm4b:s4+s7], $0x20, s9, s7, $0xb8;
	[tilespmem:$0x11000] =	vst v63  }
0x5d7: {  	s18 =	simm.s32 $0xE900;
	s9 =	sld [smem:$0x7B3]  }
0x5d8: {  	[tilespmem:s18], [sflag:$0x2] =	stream.indirect.gather [hbm4b:s4+s7], $0x20, s10, s7, $0xb8;
	[tilespmem:$0x11000] =	vst v63  }
0x5d9: {  	s10 =	sld [smem:$0x7B4]  }
0x5da: {  	[tilespmem:s19], [sflag:$0x2] =	stream.indirect.gather [hbm4b:s4+s7], $0x20, s9, s7, $0xb8;
	[tilespmem:$0x11000] =	vst v63  }
0x5db: {  	s26 =	sld [smem:$0x7B5];
	s19 =	simm.s32 $0xEF80  }
0x5dc: {  	[tilespmem:s19], [sflag:$0x2] =	stream.indirect.gather [hbm4b:s4+s7], $0x20, s10, s7, $0xb8;
	[tilespmem:$0x11000] =	vst v63  }
0x5dd: {  	s10 =	sld [smem:$0x7B6]  }
0x5de: {  	[tilespmem:s20], [sflag:$0x2] =	stream.indirect.gather [hbm4b:s4+s7], $0x20, s26, s7, $0xb8;
	[tilespmem:$0x11000] =	vst v63  }
0x5df: {  	s19 =	simm.s32 $0xF600;
	s26 =	sld [smem:$0x7B7]  }
0x5e0: {  	[tilespmem:s19], [sflag:$0x2] =	stream.indirect.gather [hbm4b:s4+s7], $0x20, s10, s7, $0xb8;
	[tilespmem:$0x11000] =	vst v63  }
0x5e1: {  	s9 =	simm.s32 $0xF940;
	s10 =	sld [smem:$0x7B8]  }
0x5e2: {  	[tilespmem:s9], [sflag:$0x2] =	stream.indirect.gather [hbm4b:s4+s7], $0x20, s26, s7, $0xb8;
	[tilespmem:$0x11000] =	vst v63  }
0x5e3: {  	s19 =	simm.s32 $0xFC80;
	s26 =	sld [smem:$0x7B9]  }
0x5e4: {  	[tilespmem:s19], [sflag:$0x2] =	stream.indirect.gather [hbm4b:s4+s7], $0x20, s10, s7, $0xb8;
	[tilespmem:$0x11000] =	vst v63  }
0x5e5: {  	s25 =	sld [smem:$0x7BA]  }
0x5e6: {  	[tilespmem:s2], [sflag:$0x2] =	stream.indirect.gather [hbm4b:s4+s7], $0x20, s26, s7, $0xb8;
	[tilespmem:$0x11000] =	vst v63  }
0x5e7: {  	s19 =	sld [smem:$0x7BB];
	s10 =	simm.s32 $0x10300  }
0x5e8: {  	[tilespmem:s10], [sflag:$0x2] =	stream.indirect.gather [hbm4b:s4+s7], $0x20, s25, s7, $0xb8;
	[tilespmem:$0x11000] =	vst v63  }
0x5e9: {  	s2 =	simm.s32 $0x10640;
	s25 =	sld [smem:$0x7BC]  }
0x5ea: {  	[tilespmem:s2], [sflag:$0x2] =	stream.indirect.gather [hbm4b:s4+s7], $0x20, s19, s7, $0xb8;
	[tilespmem:$0x11000] =	vst v63  }
0x5eb: {  	s10 =	simm.s32 $0x10980;
	s19 =	sld [smem:$0x7BD]  }
0x5ec: {  	[tilespmem:s10], [sflag:$0x2] =	stream.indirect.gather [hbm4b:s4+s7], $0x20, s25, s7, $0xb8;
	[tilespmem:$0x11000] =	vst v63  }
0x5ed: {  	_ = 	snop  }
0x5ee: {  	[tilespmem:s16], [sflag:$0x2] =	stream.indirect.gather [hbm4b:s4+s7], $0x20, s19, s7, $0xb8;
	[tilespmem:$0x11000] =	vst v63  }
0x5ef: {  	_ =	swait.ge [sflag:s23], $0x6800  }
0x5f0: {  	[sflag:s23] =	ssyncset.done $0x0  }
0x5f1: {  	s16 =	simm.s32 $0x4000;
	s26 =	rddreg [dreg:$0xf];
	[sflag:s23] =	ssyncadd.s32 $0xFFFF9800  }
0x5f2: {  	[hbm4b:s26+s3] =	stream.linear.scatter [tilespmem:s16], [sflag:$0x3], $0x6800, $0x38;
	[tilespmem:$0x11000] =	vst v63  }
0x5f3: {  	_ =	swait.ge [sflag:s6], $0x6800  }
0x5f4: {  	s19 =	sld [smem:$0x7BE]  }
0x5f5: {  	[sflag:s6] =	ssyncset.done $0x0  }
0x5f6: {  	s26 =	sld [smem:$0x7BF];
	[sflag:s6] =	ssyncadd.s32 $0xFFFF9800  }
0x5f7: {  	[tilespmem:s16], [sflag:$0x1] =	stream.indirect.gather [hbm4b:s4+s7], $0x20, s19, s7, $0xb8;
	[tilespmem:$0x11000] =	vst v63  }
0x5f8: {  	s25 =	sld [smem:$0x7C0];
	s19 =	simm.s32 $0x4340  }
0x5f9: {  	[tilespmem:s19], [sflag:$0x1] =	stream.indirect.gather [hbm4b:s4+s7], $0x20, s26, s7, $0xb8;
	[tilespmem:$0x11000] =	vst v63  }
0x5fa: {  	s26 =	sld [smem:$0x7C1];
	s19 =	simm.s32 $0x4680  }
0x5fb: {  	[tilespmem:s19], [sflag:$0x1] =	stream.indirect.gather [hbm4b:s4+s7], $0x20, s25, s7, $0xb8;
	[tilespmem:$0x11000] =	vst v63  }
0x5fc: {  	s25 =	sld [smem:$0x7C2];
	s19 =	simm.s32 $0x49C0  }
0x5fd: {  	[tilespmem:s19], [sflag:$0x1] =	stream.indirect.gather [hbm4b:s4+s7], $0x20, s26, s7, $0xb8;
	[tilespmem:$0x11000] =	vst v63  }
0x5fe: {  	s26 =	sld [smem:$0x7C3];
	s19 =	simm.s32 $0x4D00  }
0x5ff: {  	[tilespmem:s19], [sflag:$0x1] =	stream.indirect.gather [hbm4b:s4+s7], $0x20, s25, s7, $0xb8;
	[tilespmem:$0x11000] =	vst v63  }
0x600: {  	s25 =	sld [smem:$0x7C4];
	s19 =	simm.s32 $0x5040  }
0x601: {  	[tilespmem:s19], [sflag:$0x1] =	stream.indirect.gather [hbm4b:s4+s7], $0x20, s26, s7, $0xb8;
	[tilespmem:$0x11000] =	vst v63  }
0x602: {  	s26 =	sld [smem:$0x7C5];
	s19 =	simm.s32 $0x5380  }
0x603: {  	[tilespmem:s19], [sflag:$0x1] =	stream.indirect.gather [hbm4b:s4+s7], $0x20, s25, s7, $0xb8;
	[tilespmem:$0x11000] =	vst v63  }
0x604: {  	s25 =	sld [smem:$0x7C6];
	s19 =	simm.s32 $0x56C0  }
0x605: {  	[tilespmem:s19], [sflag:$0x1] =	stream.indirect.gather [hbm4b:s4+s7], $0x20, s26, s7, $0xb8;
	[tilespmem:$0x11000] =	vst v63  }
0x606: {  	s26 =	sld [smem:$0x7C7];
	s19 =	simm.s32 $0x5A00  }
0x607: {  	[tilespmem:s19], [sflag:$0x1] =	stream.indirect.gather [hbm4b:s4+s7], $0x20, s25, s7, $0xb8;
	[tilespmem:$0x11000] =	vst v63  }
0x608: {  	s25 =	sld [smem:$0x7C8];
	s19 =	simm.s32 $0x5D40  }
0x609: {  	[tilespmem:s19], [sflag:$0x1] =	stream.indirect.gather [hbm4b:s4+s7], $0x20, s26, s7, $0xb8;
	[tilespmem:$0x11000] =	vst v63  }
0x60a: {  	s26 =	sld [smem:$0x7CB];
	s19 =	simm.s32 $0x6080  }
0x60b: {  	[tilespmem:s19], [sflag:$0x1] =	stream.indirect.gather [hbm4b:s4+s7], $0x20, s25, s7, $0xb8;
	[tilespmem:$0x11000] =	vst v63  }
0x60c: {  	s25 =	sld [smem:$0x7CD];
	s19 =	simm.s32 $0x63C0  }
0x60d: {  	[tilespmem:s19], [sflag:$0x1] =	stream.indirect.gather [hbm4b:s4+s7], $0x20, s26, s7, $0xb8;
	[tilespmem:$0x11000] =	vst v63  }
0x60e: {  	s26 =	sld [smem:$0x7CF];
	s19 =	simm.s32 $0x6700  }
0x60f: {  	[tilespmem:s19], [sflag:$0x1] =	stream.indirect.gather [hbm4b:s4+s7], $0x20, s25, s7, $0xb8;
	[tilespmem:$0x11000] =	vst v63  }
0x610: {  	s25 =	sld [smem:$0x7D1];
	s19 =	simm.s32 $0x6A40  }
0x611: {  	[tilespmem:s19], [sflag:$0x1] =	stream.indirect.gather [hbm4b:s4+s7], $0x20, s26, s7, $0xb8;
	[tilespmem:$0x11000] =	vst v63  }
0x612: {  	s26 =	sld [smem:$0x7D3];
	s19 =	simm.s32 $0x6D80  }
0x613: {  	[tilespmem:s19], [sflag:$0x1] =	stream.indirect.gather [hbm4b:s4+s7], $0x20, s25, s7, $0xb8;
	[tilespmem:$0x11000] =	vst v63  }
0x614: {  	s25 =	sld [smem:$0x7D5];
	s19 =	simm.s32 $0x70C0  }
0x615: {  	[tilespmem:s19], [sflag:$0x1] =	stream.indirect.gather [hbm4b:s4+s7], $0x20, s26, s7, $0xb8;
	[tilespmem:$0x11000] =	vst v63  }
0x616: {  	s26 =	sld [smem:$0x7D7];
	s19 =	simm.s32 $0x7400  }
0x617: {  	[tilespmem:s19], [sflag:$0x1] =	stream.indirect.gather [hbm4b:s4+s7], $0x20, s25, s7, $0xb8;
	[tilespmem:$0x11000] =	vst v63  }
0x618: {  	s25 =	sld [smem:$0x7D9];
	s19 =	simm.s32 $0x7740  }
0x619: {  	[tilespmem:s19], [sflag:$0x1] =	stream.indirect.gather [hbm4b:s4+s7], $0x20, s26, s7, $0xb8;
	[tilespmem:$0x11000] =	vst v63  }
0x61a: {  	s26 =	sld [smem:$0x7DB];
	s19 =	simm.s32 $0x7A80  }
0x61b: {  	[tilespmem:s19], [sflag:$0x1] =	stream.indirect.gather [hbm4b:s4+s7], $0x20, s25, s7, $0xb8;
	[tilespmem:$0x11000] =	vst v63  }
0x61c: {  	s25 =	sld [smem:$0x7DD];
	s19 =	simm.s32 $0x7DC0  }
0x61d: {  	[tilespmem:s19], [sflag:$0x1] =	stream.indirect.gather [hbm4b:s4+s7], $0x20, s26, s7, $0xb8;
	[tilespmem:$0x11000] =	vst v63  }
0x61e: {  	s19 =	sld [smem:$0x7DF]  }
0x61f: {  	[tilespmem:s11], [sflag:$0x1] =	stream.indirect.gather [hbm4b:s4+s7], $0x20, s25, s7, $0xb8;
	[tilespmem:$0x11000] =	vst v63  }
0x620: {  	s11 =	sld [smem:$0x7E1]  }
0x621: {  	[tilespmem:s12], [sflag:$0x1] =	stream.indirect.gather [hbm4b:s4+s7], $0x20, s19, s7, $0xb8;
	[tilespmem:$0x11000] =	vst v63  }
0x622: {  	s19 =	sld [smem:$0x7E3]  }
0x623: {  	[tilespmem:s13], [sflag:$0x1] =	stream.indirect.gather [hbm4b:s4+s7], $0x20, s11, s7, $0xb8;
	[tilespmem:$0x11000] =	vst v63  }
0x624: {  	s11 =	sld [smem:$0x7E7]  }
0x625: {  	[tilespmem:s14], [sflag:$0x1] =	stream.indirect.gather [hbm4b:s4+s7], $0x20, s19, s7, $0xb8;
	[tilespmem:$0x11000] =	vst v63  }
0x626: {  	s12 =	sld [smem:$0x7E9]  }
0x627: {  	[tilespmem:s15], [sflag:$0x1] =	stream.indirect.gather [hbm4b:s4+s7], $0x20, s11, s7, $0xb8;
	[tilespmem:$0x11000] =	vst v63  }
0x628: {  	s13 =	sld [smem:$0x7FB]  }
0x629: {  	[tilespmem:s21], [sflag:$0x1] =	stream.indirect.gather [hbm4b:s4+s7], $0x20, s12, s7, $0xb8;
	[tilespmem:$0x11000] =	vst v63  }
0x62a: {  	s14 =	sld [smem:$0x7FA]  }
0x62b: {  	[tilespmem:s22], [sflag:$0x1] =	stream.indirect.gather [hbm4b:s4+s7], $0x20, s13, s7, $0xb8;
	[tilespmem:$0x11000] =	vst v63  }
0x62c: {  	s15 =	sld [smem:$0x7F9]  }
0x62d: {  	[tilespmem:s28], [sflag:$0x1] =	stream.indirect.gather [hbm4b:s4+s7], $0x20, s14, s7, $0xb8;
	[tilespmem:$0x11000] =	vst v63  }
0x62e: {  	s19 =	sld [smem:$0x7F8]  }
0x62f: {  	[tilespmem:s29], [sflag:$0x1] =	stream.indirect.gather [hbm4b:s4+s7], $0x20, s15, s7, $0xb8;
	[tilespmem:$0x11000] =	vst v63  }
0x630: {  	s21 =	sld [smem:$0x7F7]  }
0x631: {  	[tilespmem:s30], [sflag:$0x1] =	stream.indirect.gather [hbm4b:s4+s7], $0x20, s19, s7, $0xb8;
	[tilespmem:$0x11000] =	vst v63  }
0x632: {  	s22 =	sld [smem:$0x7F6]  }
0x633: {  	[tilespmem:s31], [sflag:$0x1] =	stream.indirect.gather [hbm4b:s4+s7], $0x20, s21, s7, $0xb8;
	[tilespmem:$0x11000] =	vst v63  }
0x634: {  	s25 =	simm.s32 $0xA4C0  }
0x635: {  	[tilespmem:s25], [sflag:$0x1] =	stream.indirect.gather [hbm4b:s4+s7], $0x20, s22, s7, $0xb8;
	[tilespmem:$0x11000] =	vst v63  }
0x636: {  	_ =	swait.ge [sflag:s24], $0x6800  }
0x637: {  	s3 =	simm.s32 $0x0;
	[sflag:s24] =	ssyncset.done $0x0  }
0x638: {  	s28 =	simm.s32 $0xA800;
	s26 =	rddreg [dreg:$0x10];
	[sflag:s24] =	ssyncadd.s32 $0xFFFF9800  }
0x639: {  	[hbm4b:s26+s3] =	stream.linear.scatter [tilespmem:s28], [sflag:$0x3], $0x6800, $0x38;
	[tilespmem:$0x11000] =	vst v63  }
0x63a: {  	_ =	swait.ge [sflag:s6], $0x6800  }
0x63b: {  	s29 =	sld [smem:$0x7F5]  }
0x63c: {  	[sflag:s6] =	ssyncset.done $0x0  }
0x63d: {  	s30 =	sld [smem:$0x7F4];
	[sflag:s6] =	ssyncadd.s32 $0xFFFF9800  }
0x63e: {  	[tilespmem:s28], [sflag:$0x2] =	stream.indirect.gather [hbm4b:s4+s7], $0x20, s29, s7, $0xb8;
	[tilespmem:$0x11000] =	vst v63  }
0x63f: {  	s12 =	simm.s32 $0xAB40;
	s31 =	sld [smem:$0x7F3]  }
0x640: {  	[tilespmem:s12], [sflag:$0x2] =	stream.indirect.gather [hbm4b:s4+s7], $0x20, s30, s7, $0xb8;
	[tilespmem:$0x11000] =	vst v63  }
0x641: {  	s14 =	simm.s32 $0xAE80;
	s13 =	sld [smem:$0x7F2]  }
0x642: {  	[tilespmem:s14], [sflag:$0x2] =	stream.indirect.gather [hbm4b:s4+s7], $0x20, s31, s7, $0xb8;
	[tilespmem:$0x11000] =	vst v63  }
0x643: {  	s19 =	simm.s32 $0xB1C0;
	s15 =	sld [smem:$0x7F1]  }
0x644: {  	[tilespmem:s19], [sflag:$0x2] =	stream.indirect.gather [hbm4b:s4+s7], $0x20, s13, s7, $0xb8;
	[tilespmem:$0x11000] =	vst v63  }
0x645: {  	s22 =	simm.s32 $0xB500;
	s21 =	sld [smem:$0x7F0]  }
0x646: {  	[tilespmem:s22], [sflag:$0x2] =	stream.indirect.gather [hbm4b:s4+s7], $0x20, s15, s7, $0xb8;
	[tilespmem:$0x11000] =	vst v63  }
0x647: {  	s28 =	sld [smem:$0x7EF];
	s29 =	simm.s32 $0xB840  }
0x648: {  	[tilespmem:s29], [sflag:$0x2] =	stream.indirect.gather [hbm4b:s4+s7], $0x20, s21, s7, $0xb8;
	[tilespmem:$0x11000] =	vst v63  }
0x649: {  	s30 =	sld [smem:$0x7EE];
	s31 =	simm.s32 $0xBB80  }
0x64a: {  	[tilespmem:s31], [sflag:$0x2] =	stream.indirect.gather [hbm4b:s4+s7], $0x20, s28, s7, $0xb8;
	[tilespmem:$0x11000] =	vst v63  }
0x64b: {  	s12 =	sld [smem:$0x7ED]  }
0x64c: {  	[tilespmem:s0], [sflag:$0x2] =	stream.indirect.gather [hbm4b:s4+s7], $0x20, s30, s7, $0xb8;
	[tilespmem:$0x11000] =	vst v63  }
0x64d: {  	s14 =	simm.s32 $0xC200;
	s13 =	sld [smem:$0x7EC]  }
0x64e: {  	[tilespmem:s14], [sflag:$0x2] =	stream.indirect.gather [hbm4b:s4+s7], $0x20, s12, s7, $0xb8;
	[tilespmem:$0x11000] =	vst v63  }
0x64f: {  	s19 =	simm.s32 $0xC540;
	s15 =	sld [smem:$0x7EB]  }
0x650: {  	[tilespmem:s19], [sflag:$0x2] =	stream.indirect.gather [hbm4b:s4+s7], $0x20, s13, s7, $0xb8;
	[tilespmem:$0x11000] =	vst v63  }
0x651: {  	s22 =	simm.s32 $0xC880;
	s21 =	sld [smem:$0x7EA]  }
0x652: {  	[tilespmem:s22], [sflag:$0x2] =	stream.indirect.gather [hbm4b:s4+s7], $0x20, s15, s7, $0xb8;
	[tilespmem:$0x11000] =	vst v63  }
0x653: {  	s28 =	sld [smem:$0x7E8]  }
0x654: {  	[tilespmem:s1], [sflag:$0x2] =	stream.indirect.gather [hbm4b:s4+s7], $0x20, s21, s7, $0xb8;
	[tilespmem:$0x11000] =	vst v63  }
0x655: {  	s29 =	sld [smem:$0x7E6];
	s30 =	simm.s32 $0xCF00  }
0x656: {  	[tilespmem:s30], [sflag:$0x2] =	stream.indirect.gather [hbm4b:s4+s7], $0x20, s28, s7, $0xb8;
	[tilespmem:$0x11000] =	vst v63  }
0x657: {  	s31 =	sld [smem:$0x7E5];
	s1 =	simm.s32 $0xD240  }
0x658: {  	[tilespmem:s1], [sflag:$0x2] =	stream.indirect.gather [hbm4b:s4+s7], $0x20, s29, s7, $0xb8;
	[tilespmem:$0x11000] =	vst v63  }
0x659: {  	s11 =	sld [smem:$0x7E4];
	s12 =	simm.s32 $0xD580  }
0x65a: {  	[tilespmem:s12], [sflag:$0x2] =	stream.indirect.gather [hbm4b:s4+s7], $0x20, s31, s7, $0xb8;
	[tilespmem:$0x11000] =	vst v63  }
0x65b: {  	s13 =	sld [smem:$0x7E2]  }
0x65c: {  	[tilespmem:s5], [sflag:$0x2] =	stream.indirect.gather [hbm4b:s4+s7], $0x20, s11, s7, $0xb8;
	[tilespmem:$0x11000] =	vst v63  }
0x65d: {  	s14 =	sld [smem:$0x7E0];
	s15 =	simm.s32 $0xDC00  }
0x65e: {  	[tilespmem:s15], [sflag:$0x2] =	stream.indirect.gather [hbm4b:s4+s7], $0x20, s13, s7, $0xb8;
	[tilespmem:$0x11000] =	vst v63  }
0x65f: {  	s19 =	sld [smem:$0x7DE];
	s21 =	simm.s32 $0xDF40  }
0x660: {  	[tilespmem:s21], [sflag:$0x2] =	stream.indirect.gather [hbm4b:s4+s7], $0x20, s14, s7, $0xb8;
	[tilespmem:$0x11000] =	vst v63  }
0x661: {  	s22 =	sld [smem:$0x7DC]  }
0x662: {  	[tilespmem:s17], [sflag:$0x2] =	stream.indirect.gather [hbm4b:s4+s7], $0x20, s19, s7, $0xb8;
	[tilespmem:$0x11000] =	vst v63  }
0x663: {  	s28 =	sld [smem:$0x7DA]  }
0x664: {  	[tilespmem:s8], [sflag:$0x2] =	stream.indirect.gather [hbm4b:s4+s7], $0x20, s22, s7, $0xb8;
	[tilespmem:$0x11000] =	vst v63  }
0x665: {  	s29 =	sld [smem:$0x7D8]  }
0x666: {  	[tilespmem:s18], [sflag:$0x2] =	stream.indirect.gather [hbm4b:s4+s7], $0x20, s28, s7, $0xb8;
	[tilespmem:$0x11000] =	vst v63  }
0x667: {  	s30 =	sld [smem:$0x7D6];
	s31 =	simm.s32 $0xEC40  }
0x668: {  	[tilespmem:s31], [sflag:$0x2] =	stream.indirect.gather [hbm4b:s4+s7], $0x20, s29, s7, $0xb8;
	[tilespmem:$0x11000] =	vst v63  }
0x669: {  	s1 =	sld [smem:$0x7D4];
	s5 =	simm.s32 $0xEF80  }
0x66a: {  	[tilespmem:s5], [sflag:$0x2] =	stream.indirect.gather [hbm4b:s4+s7], $0x20, s30, s7, $0xb8;
	[tilespmem:$0x11000] =	vst v63  }
0x66b: {  	s20 =	simm.s32 $0xF2C0;
	s8 =	sld [smem:$0x7D2]  }
0x66c: {  	[tilespmem:s20], [sflag:$0x2] =	stream.indirect.gather [hbm4b:s4+s7], $0x20, s1, s7, $0xb8;
	[tilespmem:$0x11000] =	vst v63  }
0x66d: {  	s12 =	simm.s32 $0xF600;
	s11 =	sld [smem:$0x7D0]  }
0x66e: {  	[tilespmem:s12], [sflag:$0x2] =	stream.indirect.gather [hbm4b:s4+s7], $0x20, s8, s7, $0xb8;
	[tilespmem:$0x11000] =	vst v63  }
0x66f: {  	s13 =	sld [smem:$0x7CE]  }
0x670: {  	[tilespmem:s9], [sflag:$0x2] =	stream.indirect.gather [hbm4b:s4+s7], $0x20, s11, s7, $0xb8;
	[tilespmem:$0x11000] =	vst v63  }
0x671: {  	s15 =	simm.s32 $0xFC80;
	s14 =	sld [smem:$0x7CC]  }
0x672: {  	[tilespmem:s15], [sflag:$0x2] =	stream.indirect.gather [hbm4b:s4+s7], $0x20, s13, s7, $0xb8;
	[tilespmem:$0x11000] =	vst v63  }
0x673: {  	s17 =	sld [smem:$0x7CA];
	s18 =	simm.s32 $0xFFC0  }
0x674: {  	[tilespmem:s18], [sflag:$0x2] =	stream.indirect.gather [hbm4b:s4+s7], $0x20, s14, s7, $0xb8;
	[tilespmem:$0x11000] =	vst v63  }
0x675: {  	s19 =	sld [smem:$0x7C9];
	s20 =	simm.s32 $0x10300  }
0x676: {  	[tilespmem:s20], [sflag:$0x2] =	stream.indirect.gather [hbm4b:s4+s7], $0x20, s17, s7, $0xb8;
	[tilespmem:$0x11000] =	vst v63  }
0x677: {  	s21 =	sld [smem:$0x7FC]  }
0x678: {  	[tilespmem:s2], [sflag:$0x2] =	stream.indirect.gather [hbm4b:s4+s7], $0x20, s19, s7, $0xb8;
	[tilespmem:$0x11000] =	vst v63  }
0x679: {  	s22 =	sld [smem:$0x7FD]  }
0x67a: {  	[tilespmem:s10], [sflag:$0x2] =	stream.indirect.gather [hbm4b:s4+s7], $0x20, s21, s7, $0xb8;
	[tilespmem:$0x11000] =	vst v63  }
0x67b: {  	s25 =	simm.s32 $0x10CC0  }
0x67c: {  	[tilespmem:s25], [sflag:$0x2] =	stream.indirect.gather [hbm4b:s4+s7], $0x20, s22, s7, $0xb8;
	[tilespmem:$0x11000] =	vst v63  }
0x67d: {  	s28 =	sld [smem:$0x60A];
	_ =	swait.ge [sflag:s23], $0x6800  }
0x67e: {  	s16 =	simm.s32 $0x4000;
	[sflag:s23] =	ssyncset.done $0x0  }
0x67f: {  	s30 =	simm.s32 $0x0;
	s29 =	rddreg [dreg:$0x11];
	[sflag:s23] =	ssyncadd.s32 $0xFFFF9800  }
0x680: {  	[hbm4b:s29+s30] =	stream.linear.scatter [tilespmem:s16], [sflag:$0x3], $0x6800, $0x38;
	[tilespmem:$0x11000] =	vst v63  }
0x681: {  	_ =	swait.ge [sflag:s6], $0x6800  }
0x682: {  	[sflag:s6] =	ssyncset.done $0x0  }
0x683: {  	[sflag:s6] =	ssyncadd.s32 $0xFFFF9800  }
0x684: {  	_ =	swait.ge [sflag:s24], $0x6800  }
0x685: {  	s3 =	simm.s32 $0xA800;
	p0 =	sne.s32 s28, $0x1;
	[sflag:s24] =	ssyncset.done $0x0  }
.Ltmp0:
0x686: {  	s31 =	rddreg [dreg:$0x12];
	[sflag:s24] =	ssyncadd.s32 $0xFFFF9800;
	(pc) =	sbr.rel @p0 .LBB2_1-.Ltmp0, $4  }
0x687: {  	[hbm4b:s31+s30] =	stream.linear.scatter [tilespmem:s3], [sflag:$0x3], $0x6800, $0x38;
	[tilespmem:$0x11000] =	vst v63  }
0x688: {  	_ =	swait.ge [sflag:s6], $0x6800  }
0x689: {  	[sflag:s6] =	ssyncset.done $0x0  }
0x68a: {  	s2 =	sadd.s32 $0xFFFFFFFF, s28;
	[sflag:s6] =	ssyncadd.s32 $0xFFFF9800  }
0x68b: {  	_ =	sfence.sel $0x180000  }
0x68c: {  	[bflag:$0x0] =	sbarrier.arrive $0xFFFF  }
0x68d: {  	_ =	strace $0x90000047  }
0x68e: {  	s0 =	stileid.u32;
	[bflag:$0x2] =	sbarrier.arrive $0xFFFF  }
0x68f: {  	p0 =	sne.s32 s0, $0x0;
	s0 =	rddreg [dreg:$0x2]  }
0x690: {  	s0 =	sadd.s32 @!p0 $0x100000, s0  }
0x691: {  	[sflag:s0] =	ssyncadd.tile.s32 @!p0 $0x1;
	_ =	shalt  }
.Lfunc_end2:
_tile_overlayer_lowered:
.L_overlay_start_2:
0x692: {  	(tag) =	ssettag $0x2  }
0x693: {  	s0 =	rddreg [dreg:$0x0];
	s2 =	stileid.u32  }
0x694: {  	s1 =	rddreg [dreg:$0x1];
	p0 =	sne.s32 s2, $0x0  }
0x695: {  	s3 =	rddreg [dreg:$0x2];
	[bflag:$0x3] =	sbarrier.arrive $0xFFFF;
	s2 =	simm.s32 @!p0 $0x1C03  }
0x696: {  	[timem:s3], [sflag:s2] =	dma.local @!p0 [hbm:s0], s1  }
0x697: {  	s0 =	simm.s32 @!p0 $0x3  }
0x698: {  	_ =	swait.ge @!p0 [sflag:s0], s1  }
0x699: {  	s1 =	ssub.s32 @!p0 $0x0, s1;
	[sflag:s0] =	ssyncset.done @!p0 $0x0  }
0x69a: {  	[sflag:s0] =	ssyncadd.s32 @!p0 s1  }
0x69b: {  	[bflag:$0x3] =	sbarrier.arrive $0xFFFF  }
0x69c: {  	_ =	shalt  }

// kernel: sparse-core-data-format-call.cloned.1.call-start
scs
called_computation_lowered:
.L_overlay_start_0:
0x0: {  	s2 =	sld [smem:$0x3FD9]  }
0x1: {  	s3 =	sld [smem:$0x3FFE];
	_ =	sdelay $0x1  }
0x2: {  	s1 =	srdreg.scid  }
0x3: {  	s0 =	sand.u32 $0x1, s1  }
0x4: {  	s18 =	sshll.u32 s0, $0xA;
	s2 =	sadd.s32 s3, s2  }
0x5: {  	s2 =	sadd.s32 s2, s18  }
0x6: {  	[smem:$0x3FC6] =	sst s2  }
0x7: {  	_ = 	snop  }
0x8: {  	s2 =	sld [smem:$0x3FD0];
	(tm) =	ssettm $0x1  }
0x9: {  	s19 =	sld [smem:$0x3FFB];
	_ =	sdelay $0x3  }
0xa: {  	_ =	strace s19  }
0xb: {  	s3 =	sld [smem:$0x3FFC];
	_ =	sdelay $0x3  }
0xc: {  	_ =	strace s3  }
0xd: {  	s3 =	sld [smem:$0x3FFD];
	_ =	sdelay $0x3  }
0xe: {  	_ =	strace s3  }
0xf: {  	_ =	strace $0x8FFFFFFF  }
0x10: {  	s20 =	sld [smem:$0x3FDB];
	_ =	sdelay $0x1  }
0x11: {  	s4 =	simm.s32 $_scs_section_size  }
0x12: {  	s5 =	simm.s32 $_size__tile_overlayer_lowered;
	s6 =	simm.s32 $_tile_overlayer_lowered  }
0x13: {  	s23 =	simm.s32 $0x1BFF;
	s22 =	sshll.u32 s6, $0x1;
	s3 =	sadd.s32 s4, s20  }
0x14: {  	s7 =	simm.s32 $0x0;
	s21 =	sshll.u32 s5, $0x1;
	s5 =	sadd.s32 s22, s3  }
0x15: {  	[timem:s7], [sflag:s23] =	dma.local [hbm:s5], s21  }
0x16: {  	_ =	swait.ge [sflag:s23], s21  }
0x17: {  	s4 =	ssub.s32 $0x0, s21;
	[sflag:s23] =	ssyncset.done $0x0  }
0x18: {  	[sflag:s23] =	ssyncadd.s32 s4;
	_ =	sdelay $0x1  }
0x19: {  	s24 =	simm.s32 $0x1B8B  }
0x1a: {  	_ =	swait.ge [sflag:s24], $0x1  }
0x1b: {  	[sflag:s24] =	ssyncset.done $0x0  }
0x1c: {  	s26 =	simm.s32 $0x1B8E;
	s25 =	sld [smem:$0x3FFE];
	[sflag:s24] =	ssyncadd.s32 $0xFFFFFFFF  }
0x1d: {  	s27 =	simm.s32 $execute0_lowered;
	[smem:$0x3FD2] =	sst s26  }
0x1e: {  	s5 =	sshll.u32 s27, $0x1;
	_ =	strace $0x80000049;
	[dreg:$0x1] =	wrdreg $0xFFFFFFFF  }
0x1f: {  	s28 =	simm.s32 $_size_execute0_lowered;
	s3 =	sadd.s32 s3, s5;
	[dreg:$0x0] =	wrdreg $0x0  }
0x20: {  	s5 =	sshll.u32 s28, $0x1;
	[dreg:$0x2] =	wrdreg s3  }
0x21: {  	[dreg:$0x3] =	wrdreg s5  }
0x22: {  	[dreg:$0x4] =	wrdreg $0xC0  }
0x23: {  	_ =	task [dreg:s7], $0x5FFFF  }
0x24: {  	[dreg:$0x1] =	wrdreg $0xFFFFFFFF  }
0x25: {  	[dreg:$0x0] =	wrdreg $0x60  }
0x26: {  	[dreg:$0x2] =	wrdreg s25  }
0x27: {  	[dreg:$0x3] =	wrdreg s2  }
0x28: {  	[dreg:$0x4] =	wrdreg $0x9  }
0x29: {  	_ =	task.clear_ibuf [dreg:s7], $0x5FFFF;
	_ =	strace $0x90000049  }
0x2a: {  	s29 =	simm.s32 $0x9;
	_ =	strace $0x8000004B  }
0x2b: {  	_ =	swait.ge [sflag:s29], $0x1  }
0x2c: {  	[sflag:s29] =	ssyncadd.s32 $0xFFFFFFFF  }
0x2d: {  	_ =	strace $0x9000004B  }
0x2e: {  	_ =	sfence  }
0x2f: {  	s30 =	sld [smem:$0x0];
	_ =	sdelay $0x2  }
0x30: {  	s31 =	sshll.u32 s1, $0xD;
	s1 =	sshrl.u32 s1, $0x2  }
0x31: {  	s3 =	sand.u32 $0x4000, s31;
	s1 =	sadd.s32 s1, s30  }
0x32: {  	s0 =	sor.u32 s3, s0;
	s1 =	sshll.u32 s1, $0x11  }
0x33: {  	s0 =	sor.u32 s1, s0  }
0x34: {  	s0 =	sadd.s32 $0x8F2B, s0  }
0x35: {  	[sflag:s0] =	ssyncadd.remote.s32 $0x1  }
0x36: {  	_ =	sfence.sel $0xFFFF  }
0x37: {  	[dreg:$0x0] =	wrdreg $0xFFFFFFFF;
	(pc) =	sbr.abs _section_cstart, $3  }
0x38: {  	[dreg:$0x1] =	wrdreg $0xFFFFFFFF  }
0x39: {  	_ =	task.clear_ibuf [dreg:s7], $0x2FFFF;
	_ =	strace $0x9FFFFFFF  }
0x3a: {  	(tm) =	ssettm $0x7FFFFFFF  }
0x3b: {  	_ =	shalt  }
tec
execute0_lowered:
.L_overlay_start_1:
0x0: {  	(tag) =	ssettag $0x1  }
0x1: {  	s0 =	srdreg.scid  }
0x2: {  	s1 =	sshll.u32 s0, $0x4  }
0x3: {  	s0 =	stileid.u32;
	s1 =	sand.u32 $0x10, s1  }
0x4: {  	s1 =	sor.u32 s0, s1  }
0x5: {  	s6 =	rddreg [dreg:$0x0];
	s4 =	simm.s32 $0x1;
	s2 =	sshll.u32 s1, $0x7  }
0x6: {  	s7 =	simm.s32 $0x2;
	s12 =	simm.s32 $0x0;
	s1 =	ssub.s32 $0x4000, s2  }
0x7: {  	s8 =	simm.s32 $0x20000;
	s13 =	simm.s32 $0x0;
	s3 =	sand.u32 $0xF80, s1  }
0x8: {  	s9 =	simm.s32 $0x0;
	s5 =	sshrl.u32 s1, $0xC;
	p0 =	sne.s32 s3, $0x0  }
.Ltmp0:
0x9: {  	s1 =	rddreg [dreg:$0x2];
	s4 =	simm.s32 @!p0 $0x0;
	(pc) =	sbr.rel .LBB1_1-.Ltmp0, $4  }
0xa: {  	s11 =	simm.s32 $0x0;
	s3 =	rddreg [dreg:$0x1];
	s5 =	sadd.s32 s4, s5  }
0xb: {  	_ =	strace $0x8000004A;
	s4 =	simm.s32 $0x1;
	s5 =	smul.u32 $0x1A, s5  }
0xc: {  	s6 =	sadd.s32 $0xA00, s6;
	s10 =	smov.u32 s2;
	[sflag:s4] =	ssyncpa.u1 $0x0  }
0xd: {  	p0 =	por $0x0, $0x0;
	[sflag:s7] =	ssyncpa.u1 $0x0;
	s7 =	sor.u32 $0x1, s5  }
.LBB1_4:
0xe: {  	s16 =	sshll.u32 s13, $0x3;
	s17 =	sand.u32 $0x78, s13  }
0xf: {  	s30 =	sand.u32 $0xF800, s13;
	s12 =	sshll.u32 s12, $0x10;
	s16 =	sand.u32 $0x3C00, s16  }
0x10: {  	s31 =	sand.u32 $0x7, s13;
	s16 =	sor.u32 s17, s16;
	s17 =	sadd.s32 s3, s30  }
0x11: {  	s13 =	sshll.u32 s31, $0x12;
	s16 =	sshrl.u32 s16, $0x3;
	s12 =	sadd.s32 s12, s17  }
0x12: {  	[tilespmem:s15+$0x0 ss:$0x81] =	vst.msk $0xffff, v0;
	s13 =	sor.u32 $0x400, s13;
	s12 =	sadd.s32 s16, s12  }
0x13: {  	[hbm4b:s12+s13] =	stream.strided.scatter [tilespmem:s14], [sflag:$0x2], $0x1000, s8, s13, $0x20;
	[tilespmem:$0x4040] =	vst v63  }
.LBB1_5:
0x14: {  	s14 =	sadd.s32 $0x1, s9  }
0x15: {  	s12 =	sadd.s32 $0x1000, s10;
	s16 =	smov.u32 s10;
	p2 =	sgt.s32 s14, $0x19  }
0x16: {  	s16 =	smov.u32 @p2 s12  }
0x17: {  	s14 =	simm.s32 @p2 $0x0;
	p2 =	sgt.s32 s16, $0x3FFF  }
0x18: {  	s16 =	smov.u32 @p2 s2;
	p2 =	sne.s32 s11, s7  }
.Ltmp1:
0x19: {  	p1 =	slt.u32 s11, $0x2;
	(pc) =	sbr.rel @!p2 .LBB1_6-.Ltmp1, $4  }
0x1a: {  	s15 =	simm.s32 @!p1 $0x2  }
0x1b: {  	s13 =	smov.u32 s10;
	p0 =	por !p0, !p0;
	_ =	swait.ge @!p1 [sflag:s15], $0x1000  }
0x1c: {  	s12 =	smov.u32 s9;
	[sflag:s15] =	ssyncset.done @!p1 $0x0;
	s9 =	smov.u32 s14  }
0x1d: {  	s11 =	sadd.s32 $0x1, s11;
	[sflag:s15] =	ssyncadd.s32 @!p1 $0xFFFFF000;
	s10 =	smov.u32 s16  }
.LBB1_1:
0x1e: {  	p1 =	sge.u32 s11, s5  }
0x1f: {  	s31 =	sadd.s32 $0xFFFFFFFF, s11;
	s14 =	sxor.u32 @!p1 $0xFFFFFFFF, s11  }
0x20: {  	s15 =	sshll.u32 @!p1 s10, $0x9;
	s16 =	sshll.u32 @!p1 s9, $0x4;
	s17 =	simm.s32 @!p1 $0x1000  }
0x21: {  	s14 =	sshll.u32 @!p1 s14, $0xC;
	s16 =	sand.u32 @!p1 $0x1F0, s16;
	s15 =	sadd.s32 @!p1 s6, s15  }
0x22: {  	s14 =	sand.u32 @!p1 $0x1000, s14;
	s15 =	sadd.s32 @!p1 s16, s15;
	s16 =	simm.s32 @!p1 $0x20  }
0x23: {  	[tilespmem:s14], [sflag:$0x1] =	stream.strided.gather @!p1 [hbm4b:s15+s16], $0x1000, s17, s16, $0x38;
	[tilespmem:$0x4040] =	vst v63  }
0x24: {  	p1 =	sge.u32 s31, s5  }
.Ltmp2:
0x25: {  	_ = 	snop;
	(pc) =	sbr.rel @p1 .LBB1_5-.Ltmp2, $1  }
0x26: {  	_ =	sdelay $0x3  }
0x27: {  	s14 =	simm.s32 $0x1  }
0x28: {  	_ =	swait.ge [sflag:s4], $0x1000;
	s14 =	simm.s32 @!p0 $0x0  }
0x29: {  	[sflag:s4] =	ssyncset.done $0x0;
	s15 =	sshll.u32 s14, $0xC  }
0x2a: {  	[sflag:s4] =	ssyncadd.s32 $0xFFFFF000;
	s18 =	sor.u32 $0x10, s15  }
0x2b: {  	s14 =	smul.u32 $0x4080, s14;
	v1 =	vld [tilespmem:s18+$0x0]  }
0x2c: {  	s30 =	sand.u32 $0x1, s11;
	v0 =	vld [tilespmem:s18+$0xFFFFFFF0]  }
0x2d: {  	s15 =	smul.u32 $0x4080, s30;
	s14 =	sshrl.u32 s14, $0x2  }
0x2e: {  	s16 =	sor.u32 $0x2000, s14  }
0x2f: {  	s31 =	sshrl.u32 s15, $0x2;
	s15 =	sadd.s32 $0x0, s16  }
0x30: {  	s17 =	simm.s32 $0x4;
	s18 =	sadd.s32 $0x20, s18;
	s14 =	sor.u32 $0x2000, s31;
	[tilespmem:s15+$0x810 ss:$0x81] =	vst.msk $0xffff, v1  }
.LBB1_3:
0x31: {  	v1 =	vld [tilespmem:s18+$0x0];
	p1 =	sne.s32 s17, $0x1FC;
	[tilespmem:s15+$0x0 ss:$0x81] =	vst.msk $0xffff, v0;
	s15 =	smov.u32 s17;
	s17 =	sadd.s32 $0x4, s17  }
.Ltmp3:
0x32: {  	v0 =	vld [tilespmem:s18+$0xFFFFFFF0];
	(pc) =	sbr.rel @p1 .LBB1_3-.Ltmp3, $4  }
0x33: {  	_ = 	snop  }
0x34: {  	s15 =	sshra.s32 s15, $0x2  }
0x35: {  	s15 =	sadd.s32 s15, s16  }
0x36: {  	s18 =	sadd.s32 $0x20, s18;
	[tilespmem:s15+$0x810 ss:$0x81] =	vst.msk $0xffff, v1  }
.Ltmp4:
0x37: {  	_ = 	snop;
	(pc) =	sbr.rel .LBB1_4-.Ltmp4, $1  }
0x38: {  	_ =	sdelay $0x3  }
.LBB1_6:
0x39: {  	_ =	sfence.sel $0x180000  }
0x3a: {  	s2 =	simm.s32 $0x1;
	[bflag:$0x0] =	sbarrier.arrive $0xFFFF  }
0x3b: {  	s31 =	simm.s32 $0x2;
	[sflag:s2] =	ssyncpa.u1 $0x1  }
0x3c: {  	[sflag:s31] =	ssyncpa.u1 $0x1  }
0x3d: {  	p0 =	sne.s32 s0, $0x0;
	_ =	strace $0x9000004A  }
0x3e: {  	s0 =	sadd.s32 @!p0 $0x100000, s1;
	[bflag:$0x2] =	sbarrier.arrive $0xFFFF  }
0x3f: {  	[sflag:s0] =	ssyncadd.tile.s32 @!p0 $0x1;
	_ =	shalt  }
.Lfunc_end1:
_tile_overlayer_lowered:
.L_overlay_start_2:
0x40: {  	(tag) =	ssettag $0x2  }
0x41: {  	s0 =	rddreg [dreg:$0x0];
	s2 =	stileid.u32  }
0x42: {  	s1 =	rddreg [dreg:$0x1];
	p0 =	sne.s32 s2, $0x0  }
0x43: {  	s3 =	rddreg [dreg:$0x2];
	[bflag:$0x3] =	sbarrier.arrive $0xFFFF;
	s2 =	simm.s32 @!p0 $0x1C01  }
0x44: {  	[timem:s3], [sflag:s2] =	dma.local @!p0 [hbm:s0], s1  }
0x45: {  	s0 =	simm.s32 @!p0 $0x1  }
0x46: {  	_ =	swait.ge @!p0 [sflag:s0], s1  }
0x47: {  	s1 =	ssub.s32 @!p0 $0x0, s1;
	[sflag:s0] =	ssyncset.done @!p0 $0x0  }
0x48: {  	[sflag:s0] =	ssyncadd.s32 @!p0 s1  }
0x49: {  	[bflag:$0x3] =	sbarrier.arrive $0xFFFF  }
0x4a: {  	_ =	shalt  }

</sc_bundles>
